<compile_context>
chip_gen: v7x
topology: tpu7x:2x2x1
jax: 0.10.2.dev20260603
libtpu: 0.0.44.dev20260713+nightly
codegen_flags: <defaults>
</compile_context>

<pallas_src>
import functools

import jax
import jax.numpy as jnp
from jax import lax
from jax.experimental import pallas as pl
from jax.experimental.pallas import tpu as pltpu
from jax.experimental.pallas import tpu_sc as plsc

N_BINS = 256
OUT_DIM = 256
L = 16
NW = 32
B = 16 * 4096
B_W = B // NW
CHUNK = 64
NCH = B_W // CHUNK
PAD_LO = 8
PBINS = 288
NBUF = 2


def _sc_kernel():
    mesh = plsc.VectorSubcoreMesh(core_axis_name="c", subcore_axis_name="s")

    @functools.partial(
        pl.kernel,
        mesh=mesh,
        out_type=jax.ShapeDtypeStruct((B, OUT_DIM), jnp.float32),
        compiler_params=pltpu.CompilerParams(needs_layout_passes=False),
        scratch_types=[
            pltpu.VMEM((B_W // L, L), jnp.float32),
            pltpu.VMEM((PBINS,), jnp.float32),
            pltpu.VMEM((N_BINS, OUT_DIM), jnp.float32),
            pltpu.VMEM((NBUF * CHUNK, OUT_DIM), jnp.float32),
            pltpu.SemaphoreType.DMA,
            pltpu.SemaphoreType.DMA,
        ],
    )
    def k(x_hbm, bins_hbm, emb_hbm, out_hbm,
          xv, pbinsv, embv, bufv, ssem, wsem):
        wid = lax.axis_index("s") * 2 + lax.axis_index("c")
        base = wid * B_W

        stage = pltpu.async_copy(emb_hbm, embv, ssem)
        pltpu.sync_copy(x_hbm.at[wid], xv)

        pbinsv[pl.ds(0, L)] = jnp.full((L,), -1e38, jnp.float32)
        pbinsv[pl.ds(N_BINS, L)] = jnp.full((L,), 1e38, jnp.float32)
        pbinsv[pl.ds(N_BINS + L, L)] = jnp.full((L,), 1e38, jnp.float32)
        pltpu.sync_copy(bins_hbm, pbinsv.at[pl.ds(PAD_LO, N_BINS - 1)])

        f_lo = lax.bitcast_convert_type(
            pbinsv[pl.ds(PAD_LO, L)], jnp.int32).astype(jnp.float32)
        f_hi = lax.bitcast_convert_type(
            pbinsv[pl.ds(PAD_LO + 240, L)], jnp.int32).astype(jnp.float32)
        phi0 = jnp.full((L,), f_lo[0], jnp.float32)
        inv_s = jnp.full((L,), jnp.float32(N_BINS - 2), jnp.float32) / (
            jnp.full((L,), f_hi[14], jnp.float32) - phi0)

        def bucketize_row(r, _):
            xvec = xv[r]
            xi = lax.bitcast_convert_type(xvec, jnp.int32)
            gf = (xi.astype(jnp.float32) - phi0) * inv_s + 0.5
            gs = gf.astype(jnp.int32)
            gs = jnp.minimum(jnp.maximum(gs, 0), N_BINS - 1)
            cnt = gs - 3
            for kk in range(6):
                bv = plsc.load_gather(pbinsv, [gs + (PAD_LO - 3 + kk)])
                cnt = cnt + jnp.where(bv < xvec, 1, 0)
            xv[r] = lax.bitcast_convert_type(cnt, jnp.float32)
            return _

        lax.fori_loop(0, B_W // L, bucketize_row, None)
        stage.wait()

        def chunk_body(c, _):
            bslot = lax.rem(c, NBUF)

            @pl.when(c >= NBUF)
            def _wait():
                pltpu.make_async_copy(
                    bufv.at[pl.ds(bslot * CHUNK, CHUNK)],
                    out_hbm.at[pl.ds(base + c * CHUNK, CHUNK)],
                    wsem).wait()

            def group_body(g, _):
                vidx = lax.bitcast_convert_type(
                    xv[c * (CHUNK // L) + g], jnp.int32)
                dbase = bslot * CHUNK + g * L
                rows = [vidx[i] for i in range(L)]
                for i in range(L):
                    s = rows[i]
                    vals = [embv[s, pl.ds(t * L, L)]
                            for t in range(OUT_DIM // L)]
                    for t in range(OUT_DIM // L):
                        bufv[dbase + i, pl.ds(t * L, L)] = vals[t]
                return _

            lax.fori_loop(0, CHUNK // L, group_body, None)

            pltpu.async_copy(
                bufv.at[pl.ds(bslot * CHUNK, CHUNK)],
                out_hbm.at[pl.ds(base + c * CHUNK, CHUNK)],
                wsem)
            return _

        lax.fori_loop(0, NCH, chunk_body, None)

        for b in range(min(NBUF, NCH)):
            pltpu.make_async_copy(
                bufv.at[pl.ds(b * CHUNK, CHUNK)],
                out_hbm.at[pl.ds(base, CHUNK)],
                wsem).wait()

    return k


def kernel(x, energy_bins, emb):
    x3 = x.reshape(NW, B_W // L, L)
    out = _sc_kernel()(x3, energy_bins, emb)
    return out.reshape(x.shape[0], x.shape[1], OUT_DIM)

# --- scband reference (transcript-rebuilt; emitter-appended) ---
"""Pipeline reference for scband-loudness-encoder-30039001268456 (READ-ONLY COPY).

The authoritative reference and input builder live on the scoring server;
editing this copy changes nothing except your own understanding.
"""

import jax, jax.numpy as jnp
import numpy as np

N_BINS = 256
OUT_DIM = 256
LOUDNESS_MIN = 1e-30
LOUDNESS_MAX = 1.5


def setup_inputs(seed: int = 0) -> dict:
    key = jax.random.key(seed)
    k1, k2 = jax.random.split(key)
    # loudness values in [0, 1.5)
    x = jax.random.uniform(k1, (16, 4096), dtype=jnp.float32) * LOUDNESS_MAX
    # fixed (non-trainable) log-spaced bin boundaries, n_bins - 1 of them
    energy_bins = jnp.exp(
        jnp.linspace(np.log(LOUDNESS_MIN), np.log(LOUDNESS_MAX), N_BINS - 1)
    ).astype(jnp.float32)
    # embedding table: n_bins x output_dim
    emb = jax.random.normal(k2, (N_BINS, OUT_DIM), dtype=jnp.float32)
    return {"x": x, "energy_bins": energy_bins, "emb": emb}


def reference(x, energy_bins, emb):
    # torch.bucketize(x, boundaries, right=False) == searchsorted(boundaries, x, side='left')
    idx = jnp.searchsorted(energy_bins, x, side="left")
    # nn.Embedding lookup -> gather rows of the table
    return jnp.take(emb, idx, axis=0)

if __name__ == "__main__":
    import jax
    _d = setup_inputs()
    print(jax.jit(kernel)(*tuple(_d.values())))

</pallas_src>

<mosaic_0001>
#map = affine_map<(d0, d1) -> (0, 0, 0)>
#map1 = affine_map<(d0, d1) -> (0)>
#map2 = affine_map<(d0, d1) -> (0, 0)>
module attributes {stable_mosaic.version = 14 : i64} {
  func.func @k(%arg0: i32, %arg1: i32, %arg2: memref<32x128x16xf32, #tpu.memory_space<hbm>>, %arg3: memref<255xf32, #tpu.memory_space<hbm>>, %arg4: memref<256x256xf32, #tpu.memory_space<hbm>>, %arg5: memref<65536x256xf32, #tpu.memory_space<hbm>>, %arg6: memref<128x16xf32, #tpu.memory_space<vmem>>, %arg7: memref<288xf32, #tpu.memory_space<vmem>>, %arg8: memref<256x256xf32, #tpu.memory_space<vmem>>, %arg9: memref<128x256xf32, #tpu.memory_space<vmem>>, %arg10: memref<!tpu.dma_semaphore, #tpu.memory_space<semaphore_mem>>, %arg11: memref<!tpu.dma_semaphore, #tpu.memory_space<semaphore_mem>>) attributes {dimension_semantics = [#tpu.dimension_semantics<core_parallel>, #tpu.dimension_semantics<subcore_parallel>], iteration_bounds = array<i64: 2, 16>, scalar_prefetch = 0 : i64, scratch_operands = 6 : i64, tpu.core_type = #tpu.core_type<sc_vector_subcore>, window_params = [{transform_indices = #map}, {transform_indices = #map1}, {transform_indices = #map2}, {transform_indices = #map2}]} {
    %mul3A = arith.constant 2 : i32
    %mul3A_0 = arith.muli %arg1, %mul3A : i32
    %add3A = arith.addi %mul3A_0, %arg0 : i32
    %mul3A_1 = arith.constant 2048 : i32
    %mul3A_2 = arith.muli %add3A, %mul3A_1 : i32
    tpu.enqueue_dma source(%arg4 : memref<256x256xf32, #tpu.memory_space<hbm>>) target(%arg8 : memref<256x256xf32, #tpu.memory_space<vmem>>) target_semaphore(%arg10 : memref<!tpu.dma_semaphore, #tpu.memory_space<semaphore_mem>>)
    "tpu.region"() ({
      %run_scoped3A = tpu.sem_alloc : memref<!tpu.dma_semaphore, #tpu.memory_space<semaphore_mem>>
      %dma_start3A = arith.constant 0 : i32
      %dma_start3A_52 = arith.constant 0 : i32
      %dma_start3A_53 = tpu.memref_slice %arg2[%add3A, %dma_start3A, %dma_start3A_52] : memref<32x128x16xf32, #tpu.memory_space<hbm>> -> memref<1x128x16xf32, #tpu.memory_space<hbm>>
      %dma_start3A_54 = tpu.memref_squeeze %dma_start3A_53 : memref<1x128x16xf32, #tpu.memory_space<hbm>> -> memref<128x16xf32, #tpu.memory_space<hbm>>
      %dma_start3A_55 = arith.constant 0 : i32
      %dma_start3A_56 = arith.constant 0 : i32
      %dma_start3A_57 = tpu.memref_slice %arg2[%add3A, %dma_start3A_55, %dma_start3A_56] : memref<32x128x16xf32, #tpu.memory_space<hbm>> -> memref<1x128x16xf32, #tpu.memory_space<hbm>>
      %dma_start3A_58 = tpu.memref_squeeze %dma_start3A_57 : memref<1x128x16xf32, #tpu.memory_space<hbm>> -> memref<128x16xf32, #tpu.memory_space<hbm>>
      tpu.enqueue_dma source(%dma_start3A_58 : memref<128x16xf32, #tpu.memory_space<hbm>>) target(%arg6 : memref<128x16xf32, #tpu.memory_space<vmem>>) target_semaphore(%run_scoped3A : memref<!tpu.dma_semaphore, #tpu.memory_space<semaphore_mem>>)
      %dma_wait3A_59 = arith.constant 0 : i32
      %dma_wait3A_60 = arith.constant 0 : i32
      %dma_wait3A_61 = tpu.memref_slice %arg2[%add3A, %dma_wait3A_59, %dma_wait3A_60] : memref<32x128x16xf32, #tpu.memory_space<hbm>> -> memref<1x128x16xf32, #tpu.memory_space<hbm>>
      %dma_wait3A_62 = tpu.memref_squeeze %dma_wait3A_61 : memref<1x128x16xf32, #tpu.memory_space<hbm>> -> memref<128x16xf32, #tpu.memory_space<hbm>>
      %dma_wait3A_63 = arith.constant 0 : i32
      %dma_wait3A_64 = arith.constant 0 : i32
      %dma_wait3A_65 = tpu.memref_slice %arg2[%add3A, %dma_wait3A_63, %dma_wait3A_64] : memref<32x128x16xf32, #tpu.memory_space<hbm>> -> memref<1x128x16xf32, #tpu.memory_space<hbm>>
      %dma_wait3A_66 = tpu.memref_squeeze %dma_wait3A_65 : memref<1x128x16xf32, #tpu.memory_space<hbm>> -> memref<128x16xf32, #tpu.memory_space<hbm>>
      tpu.wait_dma2 semaphore(%run_scoped3A : memref<!tpu.dma_semaphore, #tpu.memory_space<semaphore_mem>>) src(%dma_wait3A_66 : memref<128x16xf32, #tpu.memory_space<hbm>>) dst(%arg6 : memref<128x16xf32, #tpu.memory_space<vmem>>)
      tpu.yield
    }) : () -> ()
    %broadcast_in_dim3A = arith.constant -9.99999968E+37 : f32
    %broadcast_in_dim3A_3 = vector.broadcast %broadcast_in_dim3A : f32 to vector<16xf32>
    %swap3A = arith.constant 0 : index
    %swap3A_4 = tpu.vector_load %arg7[%swap3A] {strides = array<i32>} : memref<288xf32, #tpu.memory_space<vmem>>, vector<16xf32>,
    tpu.vector_store %arg7[%swap3A], %broadcast_in_dim3A_3 {strides = array<i32>} : memref<288xf32, #tpu.memory_space<vmem>>, vector<16xf32>,
    %broadcast_in_dim3A_5 = arith.constant 9.99999968E+37 : f32
    %broadcast_in_dim3A_6 = vector.broadcast %broadcast_in_dim3A_5 : f32 to vector<16xf32>
    %swap3A_7 = arith.constant 256 : index
    %swap3A_8 = tpu.vector_load %arg7[%swap3A_7] {strides = array<i32>} : memref<288xf32, #tpu.memory_space<vmem>>, vector<16xf32>,
    tpu.vector_store %arg7[%swap3A_7], %broadcast_in_dim3A_6 {strides = array<i32>} : memref<288xf32, #tpu.memory_space<vmem>>, vector<16xf32>,
    %broadcast_in_dim3A_9 = arith.constant 9.99999968E+37 : f32
    %broadcast_in_dim3A_10 = vector.broadcast %broadcast_in_dim3A_9 : f32 to vector<16xf32>
    %swap3A_11 = arith.constant 272 : index
    %swap3A_12 = tpu.vector_load %arg7[%swap3A_11] {strides = array<i32>} : memref<288xf32, #tpu.memory_space<vmem>>, vector<16xf32>,
    tpu.vector_store %arg7[%swap3A_11], %broadcast_in_dim3A_10 {strides = array<i32>} : memref<288xf32, #tpu.memory_space<vmem>>, vector<16xf32>,
    "tpu.region"() ({
      %run_scoped3A = tpu.sem_alloc : memref<!tpu.dma_semaphore, #tpu.memory_space<semaphore_mem>>
      %dma_start3A = arith.constant 8 : i32
      %dma_start3A_52 = tpu.memref_slice %arg7[%dma_start3A] : memref<288xf32, #tpu.memory_space<vmem>> -> memref<255xf32, #tpu.memory_space<vmem>>
      %dma_start3A_53 = arith.constant 8 : i32
      %dma_start3A_54 = tpu.memref_slice %arg7[%dma_start3A_53] : memref<288xf32, #tpu.memory_space<vmem>> -> memref<255xf32, #tpu.memory_space<vmem>>
      tpu.enqueue_dma source(%arg3 : memref<255xf32, #tpu.memory_space<hbm>>) target(%dma_start3A_54 : memref<255xf32, #tpu.memory_space<vmem>>) target_semaphore(%run_scoped3A : memref<!tpu.dma_semaphore, #tpu.memory_space<semaphore_mem>>)
      %dma_wait3A_55 = arith.constant 8 : i32
      %dma_wait3A_56 = tpu.memref_slice %arg7[%dma_wait3A_55] : memref<288xf32, #tpu.memory_space<vmem>> -> memref<255xf32, #tpu.memory_space<vmem>>
      %dma_wait3A_57 = arith.constant 8 : i32
      %dma_wait3A_58 = tpu.memref_slice %arg7[%dma_wait3A_57] : memref<288xf32, #tpu.memory_space<vmem>> -> memref<255xf32, #tpu.memory_space<vmem>>
      tpu.wait_dma2 semaphore(%run_scoped3A : memref<!tpu.dma_semaphore, #tpu.memory_space<semaphore_mem>>) src(%arg3 : memref<255xf32, #tpu.memory_space<hbm>>) dst(%dma_wait3A_58 : memref<255xf32, #tpu.memory_space<vmem>>)
      tpu.yield
    }) : () -> ()
    %get3A = arith.constant 8 : index
    %get3A_13 = tpu.vector_load %arg7[%get3A] {strides = array<i32>} : memref<288xf32, #tpu.memory_space<vmem>>, vector<16xf32>,
    %bitcast_convert_type3A = tpu.bitcast %get3A_13 : vector<16xf32> -> vector<16xi32>
    %convert_element_type3A = arith.sitofp %bitcast_convert_type3A : vector<16xi32> to vector<16xf32>
    %get3A_14 = arith.constant 248 : index
    %get3A_15 = tpu.vector_load %arg7[%get3A_14] {strides = array<i32>} : memref<288xf32, #tpu.memory_space<vmem>>, vector<16xf32>,
    %bitcast_convert_type3A_16 = tpu.bitcast %get3A_15 : vector<16xf32> -> vector<16xi32>
    %convert_element_type3A_17 = arith.sitofp %bitcast_convert_type3A_16 : vector<16xi32> to vector<16xf32>
    %slice3A = vector.extract_strided_slice %convert_element_type3A {offsets = [0], sizes = [1], strides = [1]} : vector<16xf32> to vector<1xf32>
    %squeeze3A = vector.extract %slice3A[0] : f32 from vector<1xf32>
    %broadcast_in_dim3A_18 = vector.broadcast %squeeze3A : f32 to vector<16xf32>
    %broadcast_in_dim3A_19 = arith.constant 2.540000e+02 : f32
    %broadcast_in_dim3A_20 = vector.broadcast %broadcast_in_dim3A_19 : f32 to vector<16xf32>
    %slice3A_21 = vector.extract_strided_slice %convert_element_type3A_17 {offsets = [14], sizes = [1], strides = [1]} : vector<16xf32> to vector<1xf32>
    %squeeze3A_22 = vector.extract %slice3A_21[0] : f32 from vector<1xf32>
    %broadcast_in_dim3A_23 = vector.broadcast %squeeze3A_22 : f32 to vector<16xf32>
    %sub3A = arith.subf %broadcast_in_dim3A_23, %broadcast_in_dim3A_18 : vector<16xf32>
    %div3A = arith.divf %broadcast_in_dim3A_20, %sub3A : vector<16xf32>
    %scan3A = arith.constant 0 : i32
    %scan3A_24 = arith.constant 128 : i32
    %scan3A_25 = arith.addi %scan3A, %scan3A_24 : i32
    %scan3A_26 = arith.constant 1 : i32
    scf.for %scan3A_52 = %scan3A to %scan3A_25 step %scan3A_26  : i32 {
      %get3A_53 = arith.index_cast %scan3A_52 : i32 to index
      %get3A_54 = arith.constant 0 : index
      %get3A_55 = tpu.vector_load %arg6[%get3A_53, %get3A_54] {strides = array<i32>} : memref<128x16xf32, #tpu.memory_space<vmem>>, vector<16xf32>,
      %bitcast_convert_type3A_56 = tpu.bitcast %get3A_55 : vector<16xf32> -> vector<16xi32>
      %convert_element_type3A_57 = arith.sitofp %bitcast_convert_type3A_56 : vector<16xi32> to vector<16xf32>
      %sub3A_58 = arith.subf %convert_element_type3A_57, %broadcast_in_dim3A_18 : vector<16xf32>
      %mul3A_59 = arith.mulf %sub3A_58, %div3A : vector<16xf32>
      %add3A_60 = arith.constant 5.000000e-01 : f32
      %add3A_61 = vector.broadcast %add3A_60 : f32 to vector<16xf32>
      %add3A_62 = arith.addf %mul3A_59, %add3A_61 : vector<16xf32>
      %convert_element_type3A_63 = arith.fptosi %add3A_62 : vector<16xf32> to vector<16xi32>
      %max3A = arith.constant 0 : i32
      %max3A_64 = vector.broadcast %max3A : i32 to vector<16xi32>
      %max3A_65 = arith.maxsi %convert_element_type3A_63, %max3A_64 : vector<16xi32>
      %min3A = arith.constant 255 : i32
      %min3A_66 = vector.broadcast %min3A : i32 to vector<16xi32>
      %min3A_67 = arith.minsi %max3A_65, %min3A_66 : vector<16xi32>
      %sub3A_68 = arith.constant 3 : i32
      %sub3A_69 = vector.broadcast %sub3A_68 : i32 to vector<16xi32>
      %sub3A_70 = arith.subi %min3A_67, %sub3A_69 : vector<16xi32>
      %add3A_71 = arith.constant 5 : i32
      %add3A_72 = vector.broadcast %add3A_71 : i32 to vector<16xi32>
      %add3A_73 = arith.addi %min3A_67, %add3A_72 : vector<16xi32>
      %gather3A = tpu.vector_load_idx %arg7[%add3A_73] : memref<288xf32, #tpu.memory_space<vmem>>[vector<16xi32>], vector<16xf32>,
      %lt3A = arith.cmpf olt, %gather3A, %get3A_55 : vector<16xf32>
      %jit3A = arith.constant 1 : i32
      %jit3A_74 = arith.constant 0 : i32
      %broadcast_in_dim3A_75 = vector.broadcast %jit3A : i32 to vector<16xi32>
      %broadcast_in_dim3A_76 = vector.broadcast %jit3A_74 : i32 to vector<16xi32>
      %select_n3A = arith.select %lt3A, %broadcast_in_dim3A_75, %broadcast_in_dim3A_76 : vector<16xi1>, vector<16xi32>
      %add3A_77 = arith.addi %sub3A_70, %select_n3A : vector<16xi32>
      %add3A_78 = arith.constant 6 : i32
      %add3A_79 = vector.broadcast %add3A_78 : i32 to vector<16xi32>
      %add3A_80 = arith.addi %min3A_67, %add3A_79 : vector<16xi32>
      %gather3A_81 = tpu.vector_load_idx %arg7[%add3A_80] : memref<288xf32, #tpu.memory_space<vmem>>[vector<16xi32>], vector<16xf32>,
      %lt3A_82 = arith.cmpf olt, %gather3A_81, %get3A_55 : vector<16xf32>
      %jit3A_83 = arith.constant 1 : i32
      %jit3A_84 = arith.constant 0 : i32
      %broadcast_in_dim3A_85 = vector.broadcast %jit3A_83 : i32 to vector<16xi32>
      %broadcast_in_dim3A_86 = vector.broadcast %jit3A_84 : i32 to vector<16xi32>
      %select_n3A_87 = arith.select %lt3A_82, %broadcast_in_dim3A_85, %broadcast_in_dim3A_86 : vector<16xi1>, vector<16xi32>
      %add3A_88 = arith.addi %add3A_77, %select_n3A_87 : vector<16xi32>
      %add3A_89 = arith.constant 7 : i32
      %add3A_90 = vector.broadcast %add3A_89 : i32 to vector<16xi32>
      %add3A_91 = arith.addi %min3A_67, %add3A_90 : vector<16xi32>
      %gather3A_92 = tpu.vector_load_idx %arg7[%add3A_91] : memref<288xf32, #tpu.memory_space<vmem>>[vector<16xi32>], vector<16xf32>,
      %lt3A_93 = arith.cmpf olt, %gather3A_92, %get3A_55 : vector<16xf32>
      %jit3A_94 = arith.constant 1 : i32
      %jit3A_95 = arith.constant 0 : i32
      %broadcast_in_dim3A_96 = vector.broadcast %jit3A_94 : i32 to vector<16xi32>
      %broadcast_in_dim3A_97 = vector.broadcast %jit3A_95 : i32 to vector<16xi32>
      %select_n3A_98 = arith.select %lt3A_93, %broadcast_in_dim3A_96, %broadcast_in_dim3A_97 : vector<16xi1>, vector<16xi32>
      %add3A_99 = arith.addi %add3A_88, %select_n3A_98 : vector<16xi32>
      %add3A_100 = arith.constant 8 : i32
      %add3A_101 = vector.broadcast %add3A_100 : i32 to vector<16xi32>
      %add3A_102 = arith.addi %min3A_67, %add3A_101 : vector<16xi32>
      %gather3A_103 = tpu.vector_load_idx %arg7[%add3A_102] : memref<288xf32, #tpu.memory_space<vmem>>[vector<16xi32>], vector<16xf32>,
      %lt3A_104 = arith.cmpf olt, %gather3A_103, %get3A_55 : vector<16xf32>
      %jit3A_105 = arith.constant 1 : i32
      %jit3A_106 = arith.constant 0 : i32
      %broadcast_in_dim3A_107 = vector.broadcast %jit3A_105 : i32 to vector<16xi32>
      %broadcast_in_dim3A_108 = vector.broadcast %jit3A_106 : i32 to vector<16xi32>
      %select_n3A_109 = arith.select %lt3A_104, %broadcast_in_dim3A_107, %broadcast_in_dim3A_108 : vector<16xi1>, vector<16xi32>
      %add3A_110 = arith.addi %add3A_99, %select_n3A_109 : vector<16xi32>
      %add3A_111 = arith.constant 9 : i32
      %add3A_112 = vector.broadcast %add3A_111 : i32 to vector<16xi32>
      %add3A_113 = arith.addi %min3A_67, %add3A_112 : vector<16xi32>
      %gather3A_114 = tpu.vector_load_idx %arg7[%add3A_113] : memref<288xf32, #tpu.memory_space<vmem>>[vector<16xi32>], vector<16xf32>,
      %lt3A_115 = arith.cmpf olt, %gather3A_114, %get3A_55 : vector<16xf32>
      %jit3A_116 = arith.constant 1 : i32
      %jit3A_117 = arith.constant 0 : i32
      %broadcast_in_dim3A_118 = vector.broadcast %jit3A_116 : i32 to vector<16xi32>
      %broadcast_in_dim3A_119 = vector.broadcast %jit3A_117 : i32 to vector<16xi32>
      %select_n3A_120 = arith.select %lt3A_115, %broadcast_in_dim3A_118, %broadcast_in_dim3A_119 : vector<16xi1>, vector<16xi32>
      %add3A_121 = arith.addi %add3A_110, %select_n3A_120 : vector<16xi32>
      %add3A_122 = arith.constant 10 : i32
      %add3A_123 = vector.broadcast %add3A_122 : i32 to vector<16xi32>
      %add3A_124 = arith.addi %min3A_67, %add3A_123 : vector<16xi32>
      %gather3A_125 = tpu.vector_load_idx %arg7[%add3A_124] : memref<288xf32, #tpu.memory_space<vmem>>[vector<16xi32>], vector<16xf32>,
      %lt3A_126 = arith.cmpf olt, %gather3A_125, %get3A_55 : vector<16xf32>
      %jit3A_127 = arith.constant 1 : i32
      %jit3A_128 = arith.constant 0 : i32
      %broadcast_in_dim3A_129 = vector.broadcast %jit3A_127 : i32 to vector<16xi32>
      %broadcast_in_dim3A_130 = vector.broadcast %jit3A_128 : i32 to vector<16xi32>
      %select_n3A_131 = arith.select %lt3A_126, %broadcast_in_dim3A_129, %broadcast_in_dim3A_130 : vector<16xi1>, vector<16xi32>
      %add3A_132 = arith.addi %add3A_121, %select_n3A_131 : vector<16xi32>
      %bitcast_convert_type3A_133 = tpu.bitcast %add3A_132 : vector<16xi32> -> vector<16xf32>
      %swap3A_134 = arith.index_cast %scan3A_52 : i32 to index
      %swap3A_135 = arith.constant 0 : index
      %swap3A_136 = tpu.vector_load %arg6[%swap3A_134, %swap3A_135] {strides = array<i32>} : memref<128x16xf32, #tpu.memory_space<vmem>>, vector<16xf32>,
      tpu.vector_store %arg6[%swap3A_134, %swap3A_135], %bitcast_convert_type3A_133 {strides = array<i32>} : memref<128x16xf32, #tpu.memory_space<vmem>>, vector<16xf32>,
    }
    %scan3A_27 = arith.constant 128 : i32
    tpu.wait_dma2 semaphore(%arg10 : memref<!tpu.dma_semaphore, #tpu.memory_space<semaphore_mem>>) src(%arg4 : memref<256x256xf32, #tpu.memory_space<hbm>>) dst(%arg8 : memref<256x256xf32, #tpu.memory_space<vmem>>)
    %scan3A_28 = arith.constant 0 : i32
    %scan3A_29 = arith.constant 32 : i32
    %scan3A_30 = arith.addi %scan3A_28, %scan3A_29 : i32
    %scan3A_31 = arith.constant 1 : i32
    scf.for %scan3A_52 = %scan3A_28 to %scan3A_30 step %scan3A_31  : i32 {
      %rem3A = arith.constant 2 : i32
      %rem3A_53 = arith.remsi %scan3A_52, %rem3A : i32
      %ge3A = arith.constant 2 : i32
      %ge3A_54 = arith.cmpi sge, %scan3A_52, %ge3A : i32
      %convert_element_type3A_55 = arith.extui %ge3A_54 : i1 to i32
      %cond3A = arith.constant 0 : i32
      %cond3A_56 = arith.cmpi ne, %convert_element_type3A_55, %cond3A : i32
      scf.if %cond3A_56 {
        %mul3A_74 = arith.constant 64 : i32
        %mul3A_75 = arith.muli %rem3A_53, %mul3A_74 : i32
        %mul3A_76 = arith.constant 64 : i32
        %mul3A_77 = arith.muli %scan3A_52, %mul3A_76 : i32
        %add3A_78 = arith.addi %mul3A_2, %mul3A_77 : i32
        %dma_wait3A_79 = arith.constant 0 : i32
        %dma_wait3A_80 = tpu.memref_slice %arg9[%mul3A_75, %dma_wait3A_79] : memref<128x256xf32, #tpu.memory_space<vmem>> -> memref<64x256xf32, #tpu.memory_space<vmem>>
        %dma_wait3A_81 = arith.constant 0 : i32
        %dma_wait3A_82 = tpu.memref_slice %arg5[%add3A_78, %dma_wait3A_81] : memref<65536x256xf32, #tpu.memory_space<hbm>> -> memref<64x256xf32, #tpu.memory_space<hbm>>
        %dma_wait3A_83 = arith.constant 0 : i32
        %dma_wait3A_84 = tpu.memref_slice %arg5[%add3A_78, %dma_wait3A_83] : memref<65536x256xf32, #tpu.memory_space<hbm>> -> memref<64x256xf32, #tpu.memory_space<hbm>>
        %dma_wait3A_85 = arith.constant 0 : i32
        %dma_wait3A_86 = tpu.memref_slice %arg9[%mul3A_75, %dma_wait3A_85] : memref<128x256xf32, #tpu.memory_space<vmem>> -> memref<64x256xf32, #tpu.memory_space<vmem>>
        tpu.wait_dma2 semaphore(%arg11 : memref<!tpu.dma_semaphore, #tpu.memory_space<semaphore_mem>>) src(%dma_wait3A_86 : memref<64x256xf32, #tpu.memory_space<vmem>>) dst(%dma_wait3A_84 : memref<64x256xf32, #tpu.memory_space<hbm>>)
      } else {
      }
      %scan3A_57 = arith.constant 0 : i32
      %scan3A_58 = arith.constant 4 : i32
      %scan3A_59 = arith.addi %scan3A_57, %scan3A_58 : i32
      %scan3A_60 = arith.constant 1 : i32
      scf.for %scan3A_74 = %scan3A_57 to %scan3A_59 step %scan3A_60  : i32 {
        %mul3A_75 = arith.constant 4 : i32
        %mul3A_76 = arith.muli %scan3A_52, %mul3A_75 : i32
        %add3A_77 = arith.addi %mul3A_76, %scan3A_74 : i32
        %get3A_78 = arith.index_cast %add3A_77 : i32 to index
        %get3A_79 = arith.constant 0 : index
        %get3A_80 = tpu.vector_load %arg6[%get3A_78, %get3A_79] {strides = array<i32>} : memref<128x16xf32, #tpu.memory_space<vmem>>, vector<16xf32>,
        %bitcast_convert_type3A_81 = tpu.bitcast %get3A_80 : vector<16xf32> -> vector<16xi32>
        %mul3A_82 = arith.constant 64 : i32
        %mul3A_83 = arith.muli %rem3A_53, %mul3A_82 : i32
        %mul3A_84 = arith.constant 16 : i32
        %mul3A_85 = arith.muli %scan3A_74, %mul3A_84 : i32
        %add3A_86 = arith.addi %mul3A_83, %mul3A_85 : i32
        %slice3A_87 = vector.extract_strided_slice %bitcast_convert_type3A_81 {offsets = [0], sizes = [1], strides = [1]} : vector<16xi32> to vector<1xi32>
        %squeeze3A_88 = vector.extract %slice3A_87[0] : i32 from vector<1xi32>
        %slice3A_89 = vector.extract_strided_slice %bitcast_convert_type3A_81 {offsets = [1], sizes = [1], strides = [1]} : vector<16xi32> to vector<1xi32>
        %squeeze3A_90 = vector.extract %slice3A_89[0] : i32 from vector<1xi32>
        %slice3A_91 = vector.extract_strided_slice %bitcast_convert_type3A_81 {offsets = [2], sizes = [1], strides = [1]} : vector<16xi32> to vector<1xi32>
        %squeeze3A_92 = vector.extract %slice3A_91[0] : i32 from vector<1xi32>
        %slice3A_93 = vector.extract_strided_slice %bitcast_convert_type3A_81 {offsets = [3], sizes = [1], strides = [1]} : vector<16xi32> to vector<1xi32>
        %squeeze3A_94 = vector.extract %slice3A_93[0] : i32 from vector<1xi32>
        %slice3A_95 = vector.extract_strided_slice %bitcast_convert_type3A_81 {offsets = [4], sizes = [1], strides = [1]} : vector<16xi32> to vector<1xi32>
        %squeeze3A_96 = vector.extract %slice3A_95[0] : i32 from vector<1xi32>
        %slice3A_97 = vector.extract_strided_slice %bitcast_convert_type3A_81 {offsets = [5], sizes = [1], strides = [1]} : vector<16xi32> to vector<1xi32>
        %squeeze3A_98 = vector.extract %slice3A_97[0] : i32 from vector<1xi32>
        %slice3A_99 = vector.extract_strided_slice %bitcast_convert_type3A_81 {offsets = [6], sizes = [1], strides = [1]} : vector<16xi32> to vector<1xi32>
        %squeeze3A_100 = vector.extract %slice3A_99[0] : i32 from vector<1xi32>
        %slice3A_101 = vector.extract_strided_slice %bitcast_convert_type3A_81 {offsets = [7], sizes = [1], strides = [1]} : vector<16xi32> to vector<1xi32>
        %squeeze3A_102 = vector.extract %slice3A_101[0] : i32 from vector<1xi32>
        %slice3A_103 = vector.extract_strided_slice %bitcast_convert_type3A_81 {offsets = [8], sizes = [1], strides = [1]} : vector<16xi32> to vector<1xi32>
        %squeeze3A_104 = vector.extract %slice3A_103[0] : i32 from vector<1xi32>
        %slice3A_105 = vector.extract_strided_slice %bitcast_convert_type3A_81 {offsets = [9], sizes = [1], strides = [1]} : vector<16xi32> to vector<1xi32>
        %squeeze3A_106 = vector.extract %slice3A_105[0] : i32 from vector<1xi32>
        %slice3A_107 = vector.extract_strided_slice %bitcast_convert_type3A_81 {offsets = [10], sizes = [1], strides = [1]} : vector<16xi32> to vector<1xi32>
        %squeeze3A_108 = vector.extract %slice3A_107[0] : i32 from vector<1xi32>
        %slice3A_109 = vector.extract_strided_slice %bitcast_convert_type3A_81 {offsets = [11], sizes = [1], strides = [1]} : vector<16xi32> to vector<1xi32>
        %squeeze3A_110 = vector.extract %slice3A_109[0] : i32 from vector<1xi32>
        %slice3A_111 = vector.extract_strided_slice %bitcast_convert_type3A_81 {offsets = [12], sizes = [1], strides = [1]} : vector<16xi32> to vector<1xi32>
        %squeeze3A_112 = vector.extract %slice3A_111[0] : i32 from vector<1xi32>
        %slice3A_113 = vector.extract_strided_slice %bitcast_convert_type3A_81 {offsets = [13], sizes = [1], strides = [1]} : vector<16xi32> to vector<1xi32>
        %squeeze3A_114 = vector.extract %slice3A_113[0] : i32 from vector<1xi32>
        %slice3A_115 = vector.extract_strided_slice %bitcast_convert_type3A_81 {offsets = [14], sizes = [1], strides = [1]} : vector<16xi32> to vector<1xi32>
        %squeeze3A_116 = vector.extract %slice3A_115[0] : i32 from vector<1xi32>
        %slice3A_117 = vector.extract_strided_slice %bitcast_convert_type3A_81 {offsets = [15], sizes = [1], strides = [1]} : vector<16xi32> to vector<1xi32>
        %squeeze3A_118 = vector.extract %slice3A_117[0] : i32 from vector<1xi32>
        %get3A_119 = arith.index_cast %squeeze3A_88 : i32 to index
        %get3A_120 = arith.constant 0 : index
        %get3A_121 = tpu.vector_load %arg8[%get3A_119, %get3A_120] {strides = array<i32>} : memref<256x256xf32, #tpu.memory_space<vmem>>, vector<16xf32>,
        %get3A_122 = arith.index_cast %squeeze3A_88 : i32 to index
        %get3A_123 = arith.constant 16 : index
        %get3A_124 = tpu.vector_load %arg8[%get3A_122, %get3A_123] {strides = array<i32>} : memref<256x256xf32, #tpu.memory_space<vmem>>, vector<16xf32>,
        %get3A_125 = arith.index_cast %squeeze3A_88 : i32 to index
        %get3A_126 = arith.constant 32 : index
        %get3A_127 = tpu.vector_load %arg8[%get3A_125, %get3A_126] {strides = array<i32>} : memref<256x256xf32, #tpu.memory_space<vmem>>, vector<16xf32>,
        %get3A_128 = arith.index_cast %squeeze3A_88 : i32 to index
        %get3A_129 = arith.constant 48 : index
        %get3A_130 = tpu.vector_load %arg8[%get3A_128, %get3A_129] {strides = array<i32>} : memref<256x256xf32, #tpu.memory_space<vmem>>, vector<16xf32>,
        %get3A_131 = arith.index_cast %squeeze3A_88 : i32 to index
        %get3A_132 = arith.constant 64 : index
        %get3A_133 = tpu.vector_load %arg8[%get3A_131, %get3A_132] {strides = array<i32>} : memref<256x256xf32, #tpu.memory_space<vmem>>, vector<16xf32>,
        %get3A_134 = arith.index_cast %squeeze3A_88 : i32 to index
        %get3A_135 = arith.constant 80 : index
        %get3A_136 = tpu.vector_load %arg8[%get3A_134, %get3A_135] {strides = array<i32>} : memref<256x256xf32, #tpu.memory_space<vmem>>, vector<16xf32>,
        %get3A_137 = arith.index_cast %squeeze3A_88 : i32 to index
        %get3A_138 = arith.constant 96 : index
        %get3A_139 = tpu.vector_load %arg8[%get3A_137, %get3A_138] {strides = array<i32>} : memref<256x256xf32, #tpu.memory_space<vmem>>, vector<16xf32>,
        %get3A_140 = arith.index_cast %squeeze3A_88 : i32 to index
        %get3A_141 = arith.constant 112 : index
        %get3A_142 = tpu.vector_load %arg8[%get3A_140, %get3A_141] {strides = array<i32>} : memref<256x256xf32, #tpu.memory_space<vmem>>, vector<16xf32>,
        %get3A_143 = arith.index_cast %squeeze3A_88 : i32 to index
        %get3A_144 = arith.constant 128 : index
        %get3A_145 = tpu.vector_load %arg8[%get3A_143, %get3A_144] {strides = array<i32>} : memref<256x256xf32, #tpu.memory_space<vmem>>, vector<16xf32>,
        %get3A_146 = arith.index_cast %squeeze3A_88 : i32 to index
        %get3A_147 = arith.constant 144 : index
        %get3A_148 = tpu.vector_load %arg8[%get3A_146, %get3A_147] {strides = array<i32>} : memref<256x256xf32, #tpu.memory_space<vmem>>, vector<16xf32>,
        %get3A_149 = arith.index_cast %squeeze3A_88 : i32 to index
        %get3A_150 = arith.constant 160 : index
        %get3A_151 = tpu.vector_load %arg8[%get3A_149, %get3A_150] {strides = array<i32>} : memref<256x256xf32, #tpu.memory_space<vmem>>, vector<16xf32>,
        %get3A_152 = arith.index_cast %squeeze3A_88 : i32 to index
        %get3A_153 = arith.constant 176 : index
        %get3A_154 = tpu.vector_load %arg8[%get3A_152, %get3A_153] {strides = array<i32>} : memref<256x256xf32, #tpu.memory_space<vmem>>, vector<16xf32>,
        %get3A_155 = arith.index_cast %squeeze3A_88 : i32 to index
        %get3A_156 = arith.constant 192 : index
        %get3A_157 = tpu.vector_load %arg8[%get3A_155, %get3A_156] {strides = array<i32>} : memref<256x256xf32, #tpu.memory_space<vmem>>, vector<16xf32>,
        %get3A_158 = arith.index_cast %squeeze3A_88 : i32 to index
        %get3A_159 = arith.constant 208 : index
        %get3A_160 = tpu.vector_load %arg8[%get3A_158, %get3A_159] {strides = array<i32>} : memref<256x256xf32, #tpu.memory_space<vmem>>, vector<16xf32>,
        %get3A_161 = arith.index_cast %squeeze3A_88 : i32 to index
        %get3A_162 = arith.constant 224 : index
        %get3A_163 = tpu.vector_load %arg8[%get3A_161, %get3A_162] {strides = array<i32>} : memref<256x256xf32, #tpu.memory_space<vmem>>, vector<16xf32>,
        %get3A_164 = arith.index_cast %squeeze3A_88 : i32 to index
        %get3A_165 = arith.constant 240 : index
        %get3A_166 = tpu.vector_load %arg8[%get3A_164, %get3A_165] {strides = array<i32>} : memref<256x256xf32, #tpu.memory_space<vmem>>, vector<16xf32>,
        %add3A_167 = arith.constant 0 : i32
        %add3A_168 = arith.addi %add3A_86, %add3A_167 : i32
        %swap3A_169 = arith.index_cast %add3A_168 : i32 to index
        %swap3A_170 = arith.constant 0 : index
        %swap3A_171 = tpu.vector_load %arg9[%swap3A_169, %swap3A_170] {strides = array<i32>} : memref<128x256xf32, #tpu.memory_space<vmem>>, vector<16xf32>,
        tpu.vector_store %arg9[%swap3A_169, %swap3A_170], %get3A_121 {strides = array<i32>} : memref<128x256xf32, #tpu.memory_space<vmem>>, vector<16xf32>,
        %add3A_172 = arith.constant 0 : i32
        %add3A_173 = arith.addi %add3A_86, %add3A_172 : i32
        %swap3A_174 = arith.index_cast %add3A_173 : i32 to index
        %swap3A_175 = arith.constant 16 : index
        %swap3A_176 = tpu.vector_load %arg9[%swap3A_174, %swap3A_175] {strides = array<i32>} : memref<128x256xf32, #tpu.memory_space<vmem>>, vector<16xf32>,
        tpu.vector_store %arg9[%swap3A_174, %swap3A_175], %get3A_124 {strides = array<i32>} : memref<128x256xf32, #tpu.memory_space<vmem>>, vector<16xf32>,
        %add3A_177 = arith.constant 0 : i32
        %add3A_178 = arith.addi %add3A_86, %add3A_177 : i32
        %swap3A_179 = arith.index_cast %add3A_178 : i32 to index
        %swap3A_180 = arith.constant 32 : index
        %swap3A_181 = tpu.vector_load %arg9[%swap3A_179, %swap3A_180] {strides = array<i32>} : memref<128x256xf32, #tpu.memory_space<vmem>>, vector<16xf32>,
        tpu.vector_store %arg9[%swap3A_179, %swap3A_180], %get3A_127 {strides = array<i32>} : memref<128x256xf32, #tpu.memory_space<vmem>>, vector<16xf32>,
        %add3A_182 = arith.constant 0 : i32
        %add3A_183 = arith.addi %add3A_86, %add3A_182 : i32
        %swap3A_184 = arith.index_cast %add3A_183 : i32 to index
        %swap3A_185 = arith.constant 48 : index
        %swap3A_186 = tpu.vector_load %arg9[%swap3A_184, %swap3A_185] {strides = array<i32>} : memref<128x256xf32, #tpu.memory_space<vmem>>, vector<16xf32>,
        tpu.vector_store %arg9[%swap3A_184, %swap3A_185], %get3A_130 {strides = array<i32>} : memref<128x256xf32, #tpu.memory_space<vmem>>, vector<16xf32>,
        %add3A_187 = arith.constant 0 : i32
        %add3A_188 = arith.addi %add3A_86, %add3A_187 : i32
        %swap3A_189 = arith.index_cast %add3A_188 : i32 to index
        %swap3A_190 = arith.constant 64 : index
        %swap3A_191 = tpu.vector_load %arg9[%swap3A_189, %swap3A_190] {strides = array<i32>} : memref<128x256xf32, #tpu.memory_space<vmem>>, vector<16xf32>,
        tpu.vector_store %arg9[%swap3A_189, %swap3A_190], %get3A_133 {strides = array<i32>} : memref<128x256xf32, #tpu.memory_space<vmem>>, vector<16xf32>,
        %add3A_192 = arith.constant 0 : i32
        %add3A_193 = arith.addi %add3A_86, %add3A_192 : i32
        %swap3A_194 = arith.index_cast %add3A_193 : i32 to index
        %swap3A_195 = arith.constant 80 : index
        %swap3A_196 = tpu.vector_load %arg9[%swap3A_194, %swap3A_195] {strides = array<i32>} : memref<128x256xf32, #tpu.memory_space<vmem>>, vector<16xf32>,
        tpu.vector_store %arg9[%swap3A_194, %swap3A_195], %get3A_136 {strides = array<i32>} : memref<128x256xf32, #tpu.memory_space<vmem>>, vector<16xf32>,
        %add3A_197 = arith.constant 0 : i32
        %add3A_198 = arith.addi %add3A_86, %add3A_197 : i32
        %swap3A_199 = arith.index_cast %add3A_198 : i32 to index
        %swap3A_200 = arith.constant 96 : index
        %swap3A_201 = tpu.vector_load %arg9[%swap3A_199, %swap3A_200] {strides = array<i32>} : memref<128x256xf32, #tpu.memory_space<vmem>>, vector<16xf32>,
        tpu.vector_store %arg9[%swap3A_199, %swap3A_200], %get3A_139 {strides = array<i32>} : memref<128x256xf32, #tpu.memory_space<vmem>>, vector<16xf32>,
        %add3A_202 = arith.constant 0 : i32
        %add3A_203 = arith.addi %add3A_86, %add3A_202 : i32
        %swap3A_204 = arith.index_cast %add3A_203 : i32 to index
        %swap3A_205 = arith.constant 112 : index
        %swap3A_206 = tpu.vector_load %arg9[%swap3A_204, %swap3A_205] {strides = array<i32>} : memref<128x256xf32, #tpu.memory_space<vmem>>, vector<16xf32>,
        tpu.vector_store %arg9[%swap3A_204, %swap3A_205], %get3A_142 {strides = array<i32>} : memref<128x256xf32, #tpu.memory_space<vmem>>, vector<16xf32>,
        %add3A_207 = arith.constant 0 : i32
        %add3A_208 = arith.addi %add3A_86, %add3A_207 : i32
        %swap3A_209 = arith.index_cast %add3A_208 : i32 to index
        %swap3A_210 = arith.constant 128 : index
        %swap3A_211 = tpu.vector_load %arg9[%swap3A_209, %swap3A_210] {strides = array<i32>} : memref<128x256xf32, #tpu.memory_space<vmem>>, vector<16xf32>,
        tpu.vector_store %arg9[%swap3A_209, %swap3A_210], %get3A_145 {strides = array<i32>} : memref<128x256xf32, #tpu.memory_space<vmem>>, vector<16xf32>,
        %add3A_212 = arith.constant 0 : i32
        %add3A_213 = arith.addi %add3A_86, %add3A_212 : i32
        %swap3A_214 = arith.index_cast %add3A_213 : i32 to index
        %swap3A_215 = arith.constant 144 : index
        %swap3A_216 = tpu.vector_load %arg9[%swap3A_214, %swap3A_215] {strides = array<i32>} : memref<128x256xf32, #tpu.memory_space<vmem>>, vector<16xf32>,
        tpu.vector_store %arg9[%swap3A_214, %swap3A_215], %get3A_148 {strides = array<i32>} : memref<128x256xf32, #tpu.memory_space<vmem>>, vector<16xf32>,
        %add3A_217 = arith.constant 0 : i32
        %add3A_218 = arith.addi %add3A_86, %add3A_217 : i32
        %swap3A_219 = arith.index_cast %add3A_218 : i32 to index
        %swap3A_220 = arith.constant 160 : index
        %swap3A_221 = tpu.vector_load %arg9[%swap3A_219, %swap3A_220] {strides = array<i32>} : memref<128x256xf32, #tpu.memory_space<vmem>>, vector<16xf32>,
        tpu.vector_store %arg9[%swap3A_219, %swap3A_220], %get3A_151 {strides = array<i32>} : memref<128x256xf32, #tpu.memory_space<vmem>>, vector<16xf32>,
        %add3A_222 = arith.constant 0 : i32
        %add3A_223 = arith.addi %add3A_86, %add3A_222 : i32
        %swap3A_224 = arith.index_cast %add3A_223 : i32 to index
        %swap3A_225 = arith.constant 176 : index
        %swap3A_226 = tpu.vector_load %arg9[%swap3A_224, %swap3A_225] {strides = array<i32>} : memref<128x256xf32, #tpu.memory_space<vmem>>, vector<16xf32>,
        tpu.vector_store %arg9[%swap3A_224, %swap3A_225], %get3A_154 {strides = array<i32>} : memref<128x256xf32, #tpu.memory_space<vmem>>, vector<16xf32>,
        %add3A_227 = arith.constant 0 : i32
        %add3A_228 = arith.addi %add3A_86, %add3A_227 : i32
        %swap3A_229 = arith.index_cast %add3A_228 : i32 to index
        %swap3A_230 = arith.constant 192 : index
        %swap3A_231 = tpu.vector_load %arg9[%swap3A_229, %swap3A_230] {strides = array<i32>} : memref<128x256xf32, #tpu.memory_space<vmem>>, vector<16xf32>,
        tpu.vector_store %arg9[%swap3A_229, %swap3A_230], %get3A_157 {strides = array<i32>} : memref<128x256xf32, #tpu.memory_space<vmem>>, vector<16xf32>,
        %add3A_232 = arith.constant 0 : i32
        %add3A_233 = arith.addi %add3A_86, %add3A_232 : i32
        %swap3A_234 = arith.index_cast %add3A_233 : i32 to index
        %swap3A_235 = arith.constant 208 : index
        %swap3A_236 = tpu.vector_load %arg9[%swap3A_234, %swap3A_235] {strides = array<i32>} : memref<128x256xf32, #tpu.memory_space<vmem>>, vector<16xf32>,
        tpu.vector_store %arg9[%swap3A_234, %swap3A_235], %get3A_160 {strides = array<i32>} : memref<128x256xf32, #tpu.memory_space<vmem>>, vector<16xf32>,
        %add3A_237 = arith.constant 0 : i32
        %add3A_238 = arith.addi %add3A_86, %add3A_237 : i32
        %swap3A_239 = arith.index_cast %add3A_238 : i32 to index
        %swap3A_240 = arith.constant 224 : index
        %swap3A_241 = tpu.vector_load %arg9[%swap3A_239, %swap3A_240] {strides = array<i32>} : memref<128x256xf32, #tpu.memory_space<vmem>>, vector<16xf32>,
        tpu.vector_store %arg9[%swap3A_239, %swap3A_240], %get3A_163 {strides = array<i32>} : memref<128x256xf32, #tpu.memory_space<vmem>>, vector<16xf32>,
        %add3A_242 = arith.constant 0 : i32
        %add3A_243 = arith.addi %add3A_86, %add3A_242 : i32
        %swap3A_244 = arith.index_cast %add3A_243 : i32 to index
        %swap3A_245 = arith.constant 240 : index
        %swap3A_246 = tpu.vector_load %arg9[%swap3A_244, %swap3A_245] {strides = array<i32>} : memref<128x256xf32, #tpu.memory_space<vmem>>, vector<16xf32>,
        tpu.vector_store %arg9[%swap3A_244, %swap3A_245], %get3A_166 {strides = array<i32>} : memref<128x256xf32, #tpu.memory_space<vmem>>, vector<16xf32>,
        %get3A_247 = arith.index_cast %squeeze3A_90 : i32 to index
        %get3A_248 = arith.constant 0 : index
        %get3A_249 = tpu.vector_load %arg8[%get3A_247, %get3A_248] {strides = array<i32>} : memref<256x256xf32, #tpu.memory_space<vmem>>, vector<16xf32>,
        %get3A_250 = arith.index_cast %squeeze3A_90 : i32 to index
        %get3A_251 = arith.constant 16 : index
        %get3A_252 = tpu.vector_load %arg8[%get3A_250, %get3A_251] {strides = array<i32>} : memref<256x256xf32, #tpu.memory_space<vmem>>, vector<16xf32>,
        %get3A_253 = arith.index_cast %squeeze3A_90 : i32 to index
        %get3A_254 = arith.constant 32 : index
        %get3A_255 = tpu.vector_load %arg8[%get3A_253, %get3A_254] {strides = array<i32>} : memref<256x256xf32, #tpu.memory_space<vmem>>, vector<16xf32>,
        %get3A_256 = arith.index_cast %squeeze3A_90 : i32 to index
        %get3A_257 = arith.constant 48 : index
        %get3A_258 = tpu.vector_load %arg8[%get3A_256, %get3A_257] {strides = array<i32>} : memref<256x256xf32, #tpu.memory_space<vmem>>, vector<16xf32>,
        %get3A_259 = arith.index_cast %squeeze3A_90 : i32 to index
        %get3A_260 = arith.constant 64 : index
        %get3A_261 = tpu.vector_load %arg8[%get3A_259, %get3A_260] {strides = array<i32>} : memref<256x256xf32, #tpu.memory_space<vmem>>, vector<16xf32>,
        %get3A_262 = arith.index_cast %squeeze3A_90 : i32 to index
        %get3A_263 = arith.constant 80 : index
        %get3A_264 = tpu.vector_load %arg8[%get3A_262, %get3A_263] {strides = array<i32>} : memref<256x256xf32, #tpu.memory_space<vmem>>, vector<16xf32>,
        %get3A_265 = arith.index_cast %squeeze3A_90 : i32 to index
        %get3A_266 = arith.constant 96 : index
        %get3A_267 = tpu.vector_load %arg8[%get3A_265, %get3A_266] {strides = array<i32>} : memref<256x256xf32, #tpu.memory_space<vmem>>, vector<16xf32>,
        %get3A_268 = arith.index_cast %squeeze3A_90 : i32 to index
        %get3A_269 = arith.constant 112 : index
        %get3A_270 = tpu.vector_load %arg8[%get3A_268, %get3A_269] {strides = array<i32>} : memref<256x256xf32, #tpu.memory_space<vmem>>, vector<16xf32>,
        %get3A_271 = arith.index_cast %squeeze3A_90 : i32 to index
        %get3A_272 = arith.constant 128 : index
        %get3A_273 = tpu.vector_load %arg8[%get3A_271, %get3A_272] {strides = array<i32>} : memref<256x256xf32, #tpu.memory_space<vmem>>, vector<16xf32>,
        %get3A_274 = arith.index_cast %squeeze3A_90 : i32 to index
        %get3A_275 = arith.constant 144 : index
        %get3A_276 = tpu.vector_load %arg8[%get3A_274, %get3A_275] {strides = array<i32>} : memref<256x256xf32, #tpu.memory_space<vmem>>, vector<16xf32>,
        %get3A_277 = arith.index_cast %squeeze3A_90 : i32 to index
        %get3A_278 = arith.constant 160 : index
        %get3A_279 = tpu.vector_load %arg8[%get3A_277, %get3A_278] {strides = array<i32>} : memref<256x256xf32, #tpu.memory_space<vmem>>, vector<16xf32>,
        %get3A_280 = arith.index_cast %squeeze3A_90 : i32 to index
        %get3A_281 = arith.constant 176 : index
        %get3A_282 = tpu.vector_load %arg8[%get3A_280, %get3A_281] {strides = array<i32>} : memref<256x256xf32, #tpu.memory_space<vmem>>, vector<16xf32>,
        %get3A_283 = arith.index_cast %squeeze3A_90 : i32 to index
        %get3A_284 = arith.constant 192 : index
        %get3A_285 = tpu.vector_load %arg8[%get3A_283, %get3A_284] {strides = array<i32>} : memref<256x256xf32, #tpu.memory_space<vmem>>, vector<16xf32>,
        %get3A_286 = arith.index_cast %squeeze3A_90 : i32 to index
        %get3A_287 = arith.constant 208 : index
        %get3A_288 = tpu.vector_load %arg8[%get3A_286, %get3A_287] {strides = array<i32>} : memref<256x256xf32, #tpu.memory_space<vmem>>, vector<16xf32>,
        %get3A_289 = arith.index_cast %squeeze3A_90 : i32 to index
        %get3A_290 = arith.constant 224 : index
        %get3A_291 = tpu.vector_load %arg8[%get3A_289, %get3A_290] {strides = array<i32>} : memref<256x256xf32, #tpu.memory_space<vmem>>, vector<16xf32>,
        %get3A_292 = arith.index_cast %squeeze3A_90 : i32 to index
        %get3A_293 = arith.constant 240 : index
        %get3A_294 = tpu.vector_load %arg8[%get3A_292, %get3A_293] {strides = array<i32>} : memref<256x256xf32, #tpu.memory_space<vmem>>, vector<16xf32>,
        %add3A_295 = arith.constant 1 : i32
        %add3A_296 = arith.addi %add3A_86, %add3A_295 : i32
        %swap3A_297 = arith.index_cast %add3A_296 : i32 to index
        %swap3A_298 = arith.constant 0 : index
        %swap3A_299 = tpu.vector_load %arg9[%swap3A_297, %swap3A_298] {strides = array<i32>} : memref<128x256xf32, #tpu.memory_space<vmem>>, vector<16xf32>,
        tpu.vector_store %arg9[%swap3A_297, %swap3A_298], %get3A_249 {strides = array<i32>} : memref<128x256xf32, #tpu.memory_space<vmem>>, vector<16xf32>,
        %add3A_300 = arith.constant 1 : i32
        %add3A_301 = arith.addi %add3A_86, %add3A_300 : i32
        %swap3A_302 = arith.index_cast %add3A_301 : i32 to index
        %swap3A_303 = arith.constant 16 : index
        %swap3A_304 = tpu.vector_load %arg9[%swap3A_302, %swap3A_303] {strides = array<i32>} : memref<128x256xf32, #tpu.memory_space<vmem>>, vector<16xf32>,
        tpu.vector_store %arg9[%swap3A_302, %swap3A_303], %get3A_252 {strides = array<i32>} : memref<128x256xf32, #tpu.memory_space<vmem>>, vector<16xf32>,
        %add3A_305 = arith.constant 1 : i32
        %add3A_306 = arith.addi %add3A_86, %add3A_305 : i32
        %swap3A_307 = arith.index_cast %add3A_306 : i32 to index
        %swap3A_308 = arith.constant 32 : index
        %swap3A_309 = tpu.vector_load %arg9[%swap3A_307, %swap3A_308] {strides = array<i32>} : memref<128x256xf32, #tpu.memory_space<vmem>>, vector<16xf32>,
        tpu.vector_store %arg9[%swap3A_307, %swap3A_308], %get3A_255 {strides = array<i32>} : memref<128x256xf32, #tpu.memory_space<vmem>>, vector<16xf32>,
        %add3A_310 = arith.constant 1 : i32
        %add3A_311 = arith.addi %add3A_86, %add3A_310 : i32
        %swap3A_312 = arith.index_cast %add3A_311 : i32 to index
        %swap3A_313 = arith.constant 48 : index
        %swap3A_314 = tpu.vector_load %arg9[%swap3A_312, %swap3A_313] {strides = array<i32>} : memref<128x256xf32, #tpu.memory_space<vmem>>, vector<16xf32>,
        tpu.vector_store %arg9[%swap3A_312, %swap3A_313], %get3A_258 {strides = array<i32>} : memref<128x256xf32, #tpu.memory_space<vmem>>, vector<16xf32>,
        %add3A_315 = arith.constant 1 : i32
        %add3A_316 = arith.addi %add3A_86, %add3A_315 : i32
        %swap3A_317 = arith.index_cast %add3A_316 : i32 to index
        %swap3A_318 = arith.constant 64 : index
        %swap3A_319 = tpu.vector_load %arg9[%swap3A_317, %swap3A_318] {strides = array<i32>} : memref<128x256xf32, #tpu.memory_space<vmem>>, vector<16xf32>,
        tpu.vector_store %arg9[%swap3A_317, %swap3A_318], %get3A_261 {strides = array<i32>} : memref<128x256xf32, #tpu.memory_space<vmem>>, vector<16xf32>,
        %add3A_320 = arith.constant 1 : i32
        %add3A_321 = arith.addi %add3A_86, %add3A_320 : i32
        %swap3A_322 = arith.index_cast %add3A_321 : i32 to index
        %swap3A_323 = arith.constant 80 : index
        %swap3A_324 = tpu.vector_load %arg9[%swap3A_322, %swap3A_323] {strides = array<i32>} : memref<128x256xf32, #tpu.memory_space<vmem>>, vector<16xf32>,
        tpu.vector_store %arg9[%swap3A_322, %swap3A_323], %get3A_264 {strides = array<i32>} : memref<128x256xf32, #tpu.memory_space<vmem>>, vector<16xf32>,
        %add3A_325 = arith.constant 1 : i32
        %add3A_326 = arith.addi %add3A_86, %add3A_325 : i32
        %swap3A_327 = arith.index_cast %add3A_326 : i32 to index
        %swap3A_328 = arith.constant 96 : index
        %swap3A_329 = tpu.vector_load %arg9[%swap3A_327, %swap3A_328] {strides = array<i32>} : memref<128x256xf32, #tpu.memory_space<vmem>>, vector<16xf32>,
        tpu.vector_store %arg9[%swap3A_327, %swap3A_328], %get3A_267 {strides = array<i32>} : memref<128x256xf32, #tpu.memory_space<vmem>>, vector<16xf32>,
        %add3A_330 = arith.constant 1 : i32
        %add3A_331 = arith.addi %add3A_86, %add3A_330 : i32
        %swap3A_332 = arith.index_cast %add3A_331 : i32 to index
        %swap3A_333 = arith.constant 112 : index
        %swap3A_334 = tpu.vector_load %arg9[%swap3A_332, %swap3A_333] {strides = array<i32>} : memref<128x256xf32, #tpu.memory_space<vmem>>, vector<16xf32>,
        tpu.vector_store %arg9[%swap3A_332, %swap3A_333], %get3A_270 {strides = array<i32>} : memref<128x256xf32, #tpu.memory_space<vmem>>, vector<16xf32>,
        %add3A_335 = arith.constant 1 : i32
        %add3A_336 = arith.addi %add3A_86, %add3A_335 : i32
        %swap3A_337 = arith.index_cast %add3A_336 : i32 to index
        %swap3A_338 = arith.constant 128 : index
        %swap3A_339 = tpu.vector_load %arg9[%swap3A_337, %swap3A_338] {strides = array<i32>} : memref<128x256xf32, #tpu.memory_space<vmem>>, vector<16xf32>,
        tpu.vector_store %arg9[%swap3A_337, %swap3A_338], %get3A_273 {strides = array<i32>} : memref<128x256xf32, #tpu.memory_space<vmem>>, vector<16xf32>,
        %add3A_340 = arith.constant 1 : i32
        %add3A_341 = arith.addi %add3A_86, %add3A_340 : i32
        %swap3A_342 = arith.index_cast %add3A_341 : i32 to index
        %swap3A_343 = arith.constant 144 : index
        %swap3A_344 = tpu.vector_load %arg9[%swap3A_342, %swap3A_343] {strides = array<i32>} : memref<128x256xf32, #tpu.memory_space<vmem>>, vector<16xf32>,
        tpu.vector_store %arg9[%swap3A_342, %swap3A_343], %get3A_276 {strides = array<i32>} : memref<128x256xf32, #tpu.memory_space<vmem>>, vector<16xf32>,
        %add3A_345 = arith.constant 1 : i32
        %add3A_346 = arith.addi %add3A_86, %add3A_345 : i32
        %swap3A_347 = arith.index_cast %add3A_346 : i32 to index
        %swap3A_348 = arith.constant 160 : index
        %swap3A_349 = tpu.vector_load %arg9[%swap3A_347, %swap3A_348] {strides = array<i32>} : memref<128x256xf32, #tpu.memory_space<vmem>>, vector<16xf32>,
        tpu.vector_store %arg9[%swap3A_347, %swap3A_348], %get3A_279 {strides = array<i32>} : memref<128x256xf32, #tpu.memory_space<vmem>>, vector<16xf32>,
        %add3A_350 = arith.constant 1 : i32
        %add3A_351 = arith.addi %add3A_86, %add3A_350 : i32
        %swap3A_352 = arith.index_cast %add3A_351 : i32 to index
        %swap3A_353 = arith.constant 176 : index
        %swap3A_354 = tpu.vector_load %arg9[%swap3A_352, %swap3A_353] {strides = array<i32>} : memref<128x256xf32, #tpu.memory_space<vmem>>, vector<16xf32>,
        tpu.vector_store %arg9[%swap3A_352, %swap3A_353], %get3A_282 {strides = array<i32>} : memref<128x256xf32, #tpu.memory_space<vmem>>, vector<16xf32>,
        %add3A_355 = arith.constant 1 : i32
        %add3A_356 = arith.addi %add3A_86, %add3A_355 : i32
        %swap3A_357 = arith.index_cast %add3A_356 : i32 to index
        %swap3A_358 = arith.constant 192 : index
        %swap3A_359 = tpu.vector_load %arg9[%swap3A_357, %swap3A_358] {strides = array<i32>} : memref<128x256xf32, #tpu.memory_space<vmem>>, vector<16xf32>,
        tpu.vector_store %arg9[%swap3A_357, %swap3A_358], %get3A_285 {strides = array<i32>} : memref<128x256xf32, #tpu.memory_space<vmem>>, vector<16xf32>,
        %add3A_360 = arith.constant 1 : i32
        %add3A_361 = arith.addi %add3A_86, %add3A_360 : i32
        %swap3A_362 = arith.index_cast %add3A_361 : i32 to index
        %swap3A_363 = arith.constant 208 : index
        %swap3A_364 = tpu.vector_load %arg9[%swap3A_362, %swap3A_363] {strides = array<i32>} : memref<128x256xf32, #tpu.memory_space<vmem>>, vector<16xf32>,
        tpu.vector_store %arg9[%swap3A_362, %swap3A_363], %get3A_288 {strides = array<i32>} : memref<128x256xf32, #tpu.memory_space<vmem>>, vector<16xf32>,
        %add3A_365 = arith.constant 1 : i32
        %add3A_366 = arith.addi %add3A_86, %add3A_365 : i32
        %swap3A_367 = arith.index_cast %add3A_366 : i32 to index
        %swap3A_368 = arith.constant 224 : index
        %swap3A_369 = tpu.vector_load %arg9[%swap3A_367, %swap3A_368] {strides = array<i32>} : memref<128x256xf32, #tpu.memory_space<vmem>>, vector<16xf32>,
        tpu.vector_store %arg9[%swap3A_367, %swap3A_368], %get3A_291 {strides = array<i32>} : memref<128x256xf32, #tpu.memory_space<vmem>>, vector<16xf32>,
        %add3A_370 = arith.constant 1 : i32
        %add3A_371 = arith.addi %add3A_86, %add3A_370 : i32
        %swap3A_372 = arith.index_cast %add3A_371 : i32 to index
        %swap3A_373 = arith.constant 240 : index
        %swap3A_374 = tpu.vector_load %arg9[%swap3A_372, %swap3A_373] {strides = array<i32>} : memref<128x256xf32, #tpu.memory_space<vmem>>, vector<16xf32>,
        tpu.vector_store %arg9[%swap3A_372, %swap3A_373], %get3A_294 {strides = array<i32>} : memref<128x256xf32, #tpu.memory_space<vmem>>, vector<16xf32>,
        %get3A_375 = arith.index_cast %squeeze3A_92 : i32 to index
        %get3A_376 = arith.constant 0 : index
        %get3A_377 = tpu.vector_load %arg8[%get3A_375, %get3A_376] {strides = array<i32>} : memref<256x256xf32, #tpu.memory_space<vmem>>, vector<16xf32>,
        %get3A_378 = arith.index_cast %squeeze3A_92 : i32 to index
        %get3A_379 = arith.constant 16 : index
        %get3A_380 = tpu.vector_load %arg8[%get3A_378, %get3A_379] {strides = array<i32>} : memref<256x256xf32, #tpu.memory_space<vmem>>, vector<16xf32>,
        %get3A_381 = arith.index_cast %squeeze3A_92 : i32 to index
        %get3A_382 = arith.constant 32 : index
        %get3A_383 = tpu.vector_load %arg8[%get3A_381, %get3A_382] {strides = array<i32>} : memref<256x256xf32, #tpu.memory_space<vmem>>, vector<16xf32>,
        %get3A_384 = arith.index_cast %squeeze3A_92 : i32 to index
        %get3A_385 = arith.constant 48 : index
        %get3A_386 = tpu.vector_load %arg8[%get3A_384, %get3A_385] {strides = array<i32>} : memref<256x256xf32, #tpu.memory_space<vmem>>, vector<16xf32>,
        %get3A_387 = arith.index_cast %squeeze3A_92 : i32 to index
        %get3A_388 = arith.constant 64 : index
        %get3A_389 = tpu.vector_load %arg8[%get3A_387, %get3A_388] {strides = array<i32>} : memref<256x256xf32, #tpu.memory_space<vmem>>, vector<16xf32>,
        %get3A_390 = arith.index_cast %squeeze3A_92 : i32 to index
        %get3A_391 = arith.constant 80 : index
        %get3A_392 = tpu.vector_load %arg8[%get3A_390, %get3A_391] {strides = array<i32>} : memref<256x256xf32, #tpu.memory_space<vmem>>, vector<16xf32>,
        %get3A_393 = arith.index_cast %squeeze3A_92 : i32 to index
        %get3A_394 = arith.constant 96 : index
        %get3A_395 = tpu.vector_load %arg8[%get3A_393, %get3A_394] {strides = array<i32>} : memref<256x256xf32, #tpu.memory_space<vmem>>, vector<16xf32>,
        %get3A_396 = arith.index_cast %squeeze3A_92 : i32 to index
        %get3A_397 = arith.constant 112 : index
        %get3A_398 = tpu.vector_load %arg8[%get3A_396, %get3A_397] {strides = array<i32>} : memref<256x256xf32, #tpu.memory_space<vmem>>, vector<16xf32>,
        %get3A_399 = arith.index_cast %squeeze3A_92 : i32 to index
        %get3A_400 = arith.constant 128 : index
        %get3A_401 = tpu.vector_load %arg8[%get3A_399, %get3A_400] {strides = array<i32>} : memref<256x256xf32, #tpu.memory_space<vmem>>, vector<16xf32>,
        %get3A_402 = arith.index_cast %squeeze3A_92 : i32 to index
        %get3A_403 = arith.constant 144 : index
        %get3A_404 = tpu.vector_load %arg8[%get3A_402, %get3A_403] {strides = array<i32>} : memref<256x256xf32, #tpu.memory_space<vmem>>, vector<16xf32>,
        %get3A_405 = arith.index_cast %squeeze3A_92 : i32 to index
        %get3A_406 = arith.constant 160 : index
        %get3A_407 = tpu.vector_load %arg8[%get3A_405, %get3A_406] {strides = array<i32>} : memref<256x256xf32, #tpu.memory_space<vmem>>, vector<16xf32>,
        %get3A_408 = arith.index_cast %squeeze3A_92 : i32 to index
        %get3A_409 = arith.constant 176 : index
        %get3A_410 = tpu.vector_load %arg8[%get3A_408, %get3A_409] {strides = array<i32>} : memref<256x256xf32, #tpu.memory_space<vmem>>, vector<16xf32>,
        %get3A_411 = arith.index_cast %squeeze3A_92 : i32 to index
        %get3A_412 = arith.constant 192 : index
        %get3A_413 = tpu.vector_load %arg8[%get3A_411, %get3A_412] {strides = array<i32>} : memref<256x256xf32, #tpu.memory_space<vmem>>, vector<16xf32>,
        %get3A_414 = arith.index_cast %squeeze3A_92 : i32 to index
        %get3A_415 = arith.constant 208 : index
        %get3A_416 = tpu.vector_load %arg8[%get3A_414, %get3A_415] {strides = array<i32>} : memref<256x256xf32, #tpu.memory_space<vmem>>, vector<16xf32>,
        %get3A_417 = arith.index_cast %squeeze3A_92 : i32 to index
        %get3A_418 = arith.constant 224 : index
        %get3A_419 = tpu.vector_load %arg8[%get3A_417, %get3A_418] {strides = array<i32>} : memref<256x256xf32, #tpu.memory_space<vmem>>, vector<16xf32>,
        %get3A_420 = arith.index_cast %squeeze3A_92 : i32 to index
        %get3A_421 = arith.constant 240 : index
        %get3A_422 = tpu.vector_load %arg8[%get3A_420, %get3A_421] {strides = array<i32>} : memref<256x256xf32, #tpu.memory_space<vmem>>, vector<16xf32>,
        %add3A_423 = arith.constant 2 : i32
        %add3A_424 = arith.addi %add3A_86, %add3A_423 : i32
        %swap3A_425 = arith.index_cast %add3A_424 : i32 to index
        %swap3A_426 = arith.constant 0 : index
        %swap3A_427 = tpu.vector_load %arg9[%swap3A_425, %swap3A_426] {strides = array<i32>} : memref<128x256xf32, #tpu.memory_space<vmem>>, vector<16xf32>,
        tpu.vector_store %arg9[%swap3A_425, %swap3A_426], %get3A_377 {strides = array<i32>} : memref<128x256xf32, #tpu.memory_space<vmem>>, vector<16xf32>,
        %add3A_428 = arith.constant 2 : i32
        %add3A_429 = arith.addi %add3A_86, %add3A_428 : i32
        %swap3A_430 = arith.index_cast %add3A_429 : i32 to index
        %swap3A_431 = arith.constant 16 : index
        %swap3A_432 = tpu.vector_load %arg9[%swap3A_430, %swap3A_431] {strides = array<i32>} : memref<128x256xf32, #tpu.memory_space<vmem>>, vector<16xf32>,
        tpu.vector_store %arg9[%swap3A_430, %swap3A_431], %get3A_380 {strides = array<i32>} : memref<128x256xf32, #tpu.memory_space<vmem>>, vector<16xf32>,
        %add3A_433 = arith.constant 2 : i32
        %add3A_434 = arith.addi %add3A_86, %add3A_433 : i32
        %swap3A_435 = arith.index_cast %add3A_434 : i32 to index
        %swap3A_436 = arith.constant 32 : index
        %swap3A_437 = tpu.vector_load %arg9[%swap3A_435, %swap3A_436] {strides = array<i32>} : memref<128x256xf32, #tpu.memory_space<vmem>>, vector<16xf32>,
        tpu.vector_store %arg9[%swap3A_435, %swap3A_436], %get3A_383 {strides = array<i32>} : memref<128x256xf32, #tpu.memory_space<vmem>>, vector<16xf32>,
        %add3A_438 = arith.constant 2 : i32
        %add3A_439 = arith.addi %add3A_86, %add3A_438 : i32
        %swap3A_440 = arith.index_cast %add3A_439 : i32 to index
        %swap3A_441 = arith.constant 48 : index
        %swap3A_442 = tpu.vector_load %arg9[%swap3A_440, %swap3A_441] {strides = array<i32>} : memref<128x256xf32, #tpu.memory_space<vmem>>, vector<16xf32>,
        tpu.vector_store %arg9[%swap3A_440, %swap3A_441], %get3A_386 {strides = array<i32>} : memref<128x256xf32, #tpu.memory_space<vmem>>, vector<16xf32>,
        %add3A_443 = arith.constant 2 : i32
        %add3A_444 = arith.addi %add3A_86, %add3A_443 : i32
        %swap3A_445 = arith.index_cast %add3A_444 : i32 to index
        %swap3A_446 = arith.constant 64 : index
        %swap3A_447 = tpu.vector_load %arg9[%swap3A_445, %swap3A_446] {strides = array<i32>} : memref<128x256xf32, #tpu.memory_space<vmem>>, vector<16xf32>,
        tpu.vector_store %arg9[%swap3A_445, %swap3A_446], %get3A_389 {strides = array<i32>} : memref<128x256xf32, #tpu.memory_space<vmem>>, vector<16xf32>,
        %add3A_448 = arith.constant 2 : i32
        %add3A_449 = arith.addi %add3A_86, %add3A_448 : i32
        %swap3A_450 = arith.index_cast %add3A_449 : i32 to index
        %swap3A_451 = arith.constant 80 : index
        %swap3A_452 = tpu.vector_load %arg9[%swap3A_450, %swap3A_451] {strides = array<i32>} : memref<128x256xf32, #tpu.memory_space<vmem>>, vector<16xf32>,
        tpu.vector_store %arg9[%swap3A_450, %swap3A_451], %get3A_392 {strides = array<i32>} : memref<128x256xf32, #tpu.memory_space<vmem>>, vector<16xf32>,
        %add3A_453 = arith.constant 2 : i32
        %add3A_454 = arith.addi %add3A_86, %add3A_453 : i32
        %swap3A_455 = arith.index_cast %add3A_454 : i32 to index
        %swap3A_456 = arith.constant 96 : index
        %swap3A_457 = tpu.vector_load %arg9[%swap3A_455, %swap3A_456] {strides = array<i32>} : memref<128x256xf32, #tpu.memory_space<vmem>>, vector<16xf32>,
        tpu.vector_store %arg9[%swap3A_455, %swap3A_456], %get3A_395 {strides = array<i32>} : memref<128x256xf32, #tpu.memory_space<vmem>>, vector<16xf32>,
        %add3A_458 = arith.constant 2 : i32
        %add3A_459 = arith.addi %add3A_86, %add3A_458 : i32
        %swap3A_460 = arith.index_cast %add3A_459 : i32 to index
        %swap3A_461 = arith.constant 112 : index
        %swap3A_462 = tpu.vector_load %arg9[%swap3A_460, %swap3A_461] {strides = array<i32>} : memref<128x256xf32, #tpu.memory_space<vmem>>, vector<16xf32>,
        tpu.vector_store %arg9[%swap3A_460, %swap3A_461], %get3A_398 {strides = array<i32>} : memref<128x256xf32, #tpu.memory_space<vmem>>, vector<16xf32>,
        %add3A_463 = arith.constant 2 : i32
        %add3A_464 = arith.addi %add3A_86, %add3A_463 : i32
        %swap3A_465 = arith.index_cast %add3A_464 : i32 to index
        %swap3A_466 = arith.constant 128 : index
        %swap3A_467 = tpu.vector_load %arg9[%swap3A_465, %swap3A_466] {strides = array<i32>} : memref<128x256xf32, #tpu.memory_space<vmem>>, vector<16xf32>,
        tpu.vector_store %arg9[%swap3A_465, %swap3A_466], %get3A_401 {strides = array<i32>} : memref<128x256xf32, #tpu.memory_space<vmem>>, vector<16xf32>,
        %add3A_468 = arith.constant 2 : i32
        %add3A_469 = arith.addi %add3A_86, %add3A_468 : i32
        %swap3A_470 = arith.index_cast %add3A_469 : i32 to index
        %swap3A_471 = arith.constant 144 : index
        %swap3A_472 = tpu.vector_load %arg9[%swap3A_470, %swap3A_471] {strides = array<i32>} : memref<128x256xf32, #tpu.memory_space<vmem>>, vector<16xf32>,
        tpu.vector_store %arg9[%swap3A_470, %swap3A_471], %get3A_404 {strides = array<i32>} : memref<128x256xf32, #tpu.memory_space<vmem>>, vector<16xf32>,
        %add3A_473 = arith.constant 2 : i32
        %add3A_474 = arith.addi %add3A_86, %add3A_473 : i32
        %swap3A_475 = arith.index_cast %add3A_474 : i32 to index
        %swap3A_476 = arith.constant 160 : index
        %swap3A_477 = tpu.vector_load %arg9[%swap3A_475, %swap3A_476] {strides = array<i32>} : memref<128x256xf32, #tpu.memory_space<vmem>>, vector<16xf32>,
        tpu.vector_store %arg9[%swap3A_475, %swap3A_476], %get3A_407 {strides = array<i32>} : memref<128x256xf32, #tpu.memory_space<vmem>>, vector<16xf32>,
        %add3A_478 = arith.constant 2 : i32
        %add3A_479 = arith.addi %add3A_86, %add3A_478 : i32
        %swap3A_480 = arith.index_cast %add3A_479 : i32 to index
        %swap3A_481 = arith.constant 176 : index
        %swap3A_482 = tpu.vector_load %arg9[%swap3A_480, %swap3A_481] {strides = array<i32>} : memref<128x256xf32, #tpu.memory_space<vmem>>, vector<16xf32>,
        tpu.vector_store %arg9[%swap3A_480, %swap3A_481], %get3A_410 {strides = array<i32>} : memref<128x256xf32, #tpu.memory_space<vmem>>, vector<16xf32>,
        %add3A_483 = arith.constant 2 : i32
        %add3A_484 = arith.addi %add3A_86, %add3A_483 : i32
        %swap3A_485 = arith.index_cast %add3A_484 : i32 to index
        %swap3A_486 = arith.constant 192 : index
        %swap3A_487 = tpu.vector_load %arg9[%swap3A_485, %swap3A_486] {strides = array<i32>} : memref<128x256xf32, #tpu.memory_space<vmem>>, vector<16xf32>,
        tpu.vector_store %arg9[%swap3A_485, %swap3A_486], %get3A_413 {strides = array<i32>} : memref<128x256xf32, #tpu.memory_space<vmem>>, vector<16xf32>,
        %add3A_488 = arith.constant 2 : i32
        %add3A_489 = arith.addi %add3A_86, %add3A_488 : i32
        %swap3A_490 = arith.index_cast %add3A_489 : i32 to index
        %swap3A_491 = arith.constant 208 : index
        %swap3A_492 = tpu.vector_load %arg9[%swap3A_490, %swap3A_491] {strides = array<i32>} : memref<128x256xf32, #tpu.memory_space<vmem>>, vector<16xf32>,
        tpu.vector_store %arg9[%swap3A_490, %swap3A_491], %get3A_416 {strides = array<i32>} : memref<128x256xf32, #tpu.memory_space<vmem>>, vector<16xf32>,
        %add3A_493 = arith.constant 2 : i32
        %add3A_494 = arith.addi %add3A_86, %add3A_493 : i32
        %swap3A_495 = arith.index_cast %add3A_494 : i32 to index
        %swap3A_496 = arith.constant 224 : index
        %swap3A_497 = tpu.vector_load %arg9[%swap3A_495, %swap3A_496] {strides = array<i32>} : memref<128x256xf32, #tpu.memory_space<vmem>>, vector<16xf32>,
        tpu.vector_store %arg9[%swap3A_495, %swap3A_496], %get3A_419 {strides = array<i32>} : memref<128x256xf32, #tpu.memory_space<vmem>>, vector<16xf32>,
        %add3A_498 = arith.constant 2 : i32
        %add3A_499 = arith.addi %add3A_86, %add3A_498 : i32
        %swap3A_500 = arith.index_cast %add3A_499 : i32 to index
        %swap3A_501 = arith.constant 240 : index
        %swap3A_502 = tpu.vector_load %arg9[%swap3A_500, %swap3A_501] {strides = array<i32>} : memref<128x256xf32, #tpu.memory_space<vmem>>, vector<16xf32>,
        tpu.vector_store %arg9[%swap3A_500, %swap3A_501], %get3A_422 {strides = array<i32>} : memref<128x256xf32, #tpu.memory_space<vmem>>, vector<16xf32>,
        %get3A_503 = arith.index_cast %squeeze3A_94 : i32 to index
        %get3A_504 = arith.constant 0 : index
        %get3A_505 = tpu.vector_load %arg8[%get3A_503, %get3A_504] {strides = array<i32>} : memref<256x256xf32, #tpu.memory_space<vmem>>, vector<16xf32>,
        %get3A_506 = arith.index_cast %squeeze3A_94 : i32 to index
        %get3A_507 = arith.constant 16 : index
        %get3A_508 = tpu.vector_load %arg8[%get3A_506, %get3A_507] {strides = array<i32>} : memref<256x256xf32, #tpu.memory_space<vmem>>, vector<16xf32>,
        %get3A_509 = arith.index_cast %squeeze3A_94 : i32 to index
        %get3A_510 = arith.constant 32 : index
        %get3A_511 = tpu.vector_load %arg8[%get3A_509, %get3A_510] {strides = array<i32>} : memref<256x256xf32, #tpu.memory_space<vmem>>, vector<16xf32>,
        %get3A_512 = arith.index_cast %squeeze3A_94 : i32 to index
        %get3A_513 = arith.constant 48 : index
        %get3A_514 = tpu.vector_load %arg8[%get3A_512, %get3A_513] {strides = array<i32>} : memref<256x256xf32, #tpu.memory_space<vmem>>, vector<16xf32>,
        %get3A_515 = arith.index_cast %squeeze3A_94 : i32 to index
        %get3A_516 = arith.constant 64 : index
        %get3A_517 = tpu.vector_load %arg8[%get3A_515, %get3A_516] {strides = array<i32>} : memref<256x256xf32, #tpu.memory_space<vmem>>, vector<16xf32>,
        %get3A_518 = arith.index_cast %squeeze3A_94 : i32 to index
        %get3A_519 = arith.constant 80 : index
        %get3A_520 = tpu.vector_load %arg8[%get3A_518, %get3A_519] {strides = array<i32>} : memref<256x256xf32, #tpu.memory_space<vmem>>, vector<16xf32>,
        %get3A_521 = arith.index_cast %squeeze3A_94 : i32 to index
        %get3A_522 = arith.constant 96 : index
        %get3A_523 = tpu.vector_load %arg8[%get3A_521, %get3A_522] {strides = array<i32>} : memref<256x256xf32, #tpu.memory_space<vmem>>, vector<16xf32>,
        %get3A_524 = arith.index_cast %squeeze3A_94 : i32 to index
        %get3A_525 = arith.constant 112 : index
        %get3A_526 = tpu.vector_load %arg8[%get3A_524, %get3A_525] {strides = array<i32>} : memref<256x256xf32, #tpu.memory_space<vmem>>, vector<16xf32>,
        %get3A_527 = arith.index_cast %squeeze3A_94 : i32 to index
        %get3A_528 = arith.constant 128 : index
        %get3A_529 = tpu.vector_load %arg8[%get3A_527, %get3A_528] {strides = array<i32>} : memref<256x256xf32, #tpu.memory_space<vmem>>, vector<16xf32>,
        %get3A_530 = arith.index_cast %squeeze3A_94 : i32 to index
        %get3A_531 = arith.constant 144 : index
        %get3A_532 = tpu.vector_load %arg8[%get3A_530, %get3A_531] {strides = array<i32>} : memref<256x256xf32, #tpu.memory_space<vmem>>, vector<16xf32>,
        %get3A_533 = arith.index_cast %squeeze3A_94 : i32 to index
        %get3A_534 = arith.constant 160 : index
        %get3A_535 = tpu.vector_load %arg8[%get3A_533, %get3A_534] {strides = array<i32>} : memref<256x256xf32, #tpu.memory_space<vmem>>, vector<16xf32>,
        %get3A_536 = arith.index_cast %squeeze3A_94 : i32 to index
        %get3A_537 = arith.constant 176 : index
        %get3A_538 = tpu.vector_load %arg8[%get3A_536, %get3A_537] {strides = array<i32>} : memref<256x256xf32, #tpu.memory_space<vmem>>, vector<16xf32>,
        %get3A_539 = arith.index_cast %squeeze3A_94 : i32 to index
        %get3A_540 = arith.constant 192 : index
        %get3A_541 = tpu.vector_load %arg8[%get3A_539, %get3A_540] {strides = array<i32>} : memref<256x256xf32, #tpu.memory_space<vmem>>, vector<16xf32>,
        %get3A_542 = arith.index_cast %squeeze3A_94 : i32 to index
        %get3A_543 = arith.constant 208 : index
        %get3A_544 = tpu.vector_load %arg8[%get3A_542, %get3A_543] {strides = array<i32>} : memref<256x256xf32, #tpu.memory_space<vmem>>, vector<16xf32>,
        %get3A_545 = arith.index_cast %squeeze3A_94 : i32 to index
        %get3A_546 = arith.constant 224 : index
        %get3A_547 = tpu.vector_load %arg8[%get3A_545, %get3A_546] {strides = array<i32>} : memref<256x256xf32, #tpu.memory_space<vmem>>, vector<16xf32>,
        %get3A_548 = arith.index_cast %squeeze3A_94 : i32 to index
        %get3A_549 = arith.constant 240 : index
        %get3A_550 = tpu.vector_load %arg8[%get3A_548, %get3A_549] {strides = array<i32>} : memref<256x256xf32, #tpu.memory_space<vmem>>, vector<16xf32>,
        %add3A_551 = arith.constant 3 : i32
        %add3A_552 = arith.addi %add3A_86, %add3A_551 : i32
        %swap3A_553 = arith.index_cast %add3A_552 : i32 to index
        %swap3A_554 = arith.constant 0 : index
        %swap3A_555 = tpu.vector_load %arg9[%swap3A_553, %swap3A_554] {strides = array<i32>} : memref<128x256xf32, #tpu.memory_space<vmem>>, vector<16xf32>,
        tpu.vector_store %arg9[%swap3A_553, %swap3A_554], %get3A_505 {strides = array<i32>} : memref<128x256xf32, #tpu.memory_space<vmem>>, vector<16xf32>,
        %add3A_556 = arith.constant 3 : i32
        %add3A_557 = arith.addi %add3A_86, %add3A_556 : i32
        %swap3A_558 = arith.index_cast %add3A_557 : i32 to index
        %swap3A_559 = arith.constant 16 : index
        %swap3A_560 = tpu.vector_load %arg9[%swap3A_558, %swap3A_559] {strides = array<i32>} : memref<128x256xf32, #tpu.memory_space<vmem>>, vector<16xf32>,
        tpu.vector_store %arg9[%swap3A_558, %swap3A_559], %get3A_508 {strides = array<i32>} : memref<128x256xf32, #tpu.memory_space<vmem>>, vector<16xf32>,
        %add3A_561 = arith.constant 3 : i32
        %add3A_562 = arith.addi %add3A_86, %add3A_561 : i32
        %swap3A_563 = arith.index_cast %add3A_562 : i32 to index
        %swap3A_564 = arith.constant 32 : index
        %swap3A_565 = tpu.vector_load %arg9[%swap3A_563, %swap3A_564] {strides = array<i32>} : memref<128x256xf32, #tpu.memory_space<vmem>>, vector<16xf32>,
        tpu.vector_store %arg9[%swap3A_563, %swap3A_564], %get3A_511 {strides = array<i32>} : memref<128x256xf32, #tpu.memory_space<vmem>>, vector<16xf32>,
        %add3A_566 = arith.constant 3 : i32
        %add3A_567 = arith.addi %add3A_86, %add3A_566 : i32
        %swap3A_568 = arith.index_cast %add3A_567 : i32 to index
        %swap3A_569 = arith.constant 48 : index
        %swap3A_570 = tpu.vector_load %arg9[%swap3A_568, %swap3A_569] {strides = array<i32>} : memref<128x256xf32, #tpu.memory_space<vmem>>, vector<16xf32>,
        tpu.vector_store %arg9[%swap3A_568, %swap3A_569], %get3A_514 {strides = array<i32>} : memref<128x256xf32, #tpu.memory_space<vmem>>, vector<16xf32>,
        %add3A_571 = arith.constant 3 : i32
        %add3A_572 = arith.addi %add3A_86, %add3A_571 : i32
        %swap3A_573 = arith.index_cast %add3A_572 : i32 to index
        %swap3A_574 = arith.constant 64 : index
        %swap3A_575 = tpu.vector_load %arg9[%swap3A_573, %swap3A_574] {strides = array<i32>} : memref<128x256xf32, #tpu.memory_space<vmem>>, vector<16xf32>,
        tpu.vector_store %arg9[%swap3A_573, %swap3A_574], %get3A_517 {strides = array<i32>} : memref<128x256xf32, #tpu.memory_space<vmem>>, vector<16xf32>,
        %add3A_576 = arith.constant 3 : i32
        %add3A_577 = arith.addi %add3A_86, %add3A_576 : i32
        %swap3A_578 = arith.index_cast %add3A_577 : i32 to index
        %swap3A_579 = arith.constant 80 : index
        %swap3A_580 = tpu.vector_load %arg9[%swap3A_578, %swap3A_579] {strides = array<i32>} : memref<128x256xf32, #tpu.memory_space<vmem>>, vector<16xf32>,
        tpu.vector_store %arg9[%swap3A_578, %swap3A_579], %get3A_520 {strides = array<i32>} : memref<128x256xf32, #tpu.memory_space<vmem>>, vector<16xf32>,
        %add3A_581 = arith.constant 3 : i32
        %add3A_582 = arith.addi %add3A_86, %add3A_581 : i32
        %swap3A_583 = arith.index_cast %add3A_582 : i32 to index
        %swap3A_584 = arith.constant 96 : index
        %swap3A_585 = tpu.vector_load %arg9[%swap3A_583, %swap3A_584] {strides = array<i32>} : memref<128x256xf32, #tpu.memory_space<vmem>>, vector<16xf32>,
        tpu.vector_store %arg9[%swap3A_583, %swap3A_584], %get3A_523 {strides = array<i32>} : memref<128x256xf32, #tpu.memory_space<vmem>>, vector<16xf32>,
        %add3A_586 = arith.constant 3 : i32
        %add3A_587 = arith.addi %add3A_86, %add3A_586 : i32
        %swap3A_588 = arith.index_cast %add3A_587 : i32 to index
        %swap3A_589 = arith.constant 112 : index
        %swap3A_590 = tpu.vector_load %arg9[%swap3A_588, %swap3A_589] {strides = array<i32>} : memref<128x256xf32, #tpu.memory_space<vmem>>, vector<16xf32>,
        tpu.vector_store %arg9[%swap3A_588, %swap3A_589], %get3A_526 {strides = array<i32>} : memref<128x256xf32, #tpu.memory_space<vmem>>, vector<16xf32>,
        %add3A_591 = arith.constant 3 : i32
        %add3A_592 = arith.addi %add3A_86, %add3A_591 : i32
        %swap3A_593 = arith.index_cast %add3A_592 : i32 to index
        %swap3A_594 = arith.constant 128 : index
        %swap3A_595 = tpu.vector_load %arg9[%swap3A_593, %swap3A_594] {strides = array<i32>} : memref<128x256xf32, #tpu.memory_space<vmem>>, vector<16xf32>,
        tpu.vector_store %arg9[%swap3A_593, %swap3A_594], %get3A_529 {strides = array<i32>} : memref<128x256xf32, #tpu.memory_space<vmem>>, vector<16xf32>,
        %add3A_596 = arith.constant 3 : i32
        %add3A_597 = arith.addi %add3A_86, %add3A_596 : i32
        %swap3A_598 = arith.index_cast %add3A_597 : i32 to index
        %swap3A_599 = arith.constant 144 : index
        %swap3A_600 = tpu.vector_load %arg9[%swap3A_598, %swap3A_599] {strides = array<i32>} : memref<128x256xf32, #tpu.memory_space<vmem>>, vector<16xf32>,
        tpu.vector_store %arg9[%swap3A_598, %swap3A_599], %get3A_532 {strides = array<i32>} : memref<128x256xf32, #tpu.memory_space<vmem>>, vector<16xf32>,
        %add3A_601 = arith.constant 3 : i32
        %add3A_602 = arith.addi %add3A_86, %add3A_601 : i32
        %swap3A_603 = arith.index_cast %add3A_602 : i32 to index
        %swap3A_604 = arith.constant 160 : index
        %swap3A_605 = tpu.vector_load %arg9[%swap3A_603, %swap3A_604] {strides = array<i32>} : memref<128x256xf32, #tpu.memory_space<vmem>>, vector<16xf32>,
        tpu.vector_store %arg9[%swap3A_603, %swap3A_604], %get3A_535 {strides = array<i32>} : memref<128x256xf32, #tpu.memory_space<vmem>>, vector<16xf32>,
        %add3A_606 = arith.constant 3 : i32
        %add3A_607 = arith.addi %add3A_86, %add3A_606 : i32
        %swap3A_608 = arith.index_cast %add3A_607 : i32 to index
        %swap3A_609 = arith.constant 176 : index
        %swap3A_610 = tpu.vector_load %arg9[%swap3A_608, %swap3A_609] {strides = array<i32>} : memref<128x256xf32, #tpu.memory_space<vmem>>, vector<16xf32>,
        tpu.vector_store %arg9[%swap3A_608, %swap3A_609], %get3A_538 {strides = array<i32>} : memref<128x256xf32, #tpu.memory_space<vmem>>, vector<16xf32>,
        %add3A_611 = arith.constant 3 : i32
        %add3A_612 = arith.addi %add3A_86, %add3A_611 : i32
        %swap3A_613 = arith.index_cast %add3A_612 : i32 to index
        %swap3A_614 = arith.constant 192 : index
        %swap3A_615 = tpu.vector_load %arg9[%swap3A_613, %swap3A_614] {strides = array<i32>} : memref<128x256xf32, #tpu.memory_space<vmem>>, vector<16xf32>,
        tpu.vector_store %arg9[%swap3A_613, %swap3A_614], %get3A_541 {strides = array<i32>} : memref<128x256xf32, #tpu.memory_space<vmem>>, vector<16xf32>,
        %add3A_616 = arith.constant 3 : i32
        %add3A_617 = arith.addi %add3A_86, %add3A_616 : i32
        %swap3A_618 = arith.index_cast %add3A_617 : i32 to index
        %swap3A_619 = arith.constant 208 : index
        %swap3A_620 = tpu.vector_load %arg9[%swap3A_618, %swap3A_619] {strides = array<i32>} : memref<128x256xf32, #tpu.memory_space<vmem>>, vector<16xf32>,
        tpu.vector_store %arg9[%swap3A_618, %swap3A_619], %get3A_544 {strides = array<i32>} : memref<128x256xf32, #tpu.memory_space<vmem>>, vector<16xf32>,
        %add3A_621 = arith.constant 3 : i32
        %add3A_622 = arith.addi %add3A_86, %add3A_621 : i32
        %swap3A_623 = arith.index_cast %add3A_622 : i32 to index
        %swap3A_624 = arith.constant 224 : index
        %swap3A_625 = tpu.vector_load %arg9[%swap3A_623, %swap3A_624] {strides = array<i32>} : memref<128x256xf32, #tpu.memory_space<vmem>>, vector<16xf32>,
        tpu.vector_store %arg9[%swap3A_623, %swap3A_624], %get3A_547 {strides = array<i32>} : memref<128x256xf32, #tpu.memory_space<vmem>>, vector<16xf32>,
        %add3A_626 = arith.constant 3 : i32
        %add3A_627 = arith.addi %add3A_86, %add3A_626 : i32
        %swap3A_628 = arith.index_cast %add3A_627 : i32 to index
        %swap3A_629 = arith.constant 240 : index
        %swap3A_630 = tpu.vector_load %arg9[%swap3A_628, %swap3A_629] {strides = array<i32>} : memref<128x256xf32, #tpu.memory_space<vmem>>, vector<16xf32>,
        tpu.vector_store %arg9[%swap3A_628, %swap3A_629], %get3A_550 {strides = array<i32>} : memref<128x256xf32, #tpu.memory_space<vmem>>, vector<16xf32>,
        %get3A_631 = arith.index_cast %squeeze3A_96 : i32 to index
        %get3A_632 = arith.constant 0 : index
        %get3A_633 = tpu.vector_load %arg8[%get3A_631, %get3A_632] {strides = array<i32>} : memref<256x256xf32, #tpu.memory_space<vmem>>, vector<16xf32>,
        %get3A_634 = arith.index_cast %squeeze3A_96 : i32 to index
        %get3A_635 = arith.constant 16 : index
        %get3A_636 = tpu.vector_load %arg8[%get3A_634, %get3A_635] {strides = array<i32>} : memref<256x256xf32, #tpu.memory_space<vmem>>, vector<16xf32>,
        %get3A_637 = arith.index_cast %squeeze3A_96 : i32 to index
        %get3A_638 = arith.constant 32 : index
        %get3A_639 = tpu.vector_load %arg8[%get3A_637, %get3A_638] {strides = array<i32>} : memref<256x256xf32, #tpu.memory_space<vmem>>, vector<16xf32>,
        %get3A_640 = arith.index_cast %squeeze3A_96 : i32 to index
        %get3A_641 = arith.constant 48 : index
        %get3A_642 = tpu.vector_load %arg8[%get3A_640, %get3A_641] {strides = array<i32>} : memref<256x256xf32, #tpu.memory_space<vmem>>, vector<16xf32>,
        %get3A_643 = arith.index_cast %squeeze3A_96 : i32 to index
        %get3A_644 = arith.constant 64 : index
        %get3A_645 = tpu.vector_load %arg8[%get3A_643, %get3A_644] {strides = array<i32>} : memref<256x256xf32, #tpu.memory_space<vmem>>, vector<16xf32>,
        %get3A_646 = arith.index_cast %squeeze3A_96 : i32 to index
        %get3A_647 = arith.constant 80 : index
        %get3A_648 = tpu.vector_load %arg8[%get3A_646, %get3A_647] {strides = array<i32>} : memref<256x256xf32, #tpu.memory_space<vmem>>, vector<16xf32>,
        %get3A_649 = arith.index_cast %squeeze3A_96 : i32 to index
        %get3A_650 = arith.constant 96 : index
        %get3A_651 = tpu.vector_load %arg8[%get3A_649, %get3A_650] {strides = array<i32>} : memref<256x256xf32, #tpu.memory_space<vmem>>, vector<16xf32>,
        %get3A_652 = arith.index_cast %squeeze3A_96 : i32 to index
        %get3A_653 = arith.constant 112 : index
        %get3A_654 = tpu.vector_load %arg8[%get3A_652, %get3A_653] {strides = array<i32>} : memref<256x256xf32, #tpu.memory_space<vmem>>, vector<16xf32>,
        %get3A_655 = arith.index_cast %squeeze3A_96 : i32 to index
        %get3A_656 = arith.constant 128 : index
        %get3A_657 = tpu.vector_load %arg8[%get3A_655, %get3A_656] {strides = array<i32>} : memref<256x256xf32, #tpu.memory_space<vmem>>, vector<16xf32>,
        %get3A_658 = arith.index_cast %squeeze3A_96 : i32 to index
        %get3A_659 = arith.constant 144 : index
        %get3A_660 = tpu.vector_load %arg8[%get3A_658, %get3A_659] {strides = array<i32>} : memref<256x256xf32, #tpu.memory_space<vmem>>, vector<16xf32>,
        %get3A_661 = arith.index_cast %squeeze3A_96 : i32 to index
        %get3A_662 = arith.constant 160 : index
        %get3A_663 = tpu.vector_load %arg8[%get3A_661, %get3A_662] {strides = array<i32>} : memref<256x256xf32, #tpu.memory_space<vmem>>, vector<16xf32>,
        %get3A_664 = arith.index_cast %squeeze3A_96 : i32 to index
        %get3A_665 = arith.constant 176 : index
        %get3A_666 = tpu.vector_load %arg8[%get3A_664, %get3A_665] {strides = array<i32>} : memref<256x256xf32, #tpu.memory_space<vmem>>, vector<16xf32>,
        %get3A_667 = arith.index_cast %squeeze3A_96 : i32 to index
        %get3A_668 = arith.constant 192 : index
        %get3A_669 = tpu.vector_load %arg8[%get3A_667, %get3A_668] {strides = array<i32>} : memref<256x256xf32, #tpu.memory_space<vmem>>, vector<16xf32>,
        %get3A_670 = arith.index_cast %squeeze3A_96 : i32 to index
        %get3A_671 = arith.constant 208 : index
        %get3A_672 = tpu.vector_load %arg8[%get3A_670, %get3A_671] {strides = array<i32>} : memref<256x256xf32, #tpu.memory_space<vmem>>, vector<16xf32>,
        %get3A_673 = arith.index_cast %squeeze3A_96 : i32 to index
        %get3A_674 = arith.constant 224 : index
        %get3A_675 = tpu.vector_load %arg8[%get3A_673, %get3A_674] {strides = array<i32>} : memref<256x256xf32, #tpu.memory_space<vmem>>, vector<16xf32>,
        %get3A_676 = arith.index_cast %squeeze3A_96 : i32 to index
        %get3A_677 = arith.constant 240 : index
        %get3A_678 = tpu.vector_load %arg8[%get3A_676, %get3A_677] {strides = array<i32>} : memref<256x256xf32, #tpu.memory_space<vmem>>, vector<16xf32>,
        %add3A_679 = arith.constant 4 : i32
        %add3A_680 = arith.addi %add3A_86, %add3A_679 : i32
        %swap3A_681 = arith.index_cast %add3A_680 : i32 to index
        %swap3A_682 = arith.constant 0 : index
        %swap3A_683 = tpu.vector_load %arg9[%swap3A_681, %swap3A_682] {strides = array<i32>} : memref<128x256xf32, #tpu.memory_space<vmem>>, vector<16xf32>,
        tpu.vector_store %arg9[%swap3A_681, %swap3A_682], %get3A_633 {strides = array<i32>} : memref<128x256xf32, #tpu.memory_space<vmem>>, vector<16xf32>,
        %add3A_684 = arith.constant 4 : i32
        %add3A_685 = arith.addi %add3A_86, %add3A_684 : i32
        %swap3A_686 = arith.index_cast %add3A_685 : i32 to index
        %swap3A_687 = arith.constant 16 : index
        %swap3A_688 = tpu.vector_load %arg9[%swap3A_686, %swap3A_687] {strides = array<i32>} : memref<128x256xf32, #tpu.memory_space<vmem>>, vector<16xf32>,
        tpu.vector_store %arg9[%swap3A_686, %swap3A_687], %get3A_636 {strides = array<i32>} : memref<128x256xf32, #tpu.memory_space<vmem>>, vector<16xf32>,
        %add3A_689 = arith.constant 4 : i32
        %add3A_690 = arith.addi %add3A_86, %add3A_689 : i32
        %swap3A_691 = arith.index_cast %add3A_690 : i32 to index
        %swap3A_692 = arith.constant 32 : index
        %swap3A_693 = tpu.vector_load %arg9[%swap3A_691, %swap3A_692] {strides = array<i32>} : memref<128x256xf32, #tpu.memory_space<vmem>>, vector<16xf32>,
        tpu.vector_store %arg9[%swap3A_691, %swap3A_692], %get3A_639 {strides = array<i32>} : memref<128x256xf32, #tpu.memory_space<vmem>>, vector<16xf32>,
        %add3A_694 = arith.constant 4 : i32
        %add3A_695 = arith.addi %add3A_86, %add3A_694 : i32
        %swap3A_696 = arith.index_cast %add3A_695 : i32 to index
        %swap3A_697 = arith.constant 48 : index
        %swap3A_698 = tpu.vector_load %arg9[%swap3A_696, %swap3A_697] {strides = array<i32>} : memref<128x256xf32, #tpu.memory_space<vmem>>, vector<16xf32>,
        tpu.vector_store %arg9[%swap3A_696, %swap3A_697], %get3A_642 {strides = array<i32>} : memref<128x256xf32, #tpu.memory_space<vmem>>, vector<16xf32>,
        %add3A_699 = arith.constant 4 : i32
        %add3A_700 = arith.addi %add3A_86, %add3A_699 : i32
        %swap3A_701 = arith.index_cast %add3A_700 : i32 to index
        %swap3A_702 = arith.constant 64 : index
        %swap3A_703 = tpu.vector_load %arg9[%swap3A_701, %swap3A_702] {strides = array<i32>} : memref<128x256xf32, #tpu.memory_space<vmem>>, vector<16xf32>,
        tpu.vector_store %arg9[%swap3A_701, %swap3A_702], %get3A_645 {strides = array<i32>} : memref<128x256xf32, #tpu.memory_space<vmem>>, vector<16xf32>,
        %add3A_704 = arith.constant 4 : i32
        %add3A_705 = arith.addi %add3A_86, %add3A_704 : i32
        %swap3A_706 = arith.index_cast %add3A_705 : i32 to index
        %swap3A_707 = arith.constant 80 : index
        %swap3A_708 = tpu.vector_load %arg9[%swap3A_706, %swap3A_707] {strides = array<i32>} : memref<128x256xf32, #tpu.memory_space<vmem>>, vector<16xf32>,
        tpu.vector_store %arg9[%swap3A_706, %swap3A_707], %get3A_648 {strides = array<i32>} : memref<128x256xf32, #tpu.memory_space<vmem>>, vector<16xf32>,
        %add3A_709 = arith.constant 4 : i32
        %add3A_710 = arith.addi %add3A_86, %add3A_709 : i32
        %swap3A_711 = arith.index_cast %add3A_710 : i32 to index
        %swap3A_712 = arith.constant 96 : index
        %swap3A_713 = tpu.vector_load %arg9[%swap3A_711, %swap3A_712] {strides = array<i32>} : memref<128x256xf32, #tpu.memory_space<vmem>>, vector<16xf32>,
        tpu.vector_store %arg9[%swap3A_711, %swap3A_712], %get3A_651 {strides = array<i32>} : memref<128x256xf32, #tpu.memory_space<vmem>>, vector<16xf32>,
        %add3A_714 = arith.constant 4 : i32
        %add3A_715 = arith.addi %add3A_86, %add3A_714 : i32
        %swap3A_716 = arith.index_cast %add3A_715 : i32 to index
        %swap3A_717 = arith.constant 112 : index
        %swap3A_718 = tpu.vector_load %arg9[%swap3A_716, %swap3A_717] {strides = array<i32>} : memref<128x256xf32, #tpu.memory_space<vmem>>, vector<16xf32>,
        tpu.vector_store %arg9[%swap3A_716, %swap3A_717], %get3A_654 {strides = array<i32>} : memref<128x256xf32, #tpu.memory_space<vmem>>, vector<16xf32>,
        %add3A_719 = arith.constant 4 : i32
        %add3A_720 = arith.addi %add3A_86, %add3A_719 : i32
        %swap3A_721 = arith.index_cast %add3A_720 : i32 to index
        %swap3A_722 = arith.constant 128 : index
        %swap3A_723 = tpu.vector_load %arg9[%swap3A_721, %swap3A_722] {strides = array<i32>} : memref<128x256xf32, #tpu.memory_space<vmem>>, vector<16xf32>,
        tpu.vector_store %arg9[%swap3A_721, %swap3A_722], %get3A_657 {strides = array<i32>} : memref<128x256xf32, #tpu.memory_space<vmem>>, vector<16xf32>,
        %add3A_724 = arith.constant 4 : i32
        %add3A_725 = arith.addi %add3A_86, %add3A_724 : i32
        %swap3A_726 = arith.index_cast %add3A_725 : i32 to index
        %swap3A_727 = arith.constant 144 : index
        %swap3A_728 = tpu.vector_load %arg9[%swap3A_726, %swap3A_727] {strides = array<i32>} : memref<128x256xf32, #tpu.memory_space<vmem>>, vector<16xf32>,
        tpu.vector_store %arg9[%swap3A_726, %swap3A_727], %get3A_660 {strides = array<i32>} : memref<128x256xf32, #tpu.memory_space<vmem>>, vector<16xf32>,
        %add3A_729 = arith.constant 4 : i32
        %add3A_730 = arith.addi %add3A_86, %add3A_729 : i32
        %swap3A_731 = arith.index_cast %add3A_730 : i32 to index
        %swap3A_732 = arith.constant 160 : index
        %swap3A_733 = tpu.vector_load %arg9[%swap3A_731, %swap3A_732] {strides = array<i32>} : memref<128x256xf32, #tpu.memory_space<vmem>>, vector<16xf32>,
        tpu.vector_store %arg9[%swap3A_731, %swap3A_732], %get3A_663 {strides = array<i32>} : memref<128x256xf32, #tpu.memory_space<vmem>>, vector<16xf32>,
        %add3A_734 = arith.constant 4 : i32
        %add3A_735 = arith.addi %add3A_86, %add3A_734 : i32
        %swap3A_736 = arith.index_cast %add3A_735 : i32 to index
        %swap3A_737 = arith.constant 176 : index
        %swap3A_738 = tpu.vector_load %arg9[%swap3A_736, %swap3A_737] {strides = array<i32>} : memref<128x256xf32, #tpu.memory_space<vmem>>, vector<16xf32>,
        tpu.vector_store %arg9[%swap3A_736, %swap3A_737], %get3A_666 {strides = array<i32>} : memref<128x256xf32, #tpu.memory_space<vmem>>, vector<16xf32>,
        %add3A_739 = arith.constant 4 : i32
        %add3A_740 = arith.addi %add3A_86, %add3A_739 : i32
        %swap3A_741 = arith.index_cast %add3A_740 : i32 to index
        %swap3A_742 = arith.constant 192 : index
        %swap3A_743 = tpu.vector_load %arg9[%swap3A_741, %swap3A_742] {strides = array<i32>} : memref<128x256xf32, #tpu.memory_space<vmem>>, vector<16xf32>,
        tpu.vector_store %arg9[%swap3A_741, %swap3A_742], %get3A_669 {strides = array<i32>} : memref<128x256xf32, #tpu.memory_space<vmem>>, vector<16xf32>,
        %add3A_744 = arith.constant 4 : i32
        %add3A_745 = arith.addi %add3A_86, %add3A_744 : i32
        %swap3A_746 = arith.index_cast %add3A_745 : i32 to index
        %swap3A_747 = arith.constant 208 : index
        %swap3A_748 = tpu.vector_load %arg9[%swap3A_746, %swap3A_747] {strides = array<i32>} : memref<128x256xf32, #tpu.memory_space<vmem>>, vector<16xf32>,
        tpu.vector_store %arg9[%swap3A_746, %swap3A_747], %get3A_672 {strides = array<i32>} : memref<128x256xf32, #tpu.memory_space<vmem>>, vector<16xf32>,
        %add3A_749 = arith.constant 4 : i32
        %add3A_750 = arith.addi %add3A_86, %add3A_749 : i32
        %swap3A_751 = arith.index_cast %add3A_750 : i32 to index
        %swap3A_752 = arith.constant 224 : index
        %swap3A_753 = tpu.vector_load %arg9[%swap3A_751, %swap3A_752] {strides = array<i32>} : memref<128x256xf32, #tpu.memory_space<vmem>>, vector<16xf32>,
        tpu.vector_store %arg9[%swap3A_751, %swap3A_752], %get3A_675 {strides = array<i32>} : memref<128x256xf32, #tpu.memory_space<vmem>>, vector<16xf32>,
        %add3A_754 = arith.constant 4 : i32
        %add3A_755 = arith.addi %add3A_86, %add3A_754 : i32
        %swap3A_756 = arith.index_cast %add3A_755 : i32 to index
        %swap3A_757 = arith.constant 240 : index
        %swap3A_758 = tpu.vector_load %arg9[%swap3A_756, %swap3A_757] {strides = array<i32>} : memref<128x256xf32, #tpu.memory_space<vmem>>, vector<16xf32>,
        tpu.vector_store %arg9[%swap3A_756, %swap3A_757], %get3A_678 {strides = array<i32>} : memref<128x256xf32, #tpu.memory_space<vmem>>, vector<16xf32>,
        %get3A_759 = arith.index_cast %squeeze3A_98 : i32 to index
        %get3A_760 = arith.constant 0 : index
        %get3A_761 = tpu.vector_load %arg8[%get3A_759, %get3A_760] {strides = array<i32>} : memref<256x256xf32, #tpu.memory_space<vmem>>, vector<16xf32>,
        %get3A_762 = arith.index_cast %squeeze3A_98 : i32 to index
        %get3A_763 = arith.constant 16 : index
        %get3A_764 = tpu.vector_load %arg8[%get3A_762, %get3A_763] {strides = array<i32>} : memref<256x256xf32, #tpu.memory_space<vmem>>, vector<16xf32>,
        %get3A_765 = arith.index_cast %squeeze3A_98 : i32 to index
        %get3A_766 = arith.constant 32 : index
        %get3A_767 = tpu.vector_load %arg8[%get3A_765, %get3A_766] {strides = array<i32>} : memref<256x256xf32, #tpu.memory_space<vmem>>, vector<16xf32>,
        %get3A_768 = arith.index_cast %squeeze3A_98 : i32 to index
        %get3A_769 = arith.constant 48 : index
        %get3A_770 = tpu.vector_load %arg8[%get3A_768, %get3A_769] {strides = array<i32>} : memref<256x256xf32, #tpu.memory_space<vmem>>, vector<16xf32>,
        %get3A_771 = arith.index_cast %squeeze3A_98 : i32 to index
        %get3A_772 = arith.constant 64 : index
        %get3A_773 = tpu.vector_load %arg8[%get3A_771, %get3A_772] {strides = array<i32>} : memref<256x256xf32, #tpu.memory_space<vmem>>, vector<16xf32>,
        %get3A_774 = arith.index_cast %squeeze3A_98 : i32 to index
        %get3A_775 = arith.constant 80 : index
        %get3A_776 = tpu.vector_load %arg8[%get3A_774, %get3A_775] {strides = array<i32>} : memref<256x256xf32, #tpu.memory_space<vmem>>, vector<16xf32>,
        %get3A_777 = arith.index_cast %squeeze3A_98 : i32 to index
        %get3A_778 = arith.constant 96 : index
        %get3A_779 = tpu.vector_load %arg8[%get3A_777, %get3A_778] {strides = array<i32>} : memref<256x256xf32, #tpu.memory_space<vmem>>, vector<16xf32>,
        %get3A_780 = arith.index_cast %squeeze3A_98 : i32 to index
        %get3A_781 = arith.constant 112 : index
        %get3A_782 = tpu.vector_load %arg8[%get3A_780, %get3A_781] {strides = array<i32>} : memref<256x256xf32, #tpu.memory_space<vmem>>, vector<16xf32>,
        %get3A_783 = arith.index_cast %squeeze3A_98 : i32 to index
        %get3A_784 = arith.constant 128 : index
        %get3A_785 = tpu.vector_load %arg8[%get3A_783, %get3A_784] {strides = array<i32>} : memref<256x256xf32, #tpu.memory_space<vmem>>, vector<16xf32>,
        %get3A_786 = arith.index_cast %squeeze3A_98 : i32 to index
        %get3A_787 = arith.constant 144 : index
        %get3A_788 = tpu.vector_load %arg8[%get3A_786, %get3A_787] {strides = array<i32>} : memref<256x256xf32, #tpu.memory_space<vmem>>, vector<16xf32>,
        %get3A_789 = arith.index_cast %squeeze3A_98 : i32 to index
        %get3A_790 = arith.constant 160 : index
        %get3A_791 = tpu.vector_load %arg8[%get3A_789, %get3A_790] {strides = array<i32>} : memref<256x256xf32, #tpu.memory_space<vmem>>, vector<16xf32>,
        %get3A_792 = arith.index_cast %squeeze3A_98 : i32 to index
        %get3A_793 = arith.constant 176 : index
        %get3A_794 = tpu.vector_load %arg8[%get3A_792, %get3A_793] {strides = array<i32>} : memref<256x256xf32, #tpu.memory_space<vmem>>, vector<16xf32>,
        %get3A_795 = arith.index_cast %squeeze3A_98 : i32 to index
        %get3A_796 = arith.constant 192 : index
        %get3A_797 = tpu.vector_load %arg8[%get3A_795, %get3A_796] {strides = array<i32>} : memref<256x256xf32, #tpu.memory_space<vmem>>, vector<16xf32>,
        %get3A_798 = arith.index_cast %squeeze3A_98 : i32 to index
        %get3A_799 = arith.constant 208 : index
        %get3A_800 = tpu.vector_load %arg8[%get3A_798, %get3A_799] {strides = array<i32>} : memref<256x256xf32, #tpu.memory_space<vmem>>, vector<16xf32>,
        %get3A_801 = arith.index_cast %squeeze3A_98 : i32 to index
        %get3A_802 = arith.constant 224 : index
        %get3A_803 = tpu.vector_load %arg8[%get3A_801, %get3A_802] {strides = array<i32>} : memref<256x256xf32, #tpu.memory_space<vmem>>, vector<16xf32>,
        %get3A_804 = arith.index_cast %squeeze3A_98 : i32 to index
        %get3A_805 = arith.constant 240 : index
        %get3A_806 = tpu.vector_load %arg8[%get3A_804, %get3A_805] {strides = array<i32>} : memref<256x256xf32, #tpu.memory_space<vmem>>, vector<16xf32>,
        %add3A_807 = arith.constant 5 : i32
        %add3A_808 = arith.addi %add3A_86, %add3A_807 : i32
        %swap3A_809 = arith.index_cast %add3A_808 : i32 to index
        %swap3A_810 = arith.constant 0 : index
        %swap3A_811 = tpu.vector_load %arg9[%swap3A_809, %swap3A_810] {strides = array<i32>} : memref<128x256xf32, #tpu.memory_space<vmem>>, vector<16xf32>,
        tpu.vector_store %arg9[%swap3A_809, %swap3A_810], %get3A_761 {strides = array<i32>} : memref<128x256xf32, #tpu.memory_space<vmem>>, vector<16xf32>,
        %add3A_812 = arith.constant 5 : i32
        %add3A_813 = arith.addi %add3A_86, %add3A_812 : i32
        %swap3A_814 = arith.index_cast %add3A_813 : i32 to index
        %swap3A_815 = arith.constant 16 : index
        %swap3A_816 = tpu.vector_load %arg9[%swap3A_814, %swap3A_815] {strides = array<i32>} : memref<128x256xf32, #tpu.memory_space<vmem>>, vector<16xf32>,
        tpu.vector_store %arg9[%swap3A_814, %swap3A_815], %get3A_764 {strides = array<i32>} : memref<128x256xf32, #tpu.memory_space<vmem>>, vector<16xf32>,
        %add3A_817 = arith.constant 5 : i32
        %add3A_818 = arith.addi %add3A_86, %add3A_817 : i32
        %swap3A_819 = arith.index_cast %add3A_818 : i32 to index
        %swap3A_820 = arith.constant 32 : index
        %swap3A_821 = tpu.vector_load %arg9[%swap3A_819, %swap3A_820] {strides = array<i32>} : memref<128x256xf32, #tpu.memory_space<vmem>>, vector<16xf32>,
        tpu.vector_store %arg9[%swap3A_819, %swap3A_820], %get3A_767 {strides = array<i32>} : memref<128x256xf32, #tpu.memory_space<vmem>>, vector<16xf32>,
        %add3A_822 = arith.constant 5 : i32
        %add3A_823 = arith.addi %add3A_86, %add3A_822 : i32
        %swap3A_824 = arith.index_cast %add3A_823 : i32 to index
        %swap3A_825 = arith.constant 48 : index
        %swap3A_826 = tpu.vector_load %arg9[%swap3A_824, %swap3A_825] {strides = array<i32>} : memref<128x256xf32, #tpu.memory_space<vmem>>, vector<16xf32>,
        tpu.vector_store %arg9[%swap3A_824, %swap3A_825], %get3A_770 {strides = array<i32>} : memref<128x256xf32, #tpu.memory_space<vmem>>, vector<16xf32>,
        %add3A_827 = arith.constant 5 : i32
        %add3A_828 = arith.addi %add3A_86, %add3A_827 : i32
        %swap3A_829 = arith.index_cast %add3A_828 : i32 to index
        %swap3A_830 = arith.constant 64 : index
        %swap3A_831 = tpu.vector_load %arg9[%swap3A_829, %swap3A_830] {strides = array<i32>} : memref<128x256xf32, #tpu.memory_space<vmem>>, vector<16xf32>,
        tpu.vector_store %arg9[%swap3A_829, %swap3A_830], %get3A_773 {strides = array<i32>} : memref<128x256xf32, #tpu.memory_space<vmem>>, vector<16xf32>,
        %add3A_832 = arith.constant 5 : i32
        %add3A_833 = arith.addi %add3A_86, %add3A_832 : i32
        %swap3A_834 = arith.index_cast %add3A_833 : i32 to index
        %swap3A_835 = arith.constant 80 : index
        %swap3A_836 = tpu.vector_load %arg9[%swap3A_834, %swap3A_835] {strides = array<i32>} : memref<128x256xf32, #tpu.memory_space<vmem>>, vector<16xf32>,
        tpu.vector_store %arg9[%swap3A_834, %swap3A_835], %get3A_776 {strides = array<i32>} : memref<128x256xf32, #tpu.memory_space<vmem>>, vector<16xf32>,
        %add3A_837 = arith.constant 5 : i32
        %add3A_838 = arith.addi %add3A_86, %add3A_837 : i32
        %swap3A_839 = arith.index_cast %add3A_838 : i32 to index
        %swap3A_840 = arith.constant 96 : index
        %swap3A_841 = tpu.vector_load %arg9[%swap3A_839, %swap3A_840] {strides = array<i32>} : memref<128x256xf32, #tpu.memory_space<vmem>>, vector<16xf32>,
        tpu.vector_store %arg9[%swap3A_839, %swap3A_840], %get3A_779 {strides = array<i32>} : memref<128x256xf32, #tpu.memory_space<vmem>>, vector<16xf32>,
        %add3A_842 = arith.constant 5 : i32
        %add3A_843 = arith.addi %add3A_86, %add3A_842 : i32
        %swap3A_844 = arith.index_cast %add3A_843 : i32 to index
        %swap3A_845 = arith.constant 112 : index
        %swap3A_846 = tpu.vector_load %arg9[%swap3A_844, %swap3A_845] {strides = array<i32>} : memref<128x256xf32, #tpu.memory_space<vmem>>, vector<16xf32>,
        tpu.vector_store %arg9[%swap3A_844, %swap3A_845], %get3A_782 {strides = array<i32>} : memref<128x256xf32, #tpu.memory_space<vmem>>, vector<16xf32>,
        %add3A_847 = arith.constant 5 : i32
        %add3A_848 = arith.addi %add3A_86, %add3A_847 : i32
        %swap3A_849 = arith.index_cast %add3A_848 : i32 to index
        %swap3A_850 = arith.constant 128 : index
        %swap3A_851 = tpu.vector_load %arg9[%swap3A_849, %swap3A_850] {strides = array<i32>} : memref<128x256xf32, #tpu.memory_space<vmem>>, vector<16xf32>,
        tpu.vector_store %arg9[%swap3A_849, %swap3A_850], %get3A_785 {strides = array<i32>} : memref<128x256xf32, #tpu.memory_space<vmem>>, vector<16xf32>,
        %add3A_852 = arith.constant 5 : i32
        %add3A_853 = arith.addi %add3A_86, %add3A_852 : i32
        %swap3A_854 = arith.index_cast %add3A_853 : i32 to index
        %swap3A_855 = arith.constant 144 : index
        %swap3A_856 = tpu.vector_load %arg9[%swap3A_854, %swap3A_855] {strides = array<i32>} : memref<128x256xf32, #tpu.memory_space<vmem>>, vector<16xf32>,
        tpu.vector_store %arg9[%swap3A_854, %swap3A_855], %get3A_788 {strides = array<i32>} : memref<128x256xf32, #tpu.memory_space<vmem>>, vector<16xf32>,
        %add3A_857 = arith.constant 5 : i32
        %add3A_858 = arith.addi %add3A_86, %add3A_857 : i32
        %swap3A_859 = arith.index_cast %add3A_858 : i32 to index
        %swap3A_860 = arith.constant 160 : index
        %swap3A_861 = tpu.vector_load %arg9[%swap3A_859, %swap3A_860] {strides = array<i32>} : memref<128x256xf32, #tpu.memory_space<vmem>>, vector<16xf32>,
        tpu.vector_store %arg9[%swap3A_859, %swap3A_860], %get3A_791 {strides = array<i32>} : memref<128x256xf32, #tpu.memory_space<vmem>>, vector<16xf32>,
        %add3A_862 = arith.constant 5 : i32
        %add3A_863 = arith.addi %add3A_86, %add3A_862 : i32
        %swap3A_864 = arith.index_cast %add3A_863 : i32 to index
        %swap3A_865 = arith.constant 176 : index
        %swap3A_866 = tpu.vector_load %arg9[%swap3A_864, %swap3A_865] {strides = array<i32>} : memref<128x256xf32, #tpu.memory_space<vmem>>, vector<16xf32>,
        tpu.vector_store %arg9[%swap3A_864, %swap3A_865], %get3A_794 {strides = array<i32>} : memref<128x256xf32, #tpu.memory_space<vmem>>, vector<16xf32>,
        %add3A_867 = arith.constant 5 : i32
        %add3A_868 = arith.addi %add3A_86, %add3A_867 : i32
        %swap3A_869 = arith.index_cast %add3A_868 : i32 to index
        %swap3A_870 = arith.constant 192 : index
        %swap3A_871 = tpu.vector_load %arg9[%swap3A_869, %swap3A_870] {strides = array<i32>} : memref<128x256xf32, #tpu.memory_space<vmem>>, vector<16xf32>,
        tpu.vector_store %arg9[%swap3A_869, %swap3A_870], %get3A_797 {strides = array<i32>} : memref<128x256xf32, #tpu.memory_space<vmem>>, vector<16xf32>,
        %add3A_872 = arith.constant 5 : i32
        %add3A_873 = arith.addi %add3A_86, %add3A_872 : i32
        %swap3A_874 = arith.index_cast %add3A_873 : i32 to index
        %swap3A_875 = arith.constant 208 : index
        %swap3A_876 = tpu.vector_load %arg9[%swap3A_874, %swap3A_875] {strides = array<i32>} : memref<128x256xf32, #tpu.memory_space<vmem>>, vector<16xf32>,
        tpu.vector_store %arg9[%swap3A_874, %swap3A_875], %get3A_800 {strides = array<i32>} : memref<128x256xf32, #tpu.memory_space<vmem>>, vector<16xf32>,
        %add3A_877 = arith.constant 5 : i32
        %add3A_878 = arith.addi %add3A_86, %add3A_877 : i32
        %swap3A_879 = arith.index_cast %add3A_878 : i32 to index
        %swap3A_880 = arith.constant 224 : index
        %swap3A_881 = tpu.vector_load %arg9[%swap3A_879, %swap3A_880] {strides = array<i32>} : memref<128x256xf32, #tpu.memory_space<vmem>>, vector<16xf32>,
        tpu.vector_store %arg9[%swap3A_879, %swap3A_880], %get3A_803 {strides = array<i32>} : memref<128x256xf32, #tpu.memory_space<vmem>>, vector<16xf32>,
        %add3A_882 = arith.constant 5 : i32
        %add3A_883 = arith.addi %add3A_86, %add3A_882 : i32
        %swap3A_884 = arith.index_cast %add3A_883 : i32 to index
        %swap3A_885 = arith.constant 240 : index
        %swap3A_886 = tpu.vector_load %arg9[%swap3A_884, %swap3A_885] {strides = array<i32>} : memref<128x256xf32, #tpu.memory_space<vmem>>, vector<16xf32>,
        tpu.vector_store %arg9[%swap3A_884, %swap3A_885], %get3A_806 {strides = array<i32>} : memref<128x256xf32, #tpu.memory_space<vmem>>, vector<16xf32>,
        %get3A_887 = arith.index_cast %squeeze3A_100 : i32 to index
        %get3A_888 = arith.constant 0 : index
        %get3A_889 = tpu.vector_load %arg8[%get3A_887, %get3A_888] {strides = array<i32>} : memref<256x256xf32, #tpu.memory_space<vmem>>, vector<16xf32>,
        %get3A_890 = arith.index_cast %squeeze3A_100 : i32 to index
        %get3A_891 = arith.constant 16 : index
        %get3A_892 = tpu.vector_load %arg8[%get3A_890, %get3A_891] {strides = array<i32>} : memref<256x256xf32, #tpu.memory_space<vmem>>, vector<16xf32>,
        %get3A_893 = arith.index_cast %squeeze3A_100 : i32 to index
        %get3A_894 = arith.constant 32 : index
        %get3A_895 = tpu.vector_load %arg8[%get3A_893, %get3A_894] {strides = array<i32>} : memref<256x256xf32, #tpu.memory_space<vmem>>, vector<16xf32>,
        %get3A_896 = arith.index_cast %squeeze3A_100 : i32 to index
        %get3A_897 = arith.constant 48 : index
        %get3A_898 = tpu.vector_load %arg8[%get3A_896, %get3A_897] {strides = array<i32>} : memref<256x256xf32, #tpu.memory_space<vmem>>, vector<16xf32>,
        %get3A_899 = arith.index_cast %squeeze3A_100 : i32 to index
        %get3A_900 = arith.constant 64 : index
        %get3A_901 = tpu.vector_load %arg8[%get3A_899, %get3A_900] {strides = array<i32>} : memref<256x256xf32, #tpu.memory_space<vmem>>, vector<16xf32>,
        %get3A_902 = arith.index_cast %squeeze3A_100 : i32 to index
        %get3A_903 = arith.constant 80 : index
        %get3A_904 = tpu.vector_load %arg8[%get3A_902, %get3A_903] {strides = array<i32>} : memref<256x256xf32, #tpu.memory_space<vmem>>, vector<16xf32>,
        %get3A_905 = arith.index_cast %squeeze3A_100 : i32 to index
        %get3A_906 = arith.constant 96 : index
        %get3A_907 = tpu.vector_load %arg8[%get3A_905, %get3A_906] {strides = array<i32>} : memref<256x256xf32, #tpu.memory_space<vmem>>, vector<16xf32>,
        %get3A_908 = arith.index_cast %squeeze3A_100 : i32 to index
        %get3A_909 = arith.constant 112 : index
        %get3A_910 = tpu.vector_load %arg8[%get3A_908, %get3A_909] {strides = array<i32>} : memref<256x256xf32, #tpu.memory_space<vmem>>, vector<16xf32>,
        %get3A_911 = arith.index_cast %squeeze3A_100 : i32 to index
        %get3A_912 = arith.constant 128 : index
        %get3A_913 = tpu.vector_load %arg8[%get3A_911, %get3A_912] {strides = array<i32>} : memref<256x256xf32, #tpu.memory_space<vmem>>, vector<16xf32>,
        %get3A_914 = arith.index_cast %squeeze3A_100 : i32 to index
        %get3A_915 = arith.constant 144 : index
        %get3A_916 = tpu.vector_load %arg8[%get3A_914, %get3A_915] {strides = array<i32>} : memref<256x256xf32, #tpu.memory_space<vmem>>, vector<16xf32>,
        %get3A_917 = arith.index_cast %squeeze3A_100 : i32 to index
        %get3A_918 = arith.constant 160 : index
        %get3A_919 = tpu.vector_load %arg8[%get3A_917, %get3A_918] {strides = array<i32>} : memref<256x256xf32, #tpu.memory_space<vmem>>, vector<16xf32>,
        %get3A_920 = arith.index_cast %squeeze3A_100 : i32 to index
        %get3A_921 = arith.constant 176 : index
        %get3A_922 = tpu.vector_load %arg8[%get3A_920, %get3A_921] {strides = array<i32>} : memref<256x256xf32, #tpu.memory_space<vmem>>, vector<16xf32>,
        %get3A_923 = arith.index_cast %squeeze3A_100 : i32 to index
        %get3A_924 = arith.constant 192 : index
        %get3A_925 = tpu.vector_load %arg8[%get3A_923, %get3A_924] {strides = array<i32>} : memref<256x256xf32, #tpu.memory_space<vmem>>, vector<16xf32>,
        %get3A_926 = arith.index_cast %squeeze3A_100 : i32 to index
        %get3A_927 = arith.constant 208 : index
        %get3A_928 = tpu.vector_load %arg8[%get3A_926, %get3A_927] {strides = array<i32>} : memref<256x256xf32, #tpu.memory_space<vmem>>, vector<16xf32>,
        %get3A_929 = arith.index_cast %squeeze3A_100 : i32 to index
        %get3A_930 = arith.constant 224 : index
        %get3A_931 = tpu.vector_load %arg8[%get3A_929, %get3A_930] {strides = array<i32>} : memref<256x256xf32, #tpu.memory_space<vmem>>, vector<16xf32>,
        %get3A_932 = arith.index_cast %squeeze3A_100 : i32 to index
        %get3A_933 = arith.constant 240 : index
        %get3A_934 = tpu.vector_load %arg8[%get3A_932, %get3A_933] {strides = array<i32>} : memref<256x256xf32, #tpu.memory_space<vmem>>, vector<16xf32>,
        %add3A_935 = arith.constant 6 : i32
        %add3A_936 = arith.addi %add3A_86, %add3A_935 : i32
        %swap3A_937 = arith.index_cast %add3A_936 : i32 to index
        %swap3A_938 = arith.constant 0 : index
        %swap3A_939 = tpu.vector_load %arg9[%swap3A_937, %swap3A_938] {strides = array<i32>} : memref<128x256xf32, #tpu.memory_space<vmem>>, vector<16xf32>,
        tpu.vector_store %arg9[%swap3A_937, %swap3A_938], %get3A_889 {strides = array<i32>} : memref<128x256xf32, #tpu.memory_space<vmem>>, vector<16xf32>,
        %add3A_940 = arith.constant 6 : i32
        %add3A_941 = arith.addi %add3A_86, %add3A_940 : i32
        %swap3A_942 = arith.index_cast %add3A_941 : i32 to index
        %swap3A_943 = arith.constant 16 : index
        %swap3A_944 = tpu.vector_load %arg9[%swap3A_942, %swap3A_943] {strides = array<i32>} : memref<128x256xf32, #tpu.memory_space<vmem>>, vector<16xf32>,
        tpu.vector_store %arg9[%swap3A_942, %swap3A_943], %get3A_892 {strides = array<i32>} : memref<128x256xf32, #tpu.memory_space<vmem>>, vector<16xf32>,
        %add3A_945 = arith.constant 6 : i32
        %add3A_946 = arith.addi %add3A_86, %add3A_945 : i32
        %swap3A_947 = arith.index_cast %add3A_946 : i32 to index
        %swap3A_948 = arith.constant 32 : index
        %swap3A_949 = tpu.vector_load %arg9[%swap3A_947, %swap3A_948] {strides = array<i32>} : memref<128x256xf32, #tpu.memory_space<vmem>>, vector<16xf32>,
        tpu.vector_store %arg9[%swap3A_947, %swap3A_948], %get3A_895 {strides = array<i32>} : memref<128x256xf32, #tpu.memory_space<vmem>>, vector<16xf32>,
        %add3A_950 = arith.constant 6 : i32
        %add3A_951 = arith.addi %add3A_86, %add3A_950 : i32
        %swap3A_952 = arith.index_cast %add3A_951 : i32 to index
        %swap3A_953 = arith.constant 48 : index
        %swap3A_954 = tpu.vector_load %arg9[%swap3A_952, %swap3A_953] {strides = array<i32>} : memref<128x256xf32, #tpu.memory_space<vmem>>, vector<16xf32>,
        tpu.vector_store %arg9[%swap3A_952, %swap3A_953], %get3A_898 {strides = array<i32>} : memref<128x256xf32, #tpu.memory_space<vmem>>, vector<16xf32>,
        %add3A_955 = arith.constant 6 : i32
        %add3A_956 = arith.addi %add3A_86, %add3A_955 : i32
        %swap3A_957 = arith.index_cast %add3A_956 : i32 to index
        %swap3A_958 = arith.constant 64 : index
        %swap3A_959 = tpu.vector_load %arg9[%swap3A_957, %swap3A_958] {strides = array<i32>} : memref<128x256xf32, #tpu.memory_space<vmem>>, vector<16xf32>,
        tpu.vector_store %arg9[%swap3A_957, %swap3A_958], %get3A_901 {strides = array<i32>} : memref<128x256xf32, #tpu.memory_space<vmem>>, vector<16xf32>,
        %add3A_960 = arith.constant 6 : i32
        %add3A_961 = arith.addi %add3A_86, %add3A_960 : i32
        %swap3A_962 = arith.index_cast %add3A_961 : i32 to index
        %swap3A_963 = arith.constant 80 : index
        %swap3A_964 = tpu.vector_load %arg9[%swap3A_962, %swap3A_963] {strides = array<i32>} : memref<128x256xf32, #tpu.memory_space<vmem>>, vector<16xf32>,
        tpu.vector_store %arg9[%swap3A_962, %swap3A_963], %get3A_904 {strides = array<i32>} : memref<128x256xf32, #tpu.memory_space<vmem>>, vector<16xf32>,
        %add3A_965 = arith.constant 6 : i32
        %add3A_966 = arith.addi %add3A_86, %add3A_965 : i32
        %swap3A_967 = arith.index_cast %add3A_966 : i32 to index
        %swap3A_968 = arith.constant 96 : index
        %swap3A_969 = tpu.vector_load %arg9[%swap3A_967, %swap3A_968] {strides = array<i32>} : memref<128x256xf32, #tpu.memory_space<vmem>>, vector<16xf32>,
        tpu.vector_store %arg9[%swap3A_967, %swap3A_968], %get3A_907 {strides = array<i32>} : memref<128x256xf32, #tpu.memory_space<vmem>>, vector<16xf32>,
        %add3A_970 = arith.constant 6 : i32
        %add3A_971 = arith.addi %add3A_86, %add3A_970 : i32
        %swap3A_972 = arith.index_cast %add3A_971 : i32 to index
        %swap3A_973 = arith.constant 112 : index
        %swap3A_974 = tpu.vector_load %arg9[%swap3A_972, %swap3A_973] {strides = array<i32>} : memref<128x256xf32, #tpu.memory_space<vmem>>, vector<16xf32>,
        tpu.vector_store %arg9[%swap3A_972, %swap3A_973], %get3A_910 {strides = array<i32>} : memref<128x256xf32, #tpu.memory_space<vmem>>, vector<16xf32>,
        %add3A_975 = arith.constant 6 : i32
        %add3A_976 = arith.addi %add3A_86, %add3A_975 : i32
        %swap3A_977 = arith.index_cast %add3A_976 : i32 to index
        %swap3A_978 = arith.constant 128 : index
        %swap3A_979 = tpu.vector_load %arg9[%swap3A_977, %swap3A_978] {strides = array<i32>} : memref<128x256xf32, #tpu.memory_space<vmem>>, vector<16xf32>,
        tpu.vector_store %arg9[%swap3A_977, %swap3A_978], %get3A_913 {strides = array<i32>} : memref<128x256xf32, #tpu.memory_space<vmem>>, vector<16xf32>,
        %add3A_980 = arith.constant 6 : i32
        %add3A_981 = arith.addi %add3A_86, %add3A_980 : i32
        %swap3A_982 = arith.index_cast %add3A_981 : i32 to index
        %swap3A_983 = arith.constant 144 : index
        %swap3A_984 = tpu.vector_load %arg9[%swap3A_982, %swap3A_983] {strides = array<i32>} : memref<128x256xf32, #tpu.memory_space<vmem>>, vector<16xf32>,
        tpu.vector_store %arg9[%swap3A_982, %swap3A_983], %get3A_916 {strides = array<i32>} : memref<128x256xf32, #tpu.memory_space<vmem>>, vector<16xf32>,
        %add3A_985 = arith.constant 6 : i32
        %add3A_986 = arith.addi %add3A_86, %add3A_985 : i32
        %swap3A_987 = arith.index_cast %add3A_986 : i32 to index
        %swap3A_988 = arith.constant 160 : index
        %swap3A_989 = tpu.vector_load %arg9[%swap3A_987, %swap3A_988] {strides = array<i32>} : memref<128x256xf32, #tpu.memory_space<vmem>>, vector<16xf32>,
        tpu.vector_store %arg9[%swap3A_987, %swap3A_988], %get3A_919 {strides = array<i32>} : memref<128x256xf32, #tpu.memory_space<vmem>>, vector<16xf32>,
        %add3A_990 = arith.constant 6 : i32
        %add3A_991 = arith.addi %add3A_86, %add3A_990 : i32
        %swap3A_992 = arith.index_cast %add3A_991 : i32 to index
        %swap3A_993 = arith.constant 176 : index
        %swap3A_994 = tpu.vector_load %arg9[%swap3A_992, %swap3A_993] {strides = array<i32>} : memref<128x256xf32, #tpu.memory_space<vmem>>, vector<16xf32>,
        tpu.vector_store %arg9[%swap3A_992, %swap3A_993], %get3A_922 {strides = array<i32>} : memref<128x256xf32, #tpu.memory_space<vmem>>, vector<16xf32>,
        %add3A_995 = arith.constant 6 : i32
        %add3A_996 = arith.addi %add3A_86, %add3A_995 : i32
        %swap3A_997 = arith.index_cast %add3A_996 : i32 to index
        %swap3A_998 = arith.constant 192 : index
        %swap3A_999 = tpu.vector_load %arg9[%swap3A_997, %swap3A_998] {strides = array<i32>} : memref<128x256xf32, #tpu.memory_space<vmem>>, vector<16xf32>,
        tpu.vector_store %arg9[%swap3A_997, %swap3A_998], %get3A_925 {strides = array<i32>} : memref<128x256xf32, #tpu.memory_space<vmem>>, vector<16xf32>,
        %add3A_1000 = arith.constant 6 : i32
        %add3A_1001 = arith.addi %add3A_86, %add3A_1000 : i32
        %swap3A_1002 = arith.index_cast %add3A_1001 : i32 to index
        %swap3A_1003 = arith.constant 208 : index
        %swap3A_1004 = tpu.vector_load %arg9[%swap3A_1002, %swap3A_1003] {strides = array<i32>} : memref<128x256xf32, #tpu.memory_space<vmem>>, vector<16xf32>,
        tpu.vector_store %arg9[%swap3A_1002, %swap3A_1003], %get3A_928 {strides = array<i32>} : memref<128x256xf32, #tpu.memory_space<vmem>>, vector<16xf32>,
        %add3A_1005 = arith.constant 6 : i32
        %add3A_1006 = arith.addi %add3A_86, %add3A_1005 : i32
        %swap3A_1007 = arith.index_cast %add3A_1006 : i32 to index
        %swap3A_1008 = arith.constant 224 : index
        %swap3A_1009 = tpu.vector_load %arg9[%swap3A_1007, %swap3A_1008] {strides = array<i32>} : memref<128x256xf32, #tpu.memory_space<vmem>>, vector<16xf32>,
        tpu.vector_store %arg9[%swap3A_1007, %swap3A_1008], %get3A_931 {strides = array<i32>} : memref<128x256xf32, #tpu.memory_space<vmem>>, vector<16xf32>,
        %add3A_1010 = arith.constant 6 : i32
        %add3A_1011 = arith.addi %add3A_86, %add3A_1010 : i32
        %swap3A_1012 = arith.index_cast %add3A_1011 : i32 to index
        %swap3A_1013 = arith.constant 240 : index
        %swap3A_1014 = tpu.vector_load %arg9[%swap3A_1012, %swap3A_1013] {strides = array<i32>} : memref<128x256xf32, #tpu.memory_space<vmem>>, vector<16xf32>,
        tpu.vector_store %arg9[%swap3A_1012, %swap3A_1013], %get3A_934 {strides = array<i32>} : memref<128x256xf32, #tpu.memory_space<vmem>>, vector<16xf32>,
        %get3A_1015 = arith.index_cast %squeeze3A_102 : i32 to index
        %get3A_1016 = arith.constant 0 : index
        %get3A_1017 = tpu.vector_load %arg8[%get3A_1015, %get3A_1016] {strides = array<i32>} : memref<256x256xf32, #tpu.memory_space<vmem>>, vector<16xf32>,
        %get3A_1018 = arith.index_cast %squeeze3A_102 : i32 to index
        %get3A_1019 = arith.constant 16 : index
        %get3A_1020 = tpu.vector_load %arg8[%get3A_1018, %get3A_1019] {strides = array<i32>} : memref<256x256xf32, #tpu.memory_space<vmem>>, vector<16xf32>,
        %get3A_1021 = arith.index_cast %squeeze3A_102 : i32 to index
        %get3A_1022 = arith.constant 32 : index
        %get3A_1023 = tpu.vector_load %arg8[%get3A_1021, %get3A_1022] {strides = array<i32>} : memref<256x256xf32, #tpu.memory_space<vmem>>, vector<16xf32>,
        %get3A_1024 = arith.index_cast %squeeze3A_102 : i32 to index
        %get3A_1025 = arith.constant 48 : index
        %get3A_1026 = tpu.vector_load %arg8[%get3A_1024, %get3A_1025] {strides = array<i32>} : memref<256x256xf32, #tpu.memory_space<vmem>>, vector<16xf32>,
        %get3A_1027 = arith.index_cast %squeeze3A_102 : i32 to index
        %get3A_1028 = arith.constant 64 : index
        %get3A_1029 = tpu.vector_load %arg8[%get3A_1027, %get3A_1028] {strides = array<i32>} : memref<256x256xf32, #tpu.memory_space<vmem>>, vector<16xf32>,
        %get3A_1030 = arith.index_cast %squeeze3A_102 : i32 to index
        %get3A_1031 = arith.constant 80 : index
        %get3A_1032 = tpu.vector_load %arg8[%get3A_1030, %get3A_1031] {strides = array<i32>} : memref<256x256xf32, #tpu.memory_space<vmem>>, vector<16xf32>,
        %get3A_1033 = arith.index_cast %squeeze3A_102 : i32 to index
        %get3A_1034 = arith.constant 96 : index
        %get3A_1035 = tpu.vector_load %arg8[%get3A_1033, %get3A_1034] {strides = array<i32>} : memref<256x256xf32, #tpu.memory_space<vmem>>, vector<16xf32>,
        %get3A_1036 = arith.index_cast %squeeze3A_102 : i32 to index
        %get3A_1037 = arith.constant 112 : index
        %get3A_1038 = tpu.vector_load %arg8[%get3A_1036, %get3A_1037] {strides = array<i32>} : memref<256x256xf32, #tpu.memory_space<vmem>>, vector<16xf32>,
        %get3A_1039 = arith.index_cast %squeeze3A_102 : i32 to index
        %get3A_1040 = arith.constant 128 : index
        %get3A_1041 = tpu.vector_load %arg8[%get3A_1039, %get3A_1040] {strides = array<i32>} : memref<256x256xf32, #tpu.memory_space<vmem>>, vector<16xf32>,
        %get3A_1042 = arith.index_cast %squeeze3A_102 : i32 to index
        %get3A_1043 = arith.constant 144 : index
        %get3A_1044 = tpu.vector_load %arg8[%get3A_1042, %get3A_1043] {strides = array<i32>} : memref<256x256xf32, #tpu.memory_space<vmem>>, vector<16xf32>,
        %get3A_1045 = arith.index_cast %squeeze3A_102 : i32 to index
        %get3A_1046 = arith.constant 160 : index
        %get3A_1047 = tpu.vector_load %arg8[%get3A_1045, %get3A_1046] {strides = array<i32>} : memref<256x256xf32, #tpu.memory_space<vmem>>, vector<16xf32>,
        %get3A_1048 = arith.index_cast %squeeze3A_102 : i32 to index
        %get3A_1049 = arith.constant 176 : index
        %get3A_1050 = tpu.vector_load %arg8[%get3A_1048, %get3A_1049] {strides = array<i32>} : memref<256x256xf32, #tpu.memory_space<vmem>>, vector<16xf32>,
        %get3A_1051 = arith.index_cast %squeeze3A_102 : i32 to index
        %get3A_1052 = arith.constant 192 : index
        %get3A_1053 = tpu.vector_load %arg8[%get3A_1051, %get3A_1052] {strides = array<i32>} : memref<256x256xf32, #tpu.memory_space<vmem>>, vector<16xf32>,
        %get3A_1054 = arith.index_cast %squeeze3A_102 : i32 to index
        %get3A_1055 = arith.constant 208 : index
        %get3A_1056 = tpu.vector_load %arg8[%get3A_1054, %get3A_1055] {strides = array<i32>} : memref<256x256xf32, #tpu.memory_space<vmem>>, vector<16xf32>,
        %get3A_1057 = arith.index_cast %squeeze3A_102 : i32 to index
        %get3A_1058 = arith.constant 224 : index
        %get3A_1059 = tpu.vector_load %arg8[%get3A_1057, %get3A_1058] {strides = array<i32>} : memref<256x256xf32, #tpu.memory_space<vmem>>, vector<16xf32>,
        %get3A_1060 = arith.index_cast %squeeze3A_102 : i32 to index
        %get3A_1061 = arith.constant 240 : index
        %get3A_1062 = tpu.vector_load %arg8[%get3A_1060, %get3A_1061] {strides = array<i32>} : memref<256x256xf32, #tpu.memory_space<vmem>>, vector<16xf32>,
        %add3A_1063 = arith.constant 7 : i32
        %add3A_1064 = arith.addi %add3A_86, %add3A_1063 : i32
        %swap3A_1065 = arith.index_cast %add3A_1064 : i32 to index
        %swap3A_1066 = arith.constant 0 : index
        %swap3A_1067 = tpu.vector_load %arg9[%swap3A_1065, %swap3A_1066] {strides = array<i32>} : memref<128x256xf32, #tpu.memory_space<vmem>>, vector<16xf32>,
        tpu.vector_store %arg9[%swap3A_1065, %swap3A_1066], %get3A_1017 {strides = array<i32>} : memref<128x256xf32, #tpu.memory_space<vmem>>, vector<16xf32>,
        %add3A_1068 = arith.constant 7 : i32
        %add3A_1069 = arith.addi %add3A_86, %add3A_1068 : i32
        %swap3A_1070 = arith.index_cast %add3A_1069 : i32 to index
        %swap3A_1071 = arith.constant 16 : index
        %swap3A_1072 = tpu.vector_load %arg9[%swap3A_1070, %swap3A_1071] {strides = array<i32>} : memref<128x256xf32, #tpu.memory_space<vmem>>, vector<16xf32>,
        tpu.vector_store %arg9[%swap3A_1070, %swap3A_1071], %get3A_1020 {strides = array<i32>} : memref<128x256xf32, #tpu.memory_space<vmem>>, vector<16xf32>,
        %add3A_1073 = arith.constant 7 : i32
        %add3A_1074 = arith.addi %add3A_86, %add3A_1073 : i32
        %swap3A_1075 = arith.index_cast %add3A_1074 : i32 to index
        %swap3A_1076 = arith.constant 32 : index
        %swap3A_1077 = tpu.vector_load %arg9[%swap3A_1075, %swap3A_1076] {strides = array<i32>} : memref<128x256xf32, #tpu.memory_space<vmem>>, vector<16xf32>,
        tpu.vector_store %arg9[%swap3A_1075, %swap3A_1076], %get3A_1023 {strides = array<i32>} : memref<128x256xf32, #tpu.memory_space<vmem>>, vector<16xf32>,
        %add3A_1078 = arith.constant 7 : i32
        %add3A_1079 = arith.addi %add3A_86, %add3A_1078 : i32
        %swap3A_1080 = arith.index_cast %add3A_1079 : i32 to index
        %swap3A_1081 = arith.constant 48 : index
        %swap3A_1082 = tpu.vector_load %arg9[%swap3A_1080, %swap3A_1081] {strides = array<i32>} : memref<128x256xf32, #tpu.memory_space<vmem>>, vector<16xf32>,
        tpu.vector_store %arg9[%swap3A_1080, %swap3A_1081], %get3A_1026 {strides = array<i32>} : memref<128x256xf32, #tpu.memory_space<vmem>>, vector<16xf32>,
        %add3A_1083 = arith.constant 7 : i32
        %add3A_1084 = arith.addi %add3A_86, %add3A_1083 : i32
        %swap3A_1085 = arith.index_cast %add3A_1084 : i32 to index
        %swap3A_1086 = arith.constant 64 : index
        %swap3A_1087 = tpu.vector_load %arg9[%swap3A_1085, %swap3A_1086] {strides = array<i32>} : memref<128x256xf32, #tpu.memory_space<vmem>>, vector<16xf32>,
        tpu.vector_store %arg9[%swap3A_1085, %swap3A_1086], %get3A_1029 {strides = array<i32>} : memref<128x256xf32, #tpu.memory_space<vmem>>, vector<16xf32>,
        %add3A_1088 = arith.constant 7 : i32
        %add3A_1089 = arith.addi %add3A_86, %add3A_1088 : i32
        %swap3A_1090 = arith.index_cast %add3A_1089 : i32 to index
        %swap3A_1091 = arith.constant 80 : index
        %swap3A_1092 = tpu.vector_load %arg9[%swap3A_1090, %swap3A_1091] {strides = array<i32>} : memref<128x256xf32, #tpu.memory_space<vmem>>, vector<16xf32>,
        tpu.vector_store %arg9[%swap3A_1090, %swap3A_1091], %get3A_1032 {strides = array<i32>} : memref<128x256xf32, #tpu.memory_space<vmem>>, vector<16xf32>,
        %add3A_1093 = arith.constant 7 : i32
        %add3A_1094 = arith.addi %add3A_86, %add3A_1093 : i32
        %swap3A_1095 = arith.index_cast %add3A_1094 : i32 to index
        %swap3A_1096 = arith.constant 96 : index
        %swap3A_1097 = tpu.vector_load %arg9[%swap3A_1095, %swap3A_1096] {strides = array<i32>} : memref<128x256xf32, #tpu.memory_space<vmem>>, vector<16xf32>,
        tpu.vector_store %arg9[%swap3A_1095, %swap3A_1096], %get3A_1035 {strides = array<i32>} : memref<128x256xf32, #tpu.memory_space<vmem>>, vector<16xf32>,
        %add3A_1098 = arith.constant 7 : i32
        %add3A_1099 = arith.addi %add3A_86, %add3A_1098 : i32
        %swap3A_1100 = arith.index_cast %add3A_1099 : i32 to index
        %swap3A_1101 = arith.constant 112 : index
        %swap3A_1102 = tpu.vector_load %arg9[%swap3A_1100, %swap3A_1101] {strides = array<i32>} : memref<128x256xf32, #tpu.memory_space<vmem>>, vector<16xf32>,
        tpu.vector_store %arg9[%swap3A_1100, %swap3A_1101], %get3A_1038 {strides = array<i32>} : memref<128x256xf32, #tpu.memory_space<vmem>>, vector<16xf32>,
        %add3A_1103 = arith.constant 7 : i32
        %add3A_1104 = arith.addi %add3A_86, %add3A_1103 : i32
        %swap3A_1105 = arith.index_cast %add3A_1104 : i32 to index
        %swap3A_1106 = arith.constant 128 : index
        %swap3A_1107 = tpu.vector_load %arg9[%swap3A_1105, %swap3A_1106] {strides = array<i32>} : memref<128x256xf32, #tpu.memory_space<vmem>>, vector<16xf32>,
        tpu.vector_store %arg9[%swap3A_1105, %swap3A_1106], %get3A_1041 {strides = array<i32>} : memref<128x256xf32, #tpu.memory_space<vmem>>, vector<16xf32>,
        %add3A_1108 = arith.constant 7 : i32
        %add3A_1109 = arith.addi %add3A_86, %add3A_1108 : i32
        %swap3A_1110 = arith.index_cast %add3A_1109 : i32 to index
        %swap3A_1111 = arith.constant 144 : index
        %swap3A_1112 = tpu.vector_load %arg9[%swap3A_1110, %swap3A_1111] {strides = array<i32>} : memref<128x256xf32, #tpu.memory_space<vmem>>, vector<16xf32>,
        tpu.vector_store %arg9[%swap3A_1110, %swap3A_1111], %get3A_1044 {strides = array<i32>} : memref<128x256xf32, #tpu.memory_space<vmem>>, vector<16xf32>,
        %add3A_1113 = arith.constant 7 : i32
        %add3A_1114 = arith.addi %add3A_86, %add3A_1113 : i32
        %swap3A_1115 = arith.index_cast %add3A_1114 : i32 to index
        %swap3A_1116 = arith.constant 160 : index
        %swap3A_1117 = tpu.vector_load %arg9[%swap3A_1115, %swap3A_1116] {strides = array<i32>} : memref<128x256xf32, #tpu.memory_space<vmem>>, vector<16xf32>,
        tpu.vector_store %arg9[%swap3A_1115, %swap3A_1116], %get3A_1047 {strides = array<i32>} : memref<128x256xf32, #tpu.memory_space<vmem>>, vector<16xf32>,
        %add3A_1118 = arith.constant 7 : i32
        %add3A_1119 = arith.addi %add3A_86, %add3A_1118 : i32
        %swap3A_1120 = arith.index_cast %add3A_1119 : i32 to index
        %swap3A_1121 = arith.constant 176 : index
        %swap3A_1122 = tpu.vector_load %arg9[%swap3A_1120, %swap3A_1121] {strides = array<i32>} : memref<128x256xf32, #tpu.memory_space<vmem>>, vector<16xf32>,
        tpu.vector_store %arg9[%swap3A_1120, %swap3A_1121], %get3A_1050 {strides = array<i32>} : memref<128x256xf32, #tpu.memory_space<vmem>>, vector<16xf32>,
        %add3A_1123 = arith.constant 7 : i32
        %add3A_1124 = arith.addi %add3A_86, %add3A_1123 : i32
        %swap3A_1125 = arith.index_cast %add3A_1124 : i32 to index
        %swap3A_1126 = arith.constant 192 : index
        %swap3A_1127 = tpu.vector_load %arg9[%swap3A_1125, %swap3A_1126] {strides = array<i32>} : memref<128x256xf32, #tpu.memory_space<vmem>>, vector<16xf32>,
        tpu.vector_store %arg9[%swap3A_1125, %swap3A_1126], %get3A_1053 {strides = array<i32>} : memref<128x256xf32, #tpu.memory_space<vmem>>, vector<16xf32>,
        %add3A_1128 = arith.constant 7 : i32
        %add3A_1129 = arith.addi %add3A_86, %add3A_1128 : i32
        %swap3A_1130 = arith.index_cast %add3A_1129 : i32 to index
        %swap3A_1131 = arith.constant 208 : index
        %swap3A_1132 = tpu.vector_load %arg9[%swap3A_1130, %swap3A_1131] {strides = array<i32>} : memref<128x256xf32, #tpu.memory_space<vmem>>, vector<16xf32>,
        tpu.vector_store %arg9[%swap3A_1130, %swap3A_1131], %get3A_1056 {strides = array<i32>} : memref<128x256xf32, #tpu.memory_space<vmem>>, vector<16xf32>,
        %add3A_1133 = arith.constant 7 : i32
        %add3A_1134 = arith.addi %add3A_86, %add3A_1133 : i32
        %swap3A_1135 = arith.index_cast %add3A_1134 : i32 to index
        %swap3A_1136 = arith.constant 224 : index
        %swap3A_1137 = tpu.vector_load %arg9[%swap3A_1135, %swap3A_1136] {strides = array<i32>} : memref<128x256xf32, #tpu.memory_space<vmem>>, vector<16xf32>,
        tpu.vector_store %arg9[%swap3A_1135, %swap3A_1136], %get3A_1059 {strides = array<i32>} : memref<128x256xf32, #tpu.memory_space<vmem>>, vector<16xf32>,
        %add3A_1138 = arith.constant 7 : i32
        %add3A_1139 = arith.addi %add3A_86, %add3A_1138 : i32
        %swap3A_1140 = arith.index_cast %add3A_1139 : i32 to index
        %swap3A_1141 = arith.constant 240 : index
        %swap3A_1142 = tpu.vector_load %arg9[%swap3A_1140, %swap3A_1141] {strides = array<i32>} : memref<128x256xf32, #tpu.memory_space<vmem>>, vector<16xf32>,
        tpu.vector_store %arg9[%swap3A_1140, %swap3A_1141], %get3A_1062 {strides = array<i32>} : memref<128x256xf32, #tpu.memory_space<vmem>>, vector<16xf32>,
        %get3A_1143 = arith.index_cast %squeeze3A_104 : i32 to index
        %get3A_1144 = arith.constant 0 : index
        %get3A_1145 = tpu.vector_load %arg8[%get3A_1143, %get3A_1144] {strides = array<i32>} : memref<256x256xf32, #tpu.memory_space<vmem>>, vector<16xf32>,
        %get3A_1146 = arith.index_cast %squeeze3A_104 : i32 to index
        %get3A_1147 = arith.constant 16 : index
        %get3A_1148 = tpu.vector_load %arg8[%get3A_1146, %get3A_1147] {strides = array<i32>} : memref<256x256xf32, #tpu.memory_space<vmem>>, vector<16xf32>,
        %get3A_1149 = arith.index_cast %squeeze3A_104 : i32 to index
        %get3A_1150 = arith.constant 32 : index
        %get3A_1151 = tpu.vector_load %arg8[%get3A_1149, %get3A_1150] {strides = array<i32>} : memref<256x256xf32, #tpu.memory_space<vmem>>, vector<16xf32>,
        %get3A_1152 = arith.index_cast %squeeze3A_104 : i32 to index
        %get3A_1153 = arith.constant 48 : index
        %get3A_1154 = tpu.vector_load %arg8[%get3A_1152, %get3A_1153] {strides = array<i32>} : memref<256x256xf32, #tpu.memory_space<vmem>>, vector<16xf32>,
        %get3A_1155 = arith.index_cast %squeeze3A_104 : i32 to index
        %get3A_1156 = arith.constant 64 : index
        %get3A_1157 = tpu.vector_load %arg8[%get3A_1155, %get3A_1156] {strides = array<i32>} : memref<256x256xf32, #tpu.memory_space<vmem>>, vector<16xf32>,
        %get3A_1158 = arith.index_cast %squeeze3A_104 : i32 to index
        %get3A_1159 = arith.constant 80 : index
        %get3A_1160 = tpu.vector_load %arg8[%get3A_1158, %get3A_1159] {strides = array<i32>} : memref<256x256xf32, #tpu.memory_space<vmem>>, vector<16xf32>,
        %get3A_1161 = arith.index_cast %squeeze3A_104 : i32 to index
        %get3A_1162 = arith.constant 96 : index
        %get3A_1163 = tpu.vector_load %arg8[%get3A_1161, %get3A_1162] {strides = array<i32>} : memref<256x256xf32, #tpu.memory_space<vmem>>, vector<16xf32>,
        %get3A_1164 = arith.index_cast %squeeze3A_104 : i32 to index
        %get3A_1165 = arith.constant 112 : index
        %get3A_1166 = tpu.vector_load %arg8[%get3A_1164, %get3A_1165] {strides = array<i32>} : memref<256x256xf32, #tpu.memory_space<vmem>>, vector<16xf32>,
        %get3A_1167 = arith.index_cast %squeeze3A_104 : i32 to index
        %get3A_1168 = arith.constant 128 : index
        %get3A_1169 = tpu.vector_load %arg8[%get3A_1167, %get3A_1168] {strides = array<i32>} : memref<256x256xf32, #tpu.memory_space<vmem>>, vector<16xf32>,
        %get3A_1170 = arith.index_cast %squeeze3A_104 : i32 to index
        %get3A_1171 = arith.constant 144 : index
        %get3A_1172 = tpu.vector_load %arg8[%get3A_1170, %get3A_1171] {strides = array<i32>} : memref<256x256xf32, #tpu.memory_space<vmem>>, vector<16xf32>,
        %get3A_1173 = arith.index_cast %squeeze3A_104 : i32 to index
        %get3A_1174 = arith.constant 160 : index
        %get3A_1175 = tpu.vector_load %arg8[%get3A_1173, %get3A_1174] {strides = array<i32>} : memref<256x256xf32, #tpu.memory_space<vmem>>, vector<16xf32>,
        %get3A_1176 = arith.index_cast %squeeze3A_104 : i32 to index
        %get3A_1177 = arith.constant 176 : index
        %get3A_1178 = tpu.vector_load %arg8[%get3A_1176, %get3A_1177] {strides = array<i32>} : memref<256x256xf32, #tpu.memory_space<vmem>>, vector<16xf32>,
        %get3A_1179 = arith.index_cast %squeeze3A_104 : i32 to index
        %get3A_1180 = arith.constant 192 : index
        %get3A_1181 = tpu.vector_load %arg8[%get3A_1179, %get3A_1180] {strides = array<i32>} : memref<256x256xf32, #tpu.memory_space<vmem>>, vector<16xf32>,
        %get3A_1182 = arith.index_cast %squeeze3A_104 : i32 to index
        %get3A_1183 = arith.constant 208 : index
        %get3A_1184 = tpu.vector_load %arg8[%get3A_1182, %get3A_1183] {strides = array<i32>} : memref<256x256xf32, #tpu.memory_space<vmem>>, vector<16xf32>,
        %get3A_1185 = arith.index_cast %squeeze3A_104 : i32 to index
        %get3A_1186 = arith.constant 224 : index
        %get3A_1187 = tpu.vector_load %arg8[%get3A_1185, %get3A_1186] {strides = array<i32>} : memref<256x256xf32, #tpu.memory_space<vmem>>, vector<16xf32>,
        %get3A_1188 = arith.index_cast %squeeze3A_104 : i32 to index
        %get3A_1189 = arith.constant 240 : index
        %get3A_1190 = tpu.vector_load %arg8[%get3A_1188, %get3A_1189] {strides = array<i32>} : memref<256x256xf32, #tpu.memory_space<vmem>>, vector<16xf32>,
        %add3A_1191 = arith.constant 8 : i32
        %add3A_1192 = arith.addi %add3A_86, %add3A_1191 : i32
        %swap3A_1193 = arith.index_cast %add3A_1192 : i32 to index
        %swap3A_1194 = arith.constant 0 : index
        %swap3A_1195 = tpu.vector_load %arg9[%swap3A_1193, %swap3A_1194] {strides = array<i32>} : memref<128x256xf32, #tpu.memory_space<vmem>>, vector<16xf32>,
        tpu.vector_store %arg9[%swap3A_1193, %swap3A_1194], %get3A_1145 {strides = array<i32>} : memref<128x256xf32, #tpu.memory_space<vmem>>, vector<16xf32>,
        %add3A_1196 = arith.constant 8 : i32
        %add3A_1197 = arith.addi %add3A_86, %add3A_1196 : i32
        %swap3A_1198 = arith.index_cast %add3A_1197 : i32 to index
        %swap3A_1199 = arith.constant 16 : index
        %swap3A_1200 = tpu.vector_load %arg9[%swap3A_1198, %swap3A_1199] {strides = array<i32>} : memref<128x256xf32, #tpu.memory_space<vmem>>, vector<16xf32>,
        tpu.vector_store %arg9[%swap3A_1198, %swap3A_1199], %get3A_1148 {strides = array<i32>} : memref<128x256xf32, #tpu.memory_space<vmem>>, vector<16xf32>,
        %add3A_1201 = arith.constant 8 : i32
        %add3A_1202 = arith.addi %add3A_86, %add3A_1201 : i32
        %swap3A_1203 = arith.index_cast %add3A_1202 : i32 to index
        %swap3A_1204 = arith.constant 32 : index
        %swap3A_1205 = tpu.vector_load %arg9[%swap3A_1203, %swap3A_1204] {strides = array<i32>} : memref<128x256xf32, #tpu.memory_space<vmem>>, vector<16xf32>,
        tpu.vector_store %arg9[%swap3A_1203, %swap3A_1204], %get3A_1151 {strides = array<i32>} : memref<128x256xf32, #tpu.memory_space<vmem>>, vector<16xf32>,
        %add3A_1206 = arith.constant 8 : i32
        %add3A_1207 = arith.addi %add3A_86, %add3A_1206 : i32
        %swap3A_1208 = arith.index_cast %add3A_1207 : i32 to index
        %swap3A_1209 = arith.constant 48 : index
        %swap3A_1210 = tpu.vector_load %arg9[%swap3A_1208, %swap3A_1209] {strides = array<i32>} : memref<128x256xf32, #tpu.memory_space<vmem>>, vector<16xf32>,
        tpu.vector_store %arg9[%swap3A_1208, %swap3A_1209], %get3A_1154 {strides = array<i32>} : memref<128x256xf32, #tpu.memory_space<vmem>>, vector<16xf32>,
        %add3A_1211 = arith.constant 8 : i32
        %add3A_1212 = arith.addi %add3A_86, %add3A_1211 : i32
        %swap3A_1213 = arith.index_cast %add3A_1212 : i32 to index
        %swap3A_1214 = arith.constant 64 : index
        %swap3A_1215 = tpu.vector_load %arg9[%swap3A_1213, %swap3A_1214] {strides = array<i32>} : memref<128x256xf32, #tpu.memory_space<vmem>>, vector<16xf32>,
        tpu.vector_store %arg9[%swap3A_1213, %swap3A_1214], %get3A_1157 {strides = array<i32>} : memref<128x256xf32, #tpu.memory_space<vmem>>, vector<16xf32>,
        %add3A_1216 = arith.constant 8 : i32
        %add3A_1217 = arith.addi %add3A_86, %add3A_1216 : i32
        %swap3A_1218 = arith.index_cast %add3A_1217 : i32 to index
        %swap3A_1219 = arith.constant 80 : index
        %swap3A_1220 = tpu.vector_load %arg9[%swap3A_1218, %swap3A_1219] {strides = array<i32>} : memref<128x256xf32, #tpu.memory_space<vmem>>, vector<16xf32>,
        tpu.vector_store %arg9[%swap3A_1218, %swap3A_1219], %get3A_1160 {strides = array<i32>} : memref<128x256xf32, #tpu.memory_space<vmem>>, vector<16xf32>,
        %add3A_1221 = arith.constant 8 : i32
        %add3A_1222 = arith.addi %add3A_86, %add3A_1221 : i32
        %swap3A_1223 = arith.index_cast %add3A_1222 : i32 to index
        %swap3A_1224 = arith.constant 96 : index
        %swap3A_1225 = tpu.vector_load %arg9[%swap3A_1223, %swap3A_1224] {strides = array<i32>} : memref<128x256xf32, #tpu.memory_space<vmem>>, vector<16xf32>,
        tpu.vector_store %arg9[%swap3A_1223, %swap3A_1224], %get3A_1163 {strides = array<i32>} : memref<128x256xf32, #tpu.memory_space<vmem>>, vector<16xf32>,
        %add3A_1226 = arith.constant 8 : i32
        %add3A_1227 = arith.addi %add3A_86, %add3A_1226 : i32
        %swap3A_1228 = arith.index_cast %add3A_1227 : i32 to index
        %swap3A_1229 = arith.constant 112 : index
        %swap3A_1230 = tpu.vector_load %arg9[%swap3A_1228, %swap3A_1229] {strides = array<i32>} : memref<128x256xf32, #tpu.memory_space<vmem>>, vector<16xf32>,
        tpu.vector_store %arg9[%swap3A_1228, %swap3A_1229], %get3A_1166 {strides = array<i32>} : memref<128x256xf32, #tpu.memory_space<vmem>>, vector<16xf32>,
        %add3A_1231 = arith.constant 8 : i32
        %add3A_1232 = arith.addi %add3A_86, %add3A_1231 : i32
        %swap3A_1233 = arith.index_cast %add3A_1232 : i32 to index
        %swap3A_1234 = arith.constant 128 : index
        %swap3A_1235 = tpu.vector_load %arg9[%swap3A_1233, %swap3A_1234] {strides = array<i32>} : memref<128x256xf32, #tpu.memory_space<vmem>>, vector<16xf32>,
        tpu.vector_store %arg9[%swap3A_1233, %swap3A_1234], %get3A_1169 {strides = array<i32>} : memref<128x256xf32, #tpu.memory_space<vmem>>, vector<16xf32>,
        %add3A_1236 = arith.constant 8 : i32
        %add3A_1237 = arith.addi %add3A_86, %add3A_1236 : i32
        %swap3A_1238 = arith.index_cast %add3A_1237 : i32 to index
        %swap3A_1239 = arith.constant 144 : index
        %swap3A_1240 = tpu.vector_load %arg9[%swap3A_1238, %swap3A_1239] {strides = array<i32>} : memref<128x256xf32, #tpu.memory_space<vmem>>, vector<16xf32>,
        tpu.vector_store %arg9[%swap3A_1238, %swap3A_1239], %get3A_1172 {strides = array<i32>} : memref<128x256xf32, #tpu.memory_space<vmem>>, vector<16xf32>,
        %add3A_1241 = arith.constant 8 : i32
        %add3A_1242 = arith.addi %add3A_86, %add3A_1241 : i32
        %swap3A_1243 = arith.index_cast %add3A_1242 : i32 to index
        %swap3A_1244 = arith.constant 160 : index
        %swap3A_1245 = tpu.vector_load %arg9[%swap3A_1243, %swap3A_1244] {strides = array<i32>} : memref<128x256xf32, #tpu.memory_space<vmem>>, vector<16xf32>,
        tpu.vector_store %arg9[%swap3A_1243, %swap3A_1244], %get3A_1175 {strides = array<i32>} : memref<128x256xf32, #tpu.memory_space<vmem>>, vector<16xf32>,
        %add3A_1246 = arith.constant 8 : i32
        %add3A_1247 = arith.addi %add3A_86, %add3A_1246 : i32
        %swap3A_1248 = arith.index_cast %add3A_1247 : i32 to index
        %swap3A_1249 = arith.constant 176 : index
        %swap3A_1250 = tpu.vector_load %arg9[%swap3A_1248, %swap3A_1249] {strides = array<i32>} : memref<128x256xf32, #tpu.memory_space<vmem>>, vector<16xf32>,
        tpu.vector_store %arg9[%swap3A_1248, %swap3A_1249], %get3A_1178 {strides = array<i32>} : memref<128x256xf32, #tpu.memory_space<vmem>>, vector<16xf32>,
        %add3A_1251 = arith.constant 8 : i32
        %add3A_1252 = arith.addi %add3A_86, %add3A_1251 : i32
        %swap3A_1253 = arith.index_cast %add3A_1252 : i32 to index
        %swap3A_1254 = arith.constant 192 : index
        %swap3A_1255 = tpu.vector_load %arg9[%swap3A_1253, %swap3A_1254] {strides = array<i32>} : memref<128x256xf32, #tpu.memory_space<vmem>>, vector<16xf32>,
        tpu.vector_store %arg9[%swap3A_1253, %swap3A_1254], %get3A_1181 {strides = array<i32>} : memref<128x256xf32, #tpu.memory_space<vmem>>, vector<16xf32>,
        %add3A_1256 = arith.constant 8 : i32
        %add3A_1257 = arith.addi %add3A_86, %add3A_1256 : i32
        %swap3A_1258 = arith.index_cast %add3A_1257 : i32 to index
        %swap3A_1259 = arith.constant 208 : index
        %swap3A_1260 = tpu.vector_load %arg9[%swap3A_1258, %swap3A_1259] {strides = array<i32>} : memref<128x256xf32, #tpu.memory_space<vmem>>, vector<16xf32>,
        tpu.vector_store %arg9[%swap3A_1258, %swap3A_1259], %get3A_1184 {strides = array<i32>} : memref<128x256xf32, #tpu.memory_space<vmem>>, vector<16xf32>,
        %add3A_1261 = arith.constant 8 : i32
        %add3A_1262 = arith.addi %add3A_86, %add3A_1261 : i32
        %swap3A_1263 = arith.index_cast %add3A_1262 : i32 to index
        %swap3A_1264 = arith.constant 224 : index
        %swap3A_1265 = tpu.vector_load %arg9[%swap3A_1263, %swap3A_1264] {strides = array<i32>} : memref<128x256xf32, #tpu.memory_space<vmem>>, vector<16xf32>,
        tpu.vector_store %arg9[%swap3A_1263, %swap3A_1264], %get3A_1187 {strides = array<i32>} : memref<128x256xf32, #tpu.memory_space<vmem>>, vector<16xf32>,
        %add3A_1266 = arith.constant 8 : i32
        %add3A_1267 = arith.addi %add3A_86, %add3A_1266 : i32
        %swap3A_1268 = arith.index_cast %add3A_1267 : i32 to index
        %swap3A_1269 = arith.constant 240 : index
        %swap3A_1270 = tpu.vector_load %arg9[%swap3A_1268, %swap3A_1269] {strides = array<i32>} : memref<128x256xf32, #tpu.memory_space<vmem>>, vector<16xf32>,
        tpu.vector_store %arg9[%swap3A_1268, %swap3A_1269], %get3A_1190 {strides = array<i32>} : memref<128x256xf32, #tpu.memory_space<vmem>>, vector<16xf32>,
        %get3A_1271 = arith.index_cast %squeeze3A_106 : i32 to index
        %get3A_1272 = arith.constant 0 : index
        %get3A_1273 = tpu.vector_load %arg8[%get3A_1271, %get3A_1272] {strides = array<i32>} : memref<256x256xf32, #tpu.memory_space<vmem>>, vector<16xf32>,
        %get3A_1274 = arith.index_cast %squeeze3A_106 : i32 to index
        %get3A_1275 = arith.constant 16 : index
        %get3A_1276 = tpu.vector_load %arg8[%get3A_1274, %get3A_1275] {strides = array<i32>} : memref<256x256xf32, #tpu.memory_space<vmem>>, vector<16xf32>,
        %get3A_1277 = arith.index_cast %squeeze3A_106 : i32 to index
        %get3A_1278 = arith.constant 32 : index
        %get3A_1279 = tpu.vector_load %arg8[%get3A_1277, %get3A_1278] {strides = array<i32>} : memref<256x256xf32, #tpu.memory_space<vmem>>, vector<16xf32>,
        %get3A_1280 = arith.index_cast %squeeze3A_106 : i32 to index
        %get3A_1281 = arith.constant 48 : index
        %get3A_1282 = tpu.vector_load %arg8[%get3A_1280, %get3A_1281] {strides = array<i32>} : memref<256x256xf32, #tpu.memory_space<vmem>>, vector<16xf32>,
        %get3A_1283 = arith.index_cast %squeeze3A_106 : i32 to index
        %get3A_1284 = arith.constant 64 : index
        %get3A_1285 = tpu.vector_load %arg8[%get3A_1283, %get3A_1284] {strides = array<i32>} : memref<256x256xf32, #tpu.memory_space<vmem>>, vector<16xf32>,
        %get3A_1286 = arith.index_cast %squeeze3A_106 : i32 to index
        %get3A_1287 = arith.constant 80 : index
        %get3A_1288 = tpu.vector_load %arg8[%get3A_1286, %get3A_1287] {strides = array<i32>} : memref<256x256xf32, #tpu.memory_space<vmem>>, vector<16xf32>,
        %get3A_1289 = arith.index_cast %squeeze3A_106 : i32 to index
        %get3A_1290 = arith.constant 96 : index
        %get3A_1291 = tpu.vector_load %arg8[%get3A_1289, %get3A_1290] {strides = array<i32>} : memref<256x256xf32, #tpu.memory_space<vmem>>, vector<16xf32>,
        %get3A_1292 = arith.index_cast %squeeze3A_106 : i32 to index
        %get3A_1293 = arith.constant 112 : index
        %get3A_1294 = tpu.vector_load %arg8[%get3A_1292, %get3A_1293] {strides = array<i32>} : memref<256x256xf32, #tpu.memory_space<vmem>>, vector<16xf32>,
        %get3A_1295 = arith.index_cast %squeeze3A_106 : i32 to index
        %get3A_1296 = arith.constant 128 : index
        %get3A_1297 = tpu.vector_load %arg8[%get3A_1295, %get3A_1296] {strides = array<i32>} : memref<256x256xf32, #tpu.memory_space<vmem>>, vector<16xf32>,
        %get3A_1298 = arith.index_cast %squeeze3A_106 : i32 to index
        %get3A_1299 = arith.constant 144 : index
        %get3A_1300 = tpu.vector_load %arg8[%get3A_1298, %get3A_1299] {strides = array<i32>} : memref<256x256xf32, #tpu.memory_space<vmem>>, vector<16xf32>,
        %get3A_1301 = arith.index_cast %squeeze3A_106 : i32 to index
        %get3A_1302 = arith.constant 160 : index
        %get3A_1303 = tpu.vector_load %arg8[%get3A_1301, %get3A_1302] {strides = array<i32>} : memref<256x256xf32, #tpu.memory_space<vmem>>, vector<16xf32>,
        %get3A_1304 = arith.index_cast %squeeze3A_106 : i32 to index
        %get3A_1305 = arith.constant 176 : index
        %get3A_1306 = tpu.vector_load %arg8[%get3A_1304, %get3A_1305] {strides = array<i32>} : memref<256x256xf32, #tpu.memory_space<vmem>>, vector<16xf32>,
        %get3A_1307 = arith.index_cast %squeeze3A_106 : i32 to index
        %get3A_1308 = arith.constant 192 : index
        %get3A_1309 = tpu.vector_load %arg8[%get3A_1307, %get3A_1308] {strides = array<i32>} : memref<256x256xf32, #tpu.memory_space<vmem>>, vector<16xf32>,
        %get3A_1310 = arith.index_cast %squeeze3A_106 : i32 to index
        %get3A_1311 = arith.constant 208 : index
        %get3A_1312 = tpu.vector_load %arg8[%get3A_1310, %get3A_1311] {strides = array<i32>} : memref<256x256xf32, #tpu.memory_space<vmem>>, vector<16xf32>,
        %get3A_1313 = arith.index_cast %squeeze3A_106 : i32 to index
        %get3A_1314 = arith.constant 224 : index
        %get3A_1315 = tpu.vector_load %arg8[%get3A_1313, %get3A_1314] {strides = array<i32>} : memref<256x256xf32, #tpu.memory_space<vmem>>, vector<16xf32>,
        %get3A_1316 = arith.index_cast %squeeze3A_106 : i32 to index
        %get3A_1317 = arith.constant 240 : index
        %get3A_1318 = tpu.vector_load %arg8[%get3A_1316, %get3A_1317] {strides = array<i32>} : memref<256x256xf32, #tpu.memory_space<vmem>>, vector<16xf32>,
        %add3A_1319 = arith.constant 9 : i32
        %add3A_1320 = arith.addi %add3A_86, %add3A_1319 : i32
        %swap3A_1321 = arith.index_cast %add3A_1320 : i32 to index
        %swap3A_1322 = arith.constant 0 : index
        %swap3A_1323 = tpu.vector_load %arg9[%swap3A_1321, %swap3A_1322] {strides = array<i32>} : memref<128x256xf32, #tpu.memory_space<vmem>>, vector<16xf32>,
        tpu.vector_store %arg9[%swap3A_1321, %swap3A_1322], %get3A_1273 {strides = array<i32>} : memref<128x256xf32, #tpu.memory_space<vmem>>, vector<16xf32>,
        %add3A_1324 = arith.constant 9 : i32
        %add3A_1325 = arith.addi %add3A_86, %add3A_1324 : i32
        %swap3A_1326 = arith.index_cast %add3A_1325 : i32 to index
        %swap3A_1327 = arith.constant 16 : index
        %swap3A_1328 = tpu.vector_load %arg9[%swap3A_1326, %swap3A_1327] {strides = array<i32>} : memref<128x256xf32, #tpu.memory_space<vmem>>, vector<16xf32>,
        tpu.vector_store %arg9[%swap3A_1326, %swap3A_1327], %get3A_1276 {strides = array<i32>} : memref<128x256xf32, #tpu.memory_space<vmem>>, vector<16xf32>,
        %add3A_1329 = arith.constant 9 : i32
        %add3A_1330 = arith.addi %add3A_86, %add3A_1329 : i32
        %swap3A_1331 = arith.index_cast %add3A_1330 : i32 to index
        %swap3A_1332 = arith.constant 32 : index
        %swap3A_1333 = tpu.vector_load %arg9[%swap3A_1331, %swap3A_1332] {strides = array<i32>} : memref<128x256xf32, #tpu.memory_space<vmem>>, vector<16xf32>,
        tpu.vector_store %arg9[%swap3A_1331, %swap3A_1332], %get3A_1279 {strides = array<i32>} : memref<128x256xf32, #tpu.memory_space<vmem>>, vector<16xf32>,
        %add3A_1334 = arith.constant 9 : i32
        %add3A_1335 = arith.addi %add3A_86, %add3A_1334 : i32
        %swap3A_1336 = arith.index_cast %add3A_1335 : i32 to index
        %swap3A_1337 = arith.constant 48 : index
        %swap3A_1338 = tpu.vector_load %arg9[%swap3A_1336, %swap3A_1337] {strides = array<i32>} : memref<128x256xf32, #tpu.memory_space<vmem>>, vector<16xf32>,
        tpu.vector_store %arg9[%swap3A_1336, %swap3A_1337], %get3A_1282 {strides = array<i32>} : memref<128x256xf32, #tpu.memory_space<vmem>>, vector<16xf32>,
        %add3A_1339 = arith.constant 9 : i32
        %add3A_1340 = arith.addi %add3A_86, %add3A_1339 : i32
        %swap3A_1341 = arith.index_cast %add3A_1340 : i32 to index
        %swap3A_1342 = arith.constant 64 : index
        %swap3A_1343 = tpu.vector_load %arg9[%swap3A_1341, %swap3A_1342] {strides = array<i32>} : memref<128x256xf32, #tpu.memory_space<vmem>>, vector<16xf32>,
        tpu.vector_store %arg9[%swap3A_1341, %swap3A_1342], %get3A_1285 {strides = array<i32>} : memref<128x256xf32, #tpu.memory_space<vmem>>, vector<16xf32>,
        %add3A_1344 = arith.constant 9 : i32
        %add3A_1345 = arith.addi %add3A_86, %add3A_1344 : i32
        %swap3A_1346 = arith.index_cast %add3A_1345 : i32 to index
        %swap3A_1347 = arith.constant 80 : index
        %swap3A_1348 = tpu.vector_load %arg9[%swap3A_1346, %swap3A_1347] {strides = array<i32>} : memref<128x256xf32, #tpu.memory_space<vmem>>, vector<16xf32>,
        tpu.vector_store %arg9[%swap3A_1346, %swap3A_1347], %get3A_1288 {strides = array<i32>} : memref<128x256xf32, #tpu.memory_space<vmem>>, vector<16xf32>,
        %add3A_1349 = arith.constant 9 : i32
        %add3A_1350 = arith.addi %add3A_86, %add3A_1349 : i32
        %swap3A_1351 = arith.index_cast %add3A_1350 : i32 to index
        %swap3A_1352 = arith.constant 96 : index
        %swap3A_1353 = tpu.vector_load %arg9[%swap3A_1351, %swap3A_1352] {strides = array<i32>} : memref<128x256xf32, #tpu.memory_space<vmem>>, vector<16xf32>,
        tpu.vector_store %arg9[%swap3A_1351, %swap3A_1352], %get3A_1291 {strides = array<i32>} : memref<128x256xf32, #tpu.memory_space<vmem>>, vector<16xf32>,
        %add3A_1354 = arith.constant 9 : i32
        %add3A_1355 = arith.addi %add3A_86, %add3A_1354 : i32
        %swap3A_1356 = arith.index_cast %add3A_1355 : i32 to index
        %swap3A_1357 = arith.constant 112 : index
        %swap3A_1358 = tpu.vector_load %arg9[%swap3A_1356, %swap3A_1357] {strides = array<i32>} : memref<128x256xf32, #tpu.memory_space<vmem>>, vector<16xf32>,
        tpu.vector_store %arg9[%swap3A_1356, %swap3A_1357], %get3A_1294 {strides = array<i32>} : memref<128x256xf32, #tpu.memory_space<vmem>>, vector<16xf32>,
        %add3A_1359 = arith.constant 9 : i32
        %add3A_1360 = arith.addi %add3A_86, %add3A_1359 : i32
        %swap3A_1361 = arith.index_cast %add3A_1360 : i32 to index
        %swap3A_1362 = arith.constant 128 : index
        %swap3A_1363 = tpu.vector_load %arg9[%swap3A_1361, %swap3A_1362] {strides = array<i32>} : memref<128x256xf32, #tpu.memory_space<vmem>>, vector<16xf32>,
        tpu.vector_store %arg9[%swap3A_1361, %swap3A_1362], %get3A_1297 {strides = array<i32>} : memref<128x256xf32, #tpu.memory_space<vmem>>, vector<16xf32>,
        %add3A_1364 = arith.constant 9 : i32
        %add3A_1365 = arith.addi %add3A_86, %add3A_1364 : i32
        %swap3A_1366 = arith.index_cast %add3A_1365 : i32 to index
        %swap3A_1367 = arith.constant 144 : index
        %swap3A_1368 = tpu.vector_load %arg9[%swap3A_1366, %swap3A_1367] {strides = array<i32>} : memref<128x256xf32, #tpu.memory_space<vmem>>, vector<16xf32>,
        tpu.vector_store %arg9[%swap3A_1366, %swap3A_1367], %get3A_1300 {strides = array<i32>} : memref<128x256xf32, #tpu.memory_space<vmem>>, vector<16xf32>,
        %add3A_1369 = arith.constant 9 : i32
        %add3A_1370 = arith.addi %add3A_86, %add3A_1369 : i32
        %swap3A_1371 = arith.index_cast %add3A_1370 : i32 to index
        %swap3A_1372 = arith.constant 160 : index
        %swap3A_1373 = tpu.vector_load %arg9[%swap3A_1371, %swap3A_1372] {strides = array<i32>} : memref<128x256xf32, #tpu.memory_space<vmem>>, vector<16xf32>,
        tpu.vector_store %arg9[%swap3A_1371, %swap3A_1372], %get3A_1303 {strides = array<i32>} : memref<128x256xf32, #tpu.memory_space<vmem>>, vector<16xf32>,
        %add3A_1374 = arith.constant 9 : i32
        %add3A_1375 = arith.addi %add3A_86, %add3A_1374 : i32
        %swap3A_1376 = arith.index_cast %add3A_1375 : i32 to index
        %swap3A_1377 = arith.constant 176 : index
        %swap3A_1378 = tpu.vector_load %arg9[%swap3A_1376, %swap3A_1377] {strides = array<i32>} : memref<128x256xf32, #tpu.memory_space<vmem>>, vector<16xf32>,
        tpu.vector_store %arg9[%swap3A_1376, %swap3A_1377], %get3A_1306 {strides = array<i32>} : memref<128x256xf32, #tpu.memory_space<vmem>>, vector<16xf32>,
        %add3A_1379 = arith.constant 9 : i32
        %add3A_1380 = arith.addi %add3A_86, %add3A_1379 : i32
        %swap3A_1381 = arith.index_cast %add3A_1380 : i32 to index
        %swap3A_1382 = arith.constant 192 : index
        %swap3A_1383 = tpu.vector_load %arg9[%swap3A_1381, %swap3A_1382] {strides = array<i32>} : memref<128x256xf32, #tpu.memory_space<vmem>>, vector<16xf32>,
        tpu.vector_store %arg9[%swap3A_1381, %swap3A_1382], %get3A_1309 {strides = array<i32>} : memref<128x256xf32, #tpu.memory_space<vmem>>, vector<16xf32>,
        %add3A_1384 = arith.constant 9 : i32
        %add3A_1385 = arith.addi %add3A_86, %add3A_1384 : i32
        %swap3A_1386 = arith.index_cast %add3A_1385 : i32 to index
        %swap3A_1387 = arith.constant 208 : index
        %swap3A_1388 = tpu.vector_load %arg9[%swap3A_1386, %swap3A_1387] {strides = array<i32>} : memref<128x256xf32, #tpu.memory_space<vmem>>, vector<16xf32>,
        tpu.vector_store %arg9[%swap3A_1386, %swap3A_1387], %get3A_1312 {strides = array<i32>} : memref<128x256xf32, #tpu.memory_space<vmem>>, vector<16xf32>,
        %add3A_1389 = arith.constant 9 : i32
        %add3A_1390 = arith.addi %add3A_86, %add3A_1389 : i32
        %swap3A_1391 = arith.index_cast %add3A_1390 : i32 to index
        %swap3A_1392 = arith.constant 224 : index
        %swap3A_1393 = tpu.vector_load %arg9[%swap3A_1391, %swap3A_1392] {strides = array<i32>} : memref<128x256xf32, #tpu.memory_space<vmem>>, vector<16xf32>,
        tpu.vector_store %arg9[%swap3A_1391, %swap3A_1392], %get3A_1315 {strides = array<i32>} : memref<128x256xf32, #tpu.memory_space<vmem>>, vector<16xf32>,
        %add3A_1394 = arith.constant 9 : i32
        %add3A_1395 = arith.addi %add3A_86, %add3A_1394 : i32
        %swap3A_1396 = arith.index_cast %add3A_1395 : i32 to index
        %swap3A_1397 = arith.constant 240 : index
        %swap3A_1398 = tpu.vector_load %arg9[%swap3A_1396, %swap3A_1397] {strides = array<i32>} : memref<128x256xf32, #tpu.memory_space<vmem>>, vector<16xf32>,
        tpu.vector_store %arg9[%swap3A_1396, %swap3A_1397], %get3A_1318 {strides = array<i32>} : memref<128x256xf32, #tpu.memory_space<vmem>>, vector<16xf32>,
        %get3A_1399 = arith.index_cast %squeeze3A_108 : i32 to index
        %get3A_1400 = arith.constant 0 : index
        %get3A_1401 = tpu.vector_load %arg8[%get3A_1399, %get3A_1400] {strides = array<i32>} : memref<256x256xf32, #tpu.memory_space<vmem>>, vector<16xf32>,
        %get3A_1402 = arith.index_cast %squeeze3A_108 : i32 to index
        %get3A_1403 = arith.constant 16 : index
        %get3A_1404 = tpu.vector_load %arg8[%get3A_1402, %get3A_1403] {strides = array<i32>} : memref<256x256xf32, #tpu.memory_space<vmem>>, vector<16xf32>,
        %get3A_1405 = arith.index_cast %squeeze3A_108 : i32 to index
        %get3A_1406 = arith.constant 32 : index
        %get3A_1407 = tpu.vector_load %arg8[%get3A_1405, %get3A_1406] {strides = array<i32>} : memref<256x256xf32, #tpu.memory_space<vmem>>, vector<16xf32>,
        %get3A_1408 = arith.index_cast %squeeze3A_108 : i32 to index
        %get3A_1409 = arith.constant 48 : index
        %get3A_1410 = tpu.vector_load %arg8[%get3A_1408, %get3A_1409] {strides = array<i32>} : memref<256x256xf32, #tpu.memory_space<vmem>>, vector<16xf32>,
        %get3A_1411 = arith.index_cast %squeeze3A_108 : i32 to index
        %get3A_1412 = arith.constant 64 : index
        %get3A_1413 = tpu.vector_load %arg8[%get3A_1411, %get3A_1412] {strides = array<i32>} : memref<256x256xf32, #tpu.memory_space<vmem>>, vector<16xf32>,
        %get3A_1414 = arith.index_cast %squeeze3A_108 : i32 to index
        %get3A_1415 = arith.constant 80 : index
        %get3A_1416 = tpu.vector_load %arg8[%get3A_1414, %get3A_1415] {strides = array<i32>} : memref<256x256xf32, #tpu.memory_space<vmem>>, vector<16xf32>,
        %get3A_1417 = arith.index_cast %squeeze3A_108 : i32 to index
        %get3A_1418 = arith.constant 96 : index
        %get3A_1419 = tpu.vector_load %arg8[%get3A_1417, %get3A_1418] {strides = array<i32>} : memref<256x256xf32, #tpu.memory_space<vmem>>, vector<16xf32>,
        %get3A_1420 = arith.index_cast %squeeze3A_108 : i32 to index
        %get3A_1421 = arith.constant 112 : index
        %get3A_1422 = tpu.vector_load %arg8[%get3A_1420, %get3A_1421] {strides = array<i32>} : memref<256x256xf32, #tpu.memory_space<vmem>>, vector<16xf32>,
        %get3A_1423 = arith.index_cast %squeeze3A_108 : i32 to index
        %get3A_1424 = arith.constant 128 : index
        %get3A_1425 = tpu.vector_load %arg8[%get3A_1423, %get3A_1424] {strides = array<i32>} : memref<256x256xf32, #tpu.memory_space<vmem>>, vector<16xf32>,
        %get3A_1426 = arith.index_cast %squeeze3A_108 : i32 to index
        %get3A_1427 = arith.constant 144 : index
        %get3A_1428 = tpu.vector_load %arg8[%get3A_1426, %get3A_1427] {strides = array<i32>} : memref<256x256xf32, #tpu.memory_space<vmem>>, vector<16xf32>,
        %get3A_1429 = arith.index_cast %squeeze3A_108 : i32 to index
        %get3A_1430 = arith.constant 160 : index
        %get3A_1431 = tpu.vector_load %arg8[%get3A_1429, %get3A_1430] {strides = array<i32>} : memref<256x256xf32, #tpu.memory_space<vmem>>, vector<16xf32>,
        %get3A_1432 = arith.index_cast %squeeze3A_108 : i32 to index
        %get3A_1433 = arith.constant 176 : index
        %get3A_1434 = tpu.vector_load %arg8[%get3A_1432, %get3A_1433] {strides = array<i32>} : memref<256x256xf32, #tpu.memory_space<vmem>>, vector<16xf32>,
        %get3A_1435 = arith.index_cast %squeeze3A_108 : i32 to index
        %get3A_1436 = arith.constant 192 : index
        %get3A_1437 = tpu.vector_load %arg8[%get3A_1435, %get3A_1436] {strides = array<i32>} : memref<256x256xf32, #tpu.memory_space<vmem>>, vector<16xf32>,
        %get3A_1438 = arith.index_cast %squeeze3A_108 : i32 to index
        %get3A_1439 = arith.constant 208 : index
        %get3A_1440 = tpu.vector_load %arg8[%get3A_1438, %get3A_1439] {strides = array<i32>} : memref<256x256xf32, #tpu.memory_space<vmem>>, vector<16xf32>,
        %get3A_1441 = arith.index_cast %squeeze3A_108 : i32 to index
        %get3A_1442 = arith.constant 224 : index
        %get3A_1443 = tpu.vector_load %arg8[%get3A_1441, %get3A_1442] {strides = array<i32>} : memref<256x256xf32, #tpu.memory_space<vmem>>, vector<16xf32>,
        %get3A_1444 = arith.index_cast %squeeze3A_108 : i32 to index
        %get3A_1445 = arith.constant 240 : index
        %get3A_1446 = tpu.vector_load %arg8[%get3A_1444, %get3A_1445] {strides = array<i32>} : memref<256x256xf32, #tpu.memory_space<vmem>>, vector<16xf32>,
        %add3A_1447 = arith.constant 10 : i32
        %add3A_1448 = arith.addi %add3A_86, %add3A_1447 : i32
        %swap3A_1449 = arith.index_cast %add3A_1448 : i32 to index
        %swap3A_1450 = arith.constant 0 : index
        %swap3A_1451 = tpu.vector_load %arg9[%swap3A_1449, %swap3A_1450] {strides = array<i32>} : memref<128x256xf32, #tpu.memory_space<vmem>>, vector<16xf32>,
        tpu.vector_store %arg9[%swap3A_1449, %swap3A_1450], %get3A_1401 {strides = array<i32>} : memref<128x256xf32, #tpu.memory_space<vmem>>, vector<16xf32>,
        %add3A_1452 = arith.constant 10 : i32
        %add3A_1453 = arith.addi %add3A_86, %add3A_1452 : i32
        %swap3A_1454 = arith.index_cast %add3A_1453 : i32 to index
        %swap3A_1455 = arith.constant 16 : index
        %swap3A_1456 = tpu.vector_load %arg9[%swap3A_1454, %swap3A_1455] {strides = array<i32>} : memref<128x256xf32, #tpu.memory_space<vmem>>, vector<16xf32>,
        tpu.vector_store %arg9[%swap3A_1454, %swap3A_1455], %get3A_1404 {strides = array<i32>} : memref<128x256xf32, #tpu.memory_space<vmem>>, vector<16xf32>,
        %add3A_1457 = arith.constant 10 : i32
        %add3A_1458 = arith.addi %add3A_86, %add3A_1457 : i32
        %swap3A_1459 = arith.index_cast %add3A_1458 : i32 to index
        %swap3A_1460 = arith.constant 32 : index
        %swap3A_1461 = tpu.vector_load %arg9[%swap3A_1459, %swap3A_1460] {strides = array<i32>} : memref<128x256xf32, #tpu.memory_space<vmem>>, vector<16xf32>,
        tpu.vector_store %arg9[%swap3A_1459, %swap3A_1460], %get3A_1407 {strides = array<i32>} : memref<128x256xf32, #tpu.memory_space<vmem>>, vector<16xf32>,
        %add3A_1462 = arith.constant 10 : i32
        %add3A_1463 = arith.addi %add3A_86, %add3A_1462 : i32
        %swap3A_1464 = arith.index_cast %add3A_1463 : i32 to index
        %swap3A_1465 = arith.constant 48 : index
        %swap3A_1466 = tpu.vector_load %arg9[%swap3A_1464, %swap3A_1465] {strides = array<i32>} : memref<128x256xf32, #tpu.memory_space<vmem>>, vector<16xf32>,
        tpu.vector_store %arg9[%swap3A_1464, %swap3A_1465], %get3A_1410 {strides = array<i32>} : memref<128x256xf32, #tpu.memory_space<vmem>>, vector<16xf32>,
        %add3A_1467 = arith.constant 10 : i32
        %add3A_1468 = arith.addi %add3A_86, %add3A_1467 : i32
        %swap3A_1469 = arith.index_cast %add3A_1468 : i32 to index
        %swap3A_1470 = arith.constant 64 : index
        %swap3A_1471 = tpu.vector_load %arg9[%swap3A_1469, %swap3A_1470] {strides = array<i32>} : memref<128x256xf32, #tpu.memory_space<vmem>>, vector<16xf32>,
        tpu.vector_store %arg9[%swap3A_1469, %swap3A_1470], %get3A_1413 {strides = array<i32>} : memref<128x256xf32, #tpu.memory_space<vmem>>, vector<16xf32>,
        %add3A_1472 = arith.constant 10 : i32
        %add3A_1473 = arith.addi %add3A_86, %add3A_1472 : i32
        %swap3A_1474 = arith.index_cast %add3A_1473 : i32 to index
        %swap3A_1475 = arith.constant 80 : index
        %swap3A_1476 = tpu.vector_load %arg9[%swap3A_1474, %swap3A_1475] {strides = array<i32>} : memref<128x256xf32, #tpu.memory_space<vmem>>, vector<16xf32>,
        tpu.vector_store %arg9[%swap3A_1474, %swap3A_1475], %get3A_1416 {strides = array<i32>} : memref<128x256xf32, #tpu.memory_space<vmem>>, vector<16xf32>,
        %add3A_1477 = arith.constant 10 : i32
        %add3A_1478 = arith.addi %add3A_86, %add3A_1477 : i32
        %swap3A_1479 = arith.index_cast %add3A_1478 : i32 to index
        %swap3A_1480 = arith.constant 96 : index
        %swap3A_1481 = tpu.vector_load %arg9[%swap3A_1479, %swap3A_1480] {strides = array<i32>} : memref<128x256xf32, #tpu.memory_space<vmem>>, vector<16xf32>,
        tpu.vector_store %arg9[%swap3A_1479, %swap3A_1480], %get3A_1419 {strides = array<i32>} : memref<128x256xf32, #tpu.memory_space<vmem>>, vector<16xf32>,
        %add3A_1482 = arith.constant 10 : i32
        %add3A_1483 = arith.addi %add3A_86, %add3A_1482 : i32
        %swap3A_1484 = arith.index_cast %add3A_1483 : i32 to index
        %swap3A_1485 = arith.constant 112 : index
        %swap3A_1486 = tpu.vector_load %arg9[%swap3A_1484, %swap3A_1485] {strides = array<i32>} : memref<128x256xf32, #tpu.memory_space<vmem>>, vector<16xf32>,
        tpu.vector_store %arg9[%swap3A_1484, %swap3A_1485], %get3A_1422 {strides = array<i32>} : memref<128x256xf32, #tpu.memory_space<vmem>>, vector<16xf32>,
        %add3A_1487 = arith.constant 10 : i32
        %add3A_1488 = arith.addi %add3A_86, %add3A_1487 : i32
        %swap3A_1489 = arith.index_cast %add3A_1488 : i32 to index
        %swap3A_1490 = arith.constant 128 : index
        %swap3A_1491 = tpu.vector_load %arg9[%swap3A_1489, %swap3A_1490] {strides = array<i32>} : memref<128x256xf32, #tpu.memory_space<vmem>>, vector<16xf32>,
        tpu.vector_store %arg9[%swap3A_1489, %swap3A_1490], %get3A_1425 {strides = array<i32>} : memref<128x256xf32, #tpu.memory_space<vmem>>, vector<16xf32>,
        %add3A_1492 = arith.constant 10 : i32
        %add3A_1493 = arith.addi %add3A_86, %add3A_1492 : i32
        %swap3A_1494 = arith.index_cast %add3A_1493 : i32 to index
        %swap3A_1495 = arith.constant 144 : index
        %swap3A_1496 = tpu.vector_load %arg9[%swap3A_1494, %swap3A_1495] {strides = array<i32>} : memref<128x256xf32, #tpu.memory_space<vmem>>, vector<16xf32>,
        tpu.vector_store %arg9[%swap3A_1494, %swap3A_1495], %get3A_1428 {strides = array<i32>} : memref<128x256xf32, #tpu.memory_space<vmem>>, vector<16xf32>,
        %add3A_1497 = arith.constant 10 : i32
        %add3A_1498 = arith.addi %add3A_86, %add3A_1497 : i32
        %swap3A_1499 = arith.index_cast %add3A_1498 : i32 to index
        %swap3A_1500 = arith.constant 160 : index
        %swap3A_1501 = tpu.vector_load %arg9[%swap3A_1499, %swap3A_1500] {strides = array<i32>} : memref<128x256xf32, #tpu.memory_space<vmem>>, vector<16xf32>,
        tpu.vector_store %arg9[%swap3A_1499, %swap3A_1500], %get3A_1431 {strides = array<i32>} : memref<128x256xf32, #tpu.memory_space<vmem>>, vector<16xf32>,
        %add3A_1502 = arith.constant 10 : i32
        %add3A_1503 = arith.addi %add3A_86, %add3A_1502 : i32
        %swap3A_1504 = arith.index_cast %add3A_1503 : i32 to index
        %swap3A_1505 = arith.constant 176 : index
        %swap3A_1506 = tpu.vector_load %arg9[%swap3A_1504, %swap3A_1505] {strides = array<i32>} : memref<128x256xf32, #tpu.memory_space<vmem>>, vector<16xf32>,
        tpu.vector_store %arg9[%swap3A_1504, %swap3A_1505], %get3A_1434 {strides = array<i32>} : memref<128x256xf32, #tpu.memory_space<vmem>>, vector<16xf32>,
        %add3A_1507 = arith.constant 10 : i32
        %add3A_1508 = arith.addi %add3A_86, %add3A_1507 : i32
        %swap3A_1509 = arith.index_cast %add3A_1508 : i32 to index
        %swap3A_1510 = arith.constant 192 : index
        %swap3A_1511 = tpu.vector_load %arg9[%swap3A_1509, %swap3A_1510] {strides = array<i32>} : memref<128x256xf32, #tpu.memory_space<vmem>>, vector<16xf32>,
        tpu.vector_store %arg9[%swap3A_1509, %swap3A_1510], %get3A_1437 {strides = array<i32>} : memref<128x256xf32, #tpu.memory_space<vmem>>, vector<16xf32>,
        %add3A_1512 = arith.constant 10 : i32
        %add3A_1513 = arith.addi %add3A_86, %add3A_1512 : i32
        %swap3A_1514 = arith.index_cast %add3A_1513 : i32 to index
        %swap3A_1515 = arith.constant 208 : index
        %swap3A_1516 = tpu.vector_load %arg9[%swap3A_1514, %swap3A_1515] {strides = array<i32>} : memref<128x256xf32, #tpu.memory_space<vmem>>, vector<16xf32>,
        tpu.vector_store %arg9[%swap3A_1514, %swap3A_1515], %get3A_1440 {strides = array<i32>} : memref<128x256xf32, #tpu.memory_space<vmem>>, vector<16xf32>,
        %add3A_1517 = arith.constant 10 : i32
        %add3A_1518 = arith.addi %add3A_86, %add3A_1517 : i32
        %swap3A_1519 = arith.index_cast %add3A_1518 : i32 to index
        %swap3A_1520 = arith.constant 224 : index
        %swap3A_1521 = tpu.vector_load %arg9[%swap3A_1519, %swap3A_1520] {strides = array<i32>} : memref<128x256xf32, #tpu.memory_space<vmem>>, vector<16xf32>,
        tpu.vector_store %arg9[%swap3A_1519, %swap3A_1520], %get3A_1443 {strides = array<i32>} : memref<128x256xf32, #tpu.memory_space<vmem>>, vector<16xf32>,
        %add3A_1522 = arith.constant 10 : i32
        %add3A_1523 = arith.addi %add3A_86, %add3A_1522 : i32
        %swap3A_1524 = arith.index_cast %add3A_1523 : i32 to index
        %swap3A_1525 = arith.constant 240 : index
        %swap3A_1526 = tpu.vector_load %arg9[%swap3A_1524, %swap3A_1525] {strides = array<i32>} : memref<128x256xf32, #tpu.memory_space<vmem>>, vector<16xf32>,
        tpu.vector_store %arg9[%swap3A_1524, %swap3A_1525], %get3A_1446 {strides = array<i32>} : memref<128x256xf32, #tpu.memory_space<vmem>>, vector<16xf32>,
        %get3A_1527 = arith.index_cast %squeeze3A_110 : i32 to index
        %get3A_1528 = arith.constant 0 : index
        %get3A_1529 = tpu.vector_load %arg8[%get3A_1527, %get3A_1528] {strides = array<i32>} : memref<256x256xf32, #tpu.memory_space<vmem>>, vector<16xf32>,
        %get3A_1530 = arith.index_cast %squeeze3A_110 : i32 to index
        %get3A_1531 = arith.constant 16 : index
        %get3A_1532 = tpu.vector_load %arg8[%get3A_1530, %get3A_1531] {strides = array<i32>} : memref<256x256xf32, #tpu.memory_space<vmem>>, vector<16xf32>,
        %get3A_1533 = arith.index_cast %squeeze3A_110 : i32 to index
        %get3A_1534 = arith.constant 32 : index
        %get3A_1535 = tpu.vector_load %arg8[%get3A_1533, %get3A_1534] {strides = array<i32>} : memref<256x256xf32, #tpu.memory_space<vmem>>, vector<16xf32>,
        %get3A_1536 = arith.index_cast %squeeze3A_110 : i32 to index
        %get3A_1537 = arith.constant 48 : index
        %get3A_1538 = tpu.vector_load %arg8[%get3A_1536, %get3A_1537] {strides = array<i32>} : memref<256x256xf32, #tpu.memory_space<vmem>>, vector<16xf32>,
        %get3A_1539 = arith.index_cast %squeeze3A_110 : i32 to index
        %get3A_1540 = arith.constant 64 : index
        %get3A_1541 = tpu.vector_load %arg8[%get3A_1539, %get3A_1540] {strides = array<i32>} : memref<256x256xf32, #tpu.memory_space<vmem>>, vector<16xf32>,
        %get3A_1542 = arith.index_cast %squeeze3A_110 : i32 to index
        %get3A_1543 = arith.constant 80 : index
        %get3A_1544 = tpu.vector_load %arg8[%get3A_1542, %get3A_1543] {strides = array<i32>} : memref<256x256xf32, #tpu.memory_space<vmem>>, vector<16xf32>,
        %get3A_1545 = arith.index_cast %squeeze3A_110 : i32 to index
        %get3A_1546 = arith.constant 96 : index
        %get3A_1547 = tpu.vector_load %arg8[%get3A_1545, %get3A_1546] {strides = array<i32>} : memref<256x256xf32, #tpu.memory_space<vmem>>, vector<16xf32>,
        %get3A_1548 = arith.index_cast %squeeze3A_110 : i32 to index
        %get3A_1549 = arith.constant 112 : index
        %get3A_1550 = tpu.vector_load %arg8[%get3A_1548, %get3A_1549] {strides = array<i32>} : memref<256x256xf32, #tpu.memory_space<vmem>>, vector<16xf32>,
        %get3A_1551 = arith.index_cast %squeeze3A_110 : i32 to index
        %get3A_1552 = arith.constant 128 : index
        %get3A_1553 = tpu.vector_load %arg8[%get3A_1551, %get3A_1552] {strides = array<i32>} : memref<256x256xf32, #tpu.memory_space<vmem>>, vector<16xf32>,
        %get3A_1554 = arith.index_cast %squeeze3A_110 : i32 to index
        %get3A_1555 = arith.constant 144 : index
        %get3A_1556 = tpu.vector_load %arg8[%get3A_1554, %get3A_1555] {strides = array<i32>} : memref<256x256xf32, #tpu.memory_space<vmem>>, vector<16xf32>,
        %get3A_1557 = arith.index_cast %squeeze3A_110 : i32 to index
        %get3A_1558 = arith.constant 160 : index
        %get3A_1559 = tpu.vector_load %arg8[%get3A_1557, %get3A_1558] {strides = array<i32>} : memref<256x256xf32, #tpu.memory_space<vmem>>, vector<16xf32>,
        %get3A_1560 = arith.index_cast %squeeze3A_110 : i32 to index
        %get3A_1561 = arith.constant 176 : index
        %get3A_1562 = tpu.vector_load %arg8[%get3A_1560, %get3A_1561] {strides = array<i32>} : memref<256x256xf32, #tpu.memory_space<vmem>>, vector<16xf32>,
        %get3A_1563 = arith.index_cast %squeeze3A_110 : i32 to index
        %get3A_1564 = arith.constant 192 : index
        %get3A_1565 = tpu.vector_load %arg8[%get3A_1563, %get3A_1564] {strides = array<i32>} : memref<256x256xf32, #tpu.memory_space<vmem>>, vector<16xf32>,
        %get3A_1566 = arith.index_cast %squeeze3A_110 : i32 to index
        %get3A_1567 = arith.constant 208 : index
        %get3A_1568 = tpu.vector_load %arg8[%get3A_1566, %get3A_1567] {strides = array<i32>} : memref<256x256xf32, #tpu.memory_space<vmem>>, vector<16xf32>,
        %get3A_1569 = arith.index_cast %squeeze3A_110 : i32 to index
        %get3A_1570 = arith.constant 224 : index
        %get3A_1571 = tpu.vector_load %arg8[%get3A_1569, %get3A_1570] {strides = array<i32>} : memref<256x256xf32, #tpu.memory_space<vmem>>, vector<16xf32>,
        %get3A_1572 = arith.index_cast %squeeze3A_110 : i32 to index
        %get3A_1573 = arith.constant 240 : index
        %get3A_1574 = tpu.vector_load %arg8[%get3A_1572, %get3A_1573] {strides = array<i32>} : memref<256x256xf32, #tpu.memory_space<vmem>>, vector<16xf32>,
        %add3A_1575 = arith.constant 11 : i32
        %add3A_1576 = arith.addi %add3A_86, %add3A_1575 : i32
        %swap3A_1577 = arith.index_cast %add3A_1576 : i32 to index
        %swap3A_1578 = arith.constant 0 : index
        %swap3A_1579 = tpu.vector_load %arg9[%swap3A_1577, %swap3A_1578] {strides = array<i32>} : memref<128x256xf32, #tpu.memory_space<vmem>>, vector<16xf32>,
        tpu.vector_store %arg9[%swap3A_1577, %swap3A_1578], %get3A_1529 {strides = array<i32>} : memref<128x256xf32, #tpu.memory_space<vmem>>, vector<16xf32>,
        %add3A_1580 = arith.constant 11 : i32
        %add3A_1581 = arith.addi %add3A_86, %add3A_1580 : i32
        %swap3A_1582 = arith.index_cast %add3A_1581 : i32 to index
        %swap3A_1583 = arith.constant 16 : index
        %swap3A_1584 = tpu.vector_load %arg9[%swap3A_1582, %swap3A_1583] {strides = array<i32>} : memref<128x256xf32, #tpu.memory_space<vmem>>, vector<16xf32>,
        tpu.vector_store %arg9[%swap3A_1582, %swap3A_1583], %get3A_1532 {strides = array<i32>} : memref<128x256xf32, #tpu.memory_space<vmem>>, vector<16xf32>,
        %add3A_1585 = arith.constant 11 : i32
        %add3A_1586 = arith.addi %add3A_86, %add3A_1585 : i32
        %swap3A_1587 = arith.index_cast %add3A_1586 : i32 to index
        %swap3A_1588 = arith.constant 32 : index
        %swap3A_1589 = tpu.vector_load %arg9[%swap3A_1587, %swap3A_1588] {strides = array<i32>} : memref<128x256xf32, #tpu.memory_space<vmem>>, vector<16xf32>,
        tpu.vector_store %arg9[%swap3A_1587, %swap3A_1588], %get3A_1535 {strides = array<i32>} : memref<128x256xf32, #tpu.memory_space<vmem>>, vector<16xf32>,
        %add3A_1590 = arith.constant 11 : i32
        %add3A_1591 = arith.addi %add3A_86, %add3A_1590 : i32
        %swap3A_1592 = arith.index_cast %add3A_1591 : i32 to index
        %swap3A_1593 = arith.constant 48 : index
        %swap3A_1594 = tpu.vector_load %arg9[%swap3A_1592, %swap3A_1593] {strides = array<i32>} : memref<128x256xf32, #tpu.memory_space<vmem>>, vector<16xf32>,
        tpu.vector_store %arg9[%swap3A_1592, %swap3A_1593], %get3A_1538 {strides = array<i32>} : memref<128x256xf32, #tpu.memory_space<vmem>>, vector<16xf32>,
        %add3A_1595 = arith.constant 11 : i32
        %add3A_1596 = arith.addi %add3A_86, %add3A_1595 : i32
        %swap3A_1597 = arith.index_cast %add3A_1596 : i32 to index
        %swap3A_1598 = arith.constant 64 : index
        %swap3A_1599 = tpu.vector_load %arg9[%swap3A_1597, %swap3A_1598] {strides = array<i32>} : memref<128x256xf32, #tpu.memory_space<vmem>>, vector<16xf32>,
        tpu.vector_store %arg9[%swap3A_1597, %swap3A_1598], %get3A_1541 {strides = array<i32>} : memref<128x256xf32, #tpu.memory_space<vmem>>, vector<16xf32>,
        %add3A_1600 = arith.constant 11 : i32
        %add3A_1601 = arith.addi %add3A_86, %add3A_1600 : i32
        %swap3A_1602 = arith.index_cast %add3A_1601 : i32 to index
        %swap3A_1603 = arith.constant 80 : index
        %swap3A_1604 = tpu.vector_load %arg9[%swap3A_1602, %swap3A_1603] {strides = array<i32>} : memref<128x256xf32, #tpu.memory_space<vmem>>, vector<16xf32>,
        tpu.vector_store %arg9[%swap3A_1602, %swap3A_1603], %get3A_1544 {strides = array<i32>} : memref<128x256xf32, #tpu.memory_space<vmem>>, vector<16xf32>,
        %add3A_1605 = arith.constant 11 : i32
        %add3A_1606 = arith.addi %add3A_86, %add3A_1605 : i32
        %swap3A_1607 = arith.index_cast %add3A_1606 : i32 to index
        %swap3A_1608 = arith.constant 96 : index
        %swap3A_1609 = tpu.vector_load %arg9[%swap3A_1607, %swap3A_1608] {strides = array<i32>} : memref<128x256xf32, #tpu.memory_space<vmem>>, vector<16xf32>,
        tpu.vector_store %arg9[%swap3A_1607, %swap3A_1608], %get3A_1547 {strides = array<i32>} : memref<128x256xf32, #tpu.memory_space<vmem>>, vector<16xf32>,
        %add3A_1610 = arith.constant 11 : i32
        %add3A_1611 = arith.addi %add3A_86, %add3A_1610 : i32
        %swap3A_1612 = arith.index_cast %add3A_1611 : i32 to index
        %swap3A_1613 = arith.constant 112 : index
        %swap3A_1614 = tpu.vector_load %arg9[%swap3A_1612, %swap3A_1613] {strides = array<i32>} : memref<128x256xf32, #tpu.memory_space<vmem>>, vector<16xf32>,
        tpu.vector_store %arg9[%swap3A_1612, %swap3A_1613], %get3A_1550 {strides = array<i32>} : memref<128x256xf32, #tpu.memory_space<vmem>>, vector<16xf32>,
        %add3A_1615 = arith.constant 11 : i32
        %add3A_1616 = arith.addi %add3A_86, %add3A_1615 : i32
        %swap3A_1617 = arith.index_cast %add3A_1616 : i32 to index
        %swap3A_1618 = arith.constant 128 : index
        %swap3A_1619 = tpu.vector_load %arg9[%swap3A_1617, %swap3A_1618] {strides = array<i32>} : memref<128x256xf32, #tpu.memory_space<vmem>>, vector<16xf32>,
        tpu.vector_store %arg9[%swap3A_1617, %swap3A_1618], %get3A_1553 {strides = array<i32>} : memref<128x256xf32, #tpu.memory_space<vmem>>, vector<16xf32>,
        %add3A_1620 = arith.constant 11 : i32
        %add3A_1621 = arith.addi %add3A_86, %add3A_1620 : i32
        %swap3A_1622 = arith.index_cast %add3A_1621 : i32 to index
        %swap3A_1623 = arith.constant 144 : index
        %swap3A_1624 = tpu.vector_load %arg9[%swap3A_1622, %swap3A_1623] {strides = array<i32>} : memref<128x256xf32, #tpu.memory_space<vmem>>, vector<16xf32>,
        tpu.vector_store %arg9[%swap3A_1622, %swap3A_1623], %get3A_1556 {strides = array<i32>} : memref<128x256xf32, #tpu.memory_space<vmem>>, vector<16xf32>,
        %add3A_1625 = arith.constant 11 : i32
        %add3A_1626 = arith.addi %add3A_86, %add3A_1625 : i32
        %swap3A_1627 = arith.index_cast %add3A_1626 : i32 to index
        %swap3A_1628 = arith.constant 160 : index
        %swap3A_1629 = tpu.vector_load %arg9[%swap3A_1627, %swap3A_1628] {strides = array<i32>} : memref<128x256xf32, #tpu.memory_space<vmem>>, vector<16xf32>,
        tpu.vector_store %arg9[%swap3A_1627, %swap3A_1628], %get3A_1559 {strides = array<i32>} : memref<128x256xf32, #tpu.memory_space<vmem>>, vector<16xf32>,
        %add3A_1630 = arith.constant 11 : i32
        %add3A_1631 = arith.addi %add3A_86, %add3A_1630 : i32
        %swap3A_1632 = arith.index_cast %add3A_1631 : i32 to index
        %swap3A_1633 = arith.constant 176 : index
        %swap3A_1634 = tpu.vector_load %arg9[%swap3A_1632, %swap3A_1633] {strides = array<i32>} : memref<128x256xf32, #tpu.memory_space<vmem>>, vector<16xf32>,
        tpu.vector_store %arg9[%swap3A_1632, %swap3A_1633], %get3A_1562 {strides = array<i32>} : memref<128x256xf32, #tpu.memory_space<vmem>>, vector<16xf32>,
        %add3A_1635 = arith.constant 11 : i32
        %add3A_1636 = arith.addi %add3A_86, %add3A_1635 : i32
        %swap3A_1637 = arith.index_cast %add3A_1636 : i32 to index
        %swap3A_1638 = arith.constant 192 : index
        %swap3A_1639 = tpu.vector_load %arg9[%swap3A_1637, %swap3A_1638] {strides = array<i32>} : memref<128x256xf32, #tpu.memory_space<vmem>>, vector<16xf32>,
        tpu.vector_store %arg9[%swap3A_1637, %swap3A_1638], %get3A_1565 {strides = array<i32>} : memref<128x256xf32, #tpu.memory_space<vmem>>, vector<16xf32>,
        %add3A_1640 = arith.constant 11 : i32
        %add3A_1641 = arith.addi %add3A_86, %add3A_1640 : i32
        %swap3A_1642 = arith.index_cast %add3A_1641 : i32 to index
        %swap3A_1643 = arith.constant 208 : index
        %swap3A_1644 = tpu.vector_load %arg9[%swap3A_1642, %swap3A_1643] {strides = array<i32>} : memref<128x256xf32, #tpu.memory_space<vmem>>, vector<16xf32>,
        tpu.vector_store %arg9[%swap3A_1642, %swap3A_1643], %get3A_1568 {strides = array<i32>} : memref<128x256xf32, #tpu.memory_space<vmem>>, vector<16xf32>,
        %add3A_1645 = arith.constant 11 : i32
        %add3A_1646 = arith.addi %add3A_86, %add3A_1645 : i32
        %swap3A_1647 = arith.index_cast %add3A_1646 : i32 to index
        %swap3A_1648 = arith.constant 224 : index
        %swap3A_1649 = tpu.vector_load %arg9[%swap3A_1647, %swap3A_1648] {strides = array<i32>} : memref<128x256xf32, #tpu.memory_space<vmem>>, vector<16xf32>,
        tpu.vector_store %arg9[%swap3A_1647, %swap3A_1648], %get3A_1571 {strides = array<i32>} : memref<128x256xf32, #tpu.memory_space<vmem>>, vector<16xf32>,
        %add3A_1650 = arith.constant 11 : i32
        %add3A_1651 = arith.addi %add3A_86, %add3A_1650 : i32
        %swap3A_1652 = arith.index_cast %add3A_1651 : i32 to index
        %swap3A_1653 = arith.constant 240 : index
        %swap3A_1654 = tpu.vector_load %arg9[%swap3A_1652, %swap3A_1653] {strides = array<i32>} : memref<128x256xf32, #tpu.memory_space<vmem>>, vector<16xf32>,
        tpu.vector_store %arg9[%swap3A_1652, %swap3A_1653], %get3A_1574 {strides = array<i32>} : memref<128x256xf32, #tpu.memory_space<vmem>>, vector<16xf32>,
        %get3A_1655 = arith.index_cast %squeeze3A_112 : i32 to index
        %get3A_1656 = arith.constant 0 : index
        %get3A_1657 = tpu.vector_load %arg8[%get3A_1655, %get3A_1656] {strides = array<i32>} : memref<256x256xf32, #tpu.memory_space<vmem>>, vector<16xf32>,
        %get3A_1658 = arith.index_cast %squeeze3A_112 : i32 to index
        %get3A_1659 = arith.constant 16 : index
        %get3A_1660 = tpu.vector_load %arg8[%get3A_1658, %get3A_1659] {strides = array<i32>} : memref<256x256xf32, #tpu.memory_space<vmem>>, vector<16xf32>,
        %get3A_1661 = arith.index_cast %squeeze3A_112 : i32 to index
        %get3A_1662 = arith.constant 32 : index
        %get3A_1663 = tpu.vector_load %arg8[%get3A_1661, %get3A_1662] {strides = array<i32>} : memref<256x256xf32, #tpu.memory_space<vmem>>, vector<16xf32>,
        %get3A_1664 = arith.index_cast %squeeze3A_112 : i32 to index
        %get3A_1665 = arith.constant 48 : index
        %get3A_1666 = tpu.vector_load %arg8[%get3A_1664, %get3A_1665] {strides = array<i32>} : memref<256x256xf32, #tpu.memory_space<vmem>>, vector<16xf32>,
        %get3A_1667 = arith.index_cast %squeeze3A_112 : i32 to index
        %get3A_1668 = arith.constant 64 : index
        %get3A_1669 = tpu.vector_load %arg8[%get3A_1667, %get3A_1668] {strides = array<i32>} : memref<256x256xf32, #tpu.memory_space<vmem>>, vector<16xf32>,
        %get3A_1670 = arith.index_cast %squeeze3A_112 : i32 to index
        %get3A_1671 = arith.constant 80 : index
        %get3A_1672 = tpu.vector_load %arg8[%get3A_1670, %get3A_1671] {strides = array<i32>} : memref<256x256xf32, #tpu.memory_space<vmem>>, vector<16xf32>,
        %get3A_1673 = arith.index_cast %squeeze3A_112 : i32 to index
        %get3A_1674 = arith.constant 96 : index
        %get3A_1675 = tpu.vector_load %arg8[%get3A_1673, %get3A_1674] {strides = array<i32>} : memref<256x256xf32, #tpu.memory_space<vmem>>, vector<16xf32>,
        %get3A_1676 = arith.index_cast %squeeze3A_112 : i32 to index
        %get3A_1677 = arith.constant 112 : index
        %get3A_1678 = tpu.vector_load %arg8[%get3A_1676, %get3A_1677] {strides = array<i32>} : memref<256x256xf32, #tpu.memory_space<vmem>>, vector<16xf32>,
        %get3A_1679 = arith.index_cast %squeeze3A_112 : i32 to index
        %get3A_1680 = arith.constant 128 : index
        %get3A_1681 = tpu.vector_load %arg8[%get3A_1679, %get3A_1680] {strides = array<i32>} : memref<256x256xf32, #tpu.memory_space<vmem>>, vector<16xf32>,
        %get3A_1682 = arith.index_cast %squeeze3A_112 : i32 to index
        %get3A_1683 = arith.constant 144 : index
        %get3A_1684 = tpu.vector_load %arg8[%get3A_1682, %get3A_1683] {strides = array<i32>} : memref<256x256xf32, #tpu.memory_space<vmem>>, vector<16xf32>,
        %get3A_1685 = arith.index_cast %squeeze3A_112 : i32 to index
        %get3A_1686 = arith.constant 160 : index
        %get3A_1687 = tpu.vector_load %arg8[%get3A_1685, %get3A_1686] {strides = array<i32>} : memref<256x256xf32, #tpu.memory_space<vmem>>, vector<16xf32>,
        %get3A_1688 = arith.index_cast %squeeze3A_112 : i32 to index
        %get3A_1689 = arith.constant 176 : index
        %get3A_1690 = tpu.vector_load %arg8[%get3A_1688, %get3A_1689] {strides = array<i32>} : memref<256x256xf32, #tpu.memory_space<vmem>>, vector<16xf32>,
        %get3A_1691 = arith.index_cast %squeeze3A_112 : i32 to index
        %get3A_1692 = arith.constant 192 : index
        %get3A_1693 = tpu.vector_load %arg8[%get3A_1691, %get3A_1692] {strides = array<i32>} : memref<256x256xf32, #tpu.memory_space<vmem>>, vector<16xf32>,
        %get3A_1694 = arith.index_cast %squeeze3A_112 : i32 to index
        %get3A_1695 = arith.constant 208 : index
        %get3A_1696 = tpu.vector_load %arg8[%get3A_1694, %get3A_1695] {strides = array<i32>} : memref<256x256xf32, #tpu.memory_space<vmem>>, vector<16xf32>,
        %get3A_1697 = arith.index_cast %squeeze3A_112 : i32 to index
        %get3A_1698 = arith.constant 224 : index
        %get3A_1699 = tpu.vector_load %arg8[%get3A_1697, %get3A_1698] {strides = array<i32>} : memref<256x256xf32, #tpu.memory_space<vmem>>, vector<16xf32>,
        %get3A_1700 = arith.index_cast %squeeze3A_112 : i32 to index
        %get3A_1701 = arith.constant 240 : index
        %get3A_1702 = tpu.vector_load %arg8[%get3A_1700, %get3A_1701] {strides = array<i32>} : memref<256x256xf32, #tpu.memory_space<vmem>>, vector<16xf32>,
        %add3A_1703 = arith.constant 12 : i32
        %add3A_1704 = arith.addi %add3A_86, %add3A_1703 : i32
        %swap3A_1705 = arith.index_cast %add3A_1704 : i32 to index
        %swap3A_1706 = arith.constant 0 : index
        %swap3A_1707 = tpu.vector_load %arg9[%swap3A_1705, %swap3A_1706] {strides = array<i32>} : memref<128x256xf32, #tpu.memory_space<vmem>>, vector<16xf32>,
        tpu.vector_store %arg9[%swap3A_1705, %swap3A_1706], %get3A_1657 {strides = array<i32>} : memref<128x256xf32, #tpu.memory_space<vmem>>, vector<16xf32>,
        %add3A_1708 = arith.constant 12 : i32
        %add3A_1709 = arith.addi %add3A_86, %add3A_1708 : i32
        %swap3A_1710 = arith.index_cast %add3A_1709 : i32 to index
        %swap3A_1711 = arith.constant 16 : index
        %swap3A_1712 = tpu.vector_load %arg9[%swap3A_1710, %swap3A_1711] {strides = array<i32>} : memref<128x256xf32, #tpu.memory_space<vmem>>, vector<16xf32>,
        tpu.vector_store %arg9[%swap3A_1710, %swap3A_1711], %get3A_1660 {strides = array<i32>} : memref<128x256xf32, #tpu.memory_space<vmem>>, vector<16xf32>,
        %add3A_1713 = arith.constant 12 : i32
        %add3A_1714 = arith.addi %add3A_86, %add3A_1713 : i32
        %swap3A_1715 = arith.index_cast %add3A_1714 : i32 to index
        %swap3A_1716 = arith.constant 32 : index
        %swap3A_1717 = tpu.vector_load %arg9[%swap3A_1715, %swap3A_1716] {strides = array<i32>} : memref<128x256xf32, #tpu.memory_space<vmem>>, vector<16xf32>,
        tpu.vector_store %arg9[%swap3A_1715, %swap3A_1716], %get3A_1663 {strides = array<i32>} : memref<128x256xf32, #tpu.memory_space<vmem>>, vector<16xf32>,
        %add3A_1718 = arith.constant 12 : i32
        %add3A_1719 = arith.addi %add3A_86, %add3A_1718 : i32
        %swap3A_1720 = arith.index_cast %add3A_1719 : i32 to index
        %swap3A_1721 = arith.constant 48 : index
        %swap3A_1722 = tpu.vector_load %arg9[%swap3A_1720, %swap3A_1721] {strides = array<i32>} : memref<128x256xf32, #tpu.memory_space<vmem>>, vector<16xf32>,
        tpu.vector_store %arg9[%swap3A_1720, %swap3A_1721], %get3A_1666 {strides = array<i32>} : memref<128x256xf32, #tpu.memory_space<vmem>>, vector<16xf32>,
        %add3A_1723 = arith.constant 12 : i32
        %add3A_1724 = arith.addi %add3A_86, %add3A_1723 : i32
        %swap3A_1725 = arith.index_cast %add3A_1724 : i32 to index
        %swap3A_1726 = arith.constant 64 : index
        %swap3A_1727 = tpu.vector_load %arg9[%swap3A_1725, %swap3A_1726] {strides = array<i32>} : memref<128x256xf32, #tpu.memory_space<vmem>>, vector<16xf32>,
        tpu.vector_store %arg9[%swap3A_1725, %swap3A_1726], %get3A_1669 {strides = array<i32>} : memref<128x256xf32, #tpu.memory_space<vmem>>, vector<16xf32>,
        %add3A_1728 = arith.constant 12 : i32
        %add3A_1729 = arith.addi %add3A_86, %add3A_1728 : i32
        %swap3A_1730 = arith.index_cast %add3A_1729 : i32 to index
        %swap3A_1731 = arith.constant 80 : index
        %swap3A_1732 = tpu.vector_load %arg9[%swap3A_1730, %swap3A_1731] {strides = array<i32>} : memref<128x256xf32, #tpu.memory_space<vmem>>, vector<16xf32>,
        tpu.vector_store %arg9[%swap3A_1730, %swap3A_1731], %get3A_1672 {strides = array<i32>} : memref<128x256xf32, #tpu.memory_space<vmem>>, vector<16xf32>,
        %add3A_1733 = arith.constant 12 : i32
        %add3A_1734 = arith.addi %add3A_86, %add3A_1733 : i32
        %swap3A_1735 = arith.index_cast %add3A_1734 : i32 to index
        %swap3A_1736 = arith.constant 96 : index
        %swap3A_1737 = tpu.vector_load %arg9[%swap3A_1735, %swap3A_1736] {strides = array<i32>} : memref<128x256xf32, #tpu.memory_space<vmem>>, vector<16xf32>,
        tpu.vector_store %arg9[%swap3A_1735, %swap3A_1736], %get3A_1675 {strides = array<i32>} : memref<128x256xf32, #tpu.memory_space<vmem>>, vector<16xf32>,
        %add3A_1738 = arith.constant 12 : i32
        %add3A_1739 = arith.addi %add3A_86, %add3A_1738 : i32
        %swap3A_1740 = arith.index_cast %add3A_1739 : i32 to index
        %swap3A_1741 = arith.constant 112 : index
        %swap3A_1742 = tpu.vector_load %arg9[%swap3A_1740, %swap3A_1741] {strides = array<i32>} : memref<128x256xf32, #tpu.memory_space<vmem>>, vector<16xf32>,
        tpu.vector_store %arg9[%swap3A_1740, %swap3A_1741], %get3A_1678 {strides = array<i32>} : memref<128x256xf32, #tpu.memory_space<vmem>>, vector<16xf32>,
        %add3A_1743 = arith.constant 12 : i32
        %add3A_1744 = arith.addi %add3A_86, %add3A_1743 : i32
        %swap3A_1745 = arith.index_cast %add3A_1744 : i32 to index
        %swap3A_1746 = arith.constant 128 : index
        %swap3A_1747 = tpu.vector_load %arg9[%swap3A_1745, %swap3A_1746] {strides = array<i32>} : memref<128x256xf32, #tpu.memory_space<vmem>>, vector<16xf32>,
        tpu.vector_store %arg9[%swap3A_1745, %swap3A_1746], %get3A_1681 {strides = array<i32>} : memref<128x256xf32, #tpu.memory_space<vmem>>, vector<16xf32>,
        %add3A_1748 = arith.constant 12 : i32
        %add3A_1749 = arith.addi %add3A_86, %add3A_1748 : i32
        %swap3A_1750 = arith.index_cast %add3A_1749 : i32 to index
        %swap3A_1751 = arith.constant 144 : index
        %swap3A_1752 = tpu.vector_load %arg9[%swap3A_1750, %swap3A_1751] {strides = array<i32>} : memref<128x256xf32, #tpu.memory_space<vmem>>, vector<16xf32>,
        tpu.vector_store %arg9[%swap3A_1750, %swap3A_1751], %get3A_1684 {strides = array<i32>} : memref<128x256xf32, #tpu.memory_space<vmem>>, vector<16xf32>,
        %add3A_1753 = arith.constant 12 : i32
        %add3A_1754 = arith.addi %add3A_86, %add3A_1753 : i32
        %swap3A_1755 = arith.index_cast %add3A_1754 : i32 to index
        %swap3A_1756 = arith.constant 160 : index
        %swap3A_1757 = tpu.vector_load %arg9[%swap3A_1755, %swap3A_1756] {strides = array<i32>} : memref<128x256xf32, #tpu.memory_space<vmem>>, vector<16xf32>,
        tpu.vector_store %arg9[%swap3A_1755, %swap3A_1756], %get3A_1687 {strides = array<i32>} : memref<128x256xf32, #tpu.memory_space<vmem>>, vector<16xf32>,
        %add3A_1758 = arith.constant 12 : i32
        %add3A_1759 = arith.addi %add3A_86, %add3A_1758 : i32
        %swap3A_1760 = arith.index_cast %add3A_1759 : i32 to index
        %swap3A_1761 = arith.constant 176 : index
        %swap3A_1762 = tpu.vector_load %arg9[%swap3A_1760, %swap3A_1761] {strides = array<i32>} : memref<128x256xf32, #tpu.memory_space<vmem>>, vector<16xf32>,
        tpu.vector_store %arg9[%swap3A_1760, %swap3A_1761], %get3A_1690 {strides = array<i32>} : memref<128x256xf32, #tpu.memory_space<vmem>>, vector<16xf32>,
        %add3A_1763 = arith.constant 12 : i32
        %add3A_1764 = arith.addi %add3A_86, %add3A_1763 : i32
        %swap3A_1765 = arith.index_cast %add3A_1764 : i32 to index
        %swap3A_1766 = arith.constant 192 : index
        %swap3A_1767 = tpu.vector_load %arg9[%swap3A_1765, %swap3A_1766] {strides = array<i32>} : memref<128x256xf32, #tpu.memory_space<vmem>>, vector<16xf32>,
        tpu.vector_store %arg9[%swap3A_1765, %swap3A_1766], %get3A_1693 {strides = array<i32>} : memref<128x256xf32, #tpu.memory_space<vmem>>, vector<16xf32>,
        %add3A_1768 = arith.constant 12 : i32
        %add3A_1769 = arith.addi %add3A_86, %add3A_1768 : i32
        %swap3A_1770 = arith.index_cast %add3A_1769 : i32 to index
        %swap3A_1771 = arith.constant 208 : index
        %swap3A_1772 = tpu.vector_load %arg9[%swap3A_1770, %swap3A_1771] {strides = array<i32>} : memref<128x256xf32, #tpu.memory_space<vmem>>, vector<16xf32>,
        tpu.vector_store %arg9[%swap3A_1770, %swap3A_1771], %get3A_1696 {strides = array<i32>} : memref<128x256xf32, #tpu.memory_space<vmem>>, vector<16xf32>,
        %add3A_1773 = arith.constant 12 : i32
        %add3A_1774 = arith.addi %add3A_86, %add3A_1773 : i32
        %swap3A_1775 = arith.index_cast %add3A_1774 : i32 to index
        %swap3A_1776 = arith.constant 224 : index
        %swap3A_1777 = tpu.vector_load %arg9[%swap3A_1775, %swap3A_1776] {strides = array<i32>} : memref<128x256xf32, #tpu.memory_space<vmem>>, vector<16xf32>,
        tpu.vector_store %arg9[%swap3A_1775, %swap3A_1776], %get3A_1699 {strides = array<i32>} : memref<128x256xf32, #tpu.memory_space<vmem>>, vector<16xf32>,
        %add3A_1778 = arith.constant 12 : i32
        %add3A_1779 = arith.addi %add3A_86, %add3A_1778 : i32
        %swap3A_1780 = arith.index_cast %add3A_1779 : i32 to index
        %swap3A_1781 = arith.constant 240 : index
        %swap3A_1782 = tpu.vector_load %arg9[%swap3A_1780, %swap3A_1781] {strides = array<i32>} : memref<128x256xf32, #tpu.memory_space<vmem>>, vector<16xf32>,
        tpu.vector_store %arg9[%swap3A_1780, %swap3A_1781], %get3A_1702 {strides = array<i32>} : memref<128x256xf32, #tpu.memory_space<vmem>>, vector<16xf32>,
        %get3A_1783 = arith.index_cast %squeeze3A_114 : i32 to index
        %get3A_1784 = arith.constant 0 : index
        %get3A_1785 = tpu.vector_load %arg8[%get3A_1783, %get3A_1784] {strides = array<i32>} : memref<256x256xf32, #tpu.memory_space<vmem>>, vector<16xf32>,
        %get3A_1786 = arith.index_cast %squeeze3A_114 : i32 to index
        %get3A_1787 = arith.constant 16 : index
        %get3A_1788 = tpu.vector_load %arg8[%get3A_1786, %get3A_1787] {strides = array<i32>} : memref<256x256xf32, #tpu.memory_space<vmem>>, vector<16xf32>,
        %get3A_1789 = arith.index_cast %squeeze3A_114 : i32 to index
        %get3A_1790 = arith.constant 32 : index
        %get3A_1791 = tpu.vector_load %arg8[%get3A_1789, %get3A_1790] {strides = array<i32>} : memref<256x256xf32, #tpu.memory_space<vmem>>, vector<16xf32>,
        %get3A_1792 = arith.index_cast %squeeze3A_114 : i32 to index
        %get3A_1793 = arith.constant 48 : index
        %get3A_1794 = tpu.vector_load %arg8[%get3A_1792, %get3A_1793] {strides = array<i32>} : memref<256x256xf32, #tpu.memory_space<vmem>>, vector<16xf32>,
        %get3A_1795 = arith.index_cast %squeeze3A_114 : i32 to index
        %get3A_1796 = arith.constant 64 : index
        %get3A_1797 = tpu.vector_load %arg8[%get3A_1795, %get3A_1796] {strides = array<i32>} : memref<256x256xf32, #tpu.memory_space<vmem>>, vector<16xf32>,
        %get3A_1798 = arith.index_cast %squeeze3A_114 : i32 to index
        %get3A_1799 = arith.constant 80 : index
        %get3A_1800 = tpu.vector_load %arg8[%get3A_1798, %get3A_1799] {strides = array<i32>} : memref<256x256xf32, #tpu.memory_space<vmem>>, vector<16xf32>,
        %get3A_1801 = arith.index_cast %squeeze3A_114 : i32 to index
        %get3A_1802 = arith.constant 96 : index
        %get3A_1803 = tpu.vector_load %arg8[%get3A_1801, %get3A_1802] {strides = array<i32>} : memref<256x256xf32, #tpu.memory_space<vmem>>, vector<16xf32>,
        %get3A_1804 = arith.index_cast %squeeze3A_114 : i32 to index
        %get3A_1805 = arith.constant 112 : index
        %get3A_1806 = tpu.vector_load %arg8[%get3A_1804, %get3A_1805] {strides = array<i32>} : memref<256x256xf32, #tpu.memory_space<vmem>>, vector<16xf32>,
        %get3A_1807 = arith.index_cast %squeeze3A_114 : i32 to index
        %get3A_1808 = arith.constant 128 : index
        %get3A_1809 = tpu.vector_load %arg8[%get3A_1807, %get3A_1808] {strides = array<i32>} : memref<256x256xf32, #tpu.memory_space<vmem>>, vector<16xf32>,
        %get3A_1810 = arith.index_cast %squeeze3A_114 : i32 to index
        %get3A_1811 = arith.constant 144 : index
        %get3A_1812 = tpu.vector_load %arg8[%get3A_1810, %get3A_1811] {strides = array<i32>} : memref<256x256xf32, #tpu.memory_space<vmem>>, vector<16xf32>,
        %get3A_1813 = arith.index_cast %squeeze3A_114 : i32 to index
        %get3A_1814 = arith.constant 160 : index
        %get3A_1815 = tpu.vector_load %arg8[%get3A_1813, %get3A_1814] {strides = array<i32>} : memref<256x256xf32, #tpu.memory_space<vmem>>, vector<16xf32>,
        %get3A_1816 = arith.index_cast %squeeze3A_114 : i32 to index
        %get3A_1817 = arith.constant 176 : index
        %get3A_1818 = tpu.vector_load %arg8[%get3A_1816, %get3A_1817] {strides = array<i32>} : memref<256x256xf32, #tpu.memory_space<vmem>>, vector<16xf32>,
        %get3A_1819 = arith.index_cast %squeeze3A_114 : i32 to index
        %get3A_1820 = arith.constant 192 : index
        %get3A_1821 = tpu.vector_load %arg8[%get3A_1819, %get3A_1820] {strides = array<i32>} : memref<256x256xf32, #tpu.memory_space<vmem>>, vector<16xf32>,
        %get3A_1822 = arith.index_cast %squeeze3A_114 : i32 to index
        %get3A_1823 = arith.constant 208 : index
        %get3A_1824 = tpu.vector_load %arg8[%get3A_1822, %get3A_1823] {strides = array<i32>} : memref<256x256xf32, #tpu.memory_space<vmem>>, vector<16xf32>,
        %get3A_1825 = arith.index_cast %squeeze3A_114 : i32 to index
        %get3A_1826 = arith.constant 224 : index
        %get3A_1827 = tpu.vector_load %arg8[%get3A_1825, %get3A_1826] {strides = array<i32>} : memref<256x256xf32, #tpu.memory_space<vmem>>, vector<16xf32>,
        %get3A_1828 = arith.index_cast %squeeze3A_114 : i32 to index
        %get3A_1829 = arith.constant 240 : index
        %get3A_1830 = tpu.vector_load %arg8[%get3A_1828, %get3A_1829] {strides = array<i32>} : memref<256x256xf32, #tpu.memory_space<vmem>>, vector<16xf32>,
        %add3A_1831 = arith.constant 13 : i32
        %add3A_1832 = arith.addi %add3A_86, %add3A_1831 : i32
        %swap3A_1833 = arith.index_cast %add3A_1832 : i32 to index
        %swap3A_1834 = arith.constant 0 : index
        %swap3A_1835 = tpu.vector_load %arg9[%swap3A_1833, %swap3A_1834] {strides = array<i32>} : memref<128x256xf32, #tpu.memory_space<vmem>>, vector<16xf32>,
        tpu.vector_store %arg9[%swap3A_1833, %swap3A_1834], %get3A_1785 {strides = array<i32>} : memref<128x256xf32, #tpu.memory_space<vmem>>, vector<16xf32>,
        %add3A_1836 = arith.constant 13 : i32
        %add3A_1837 = arith.addi %add3A_86, %add3A_1836 : i32
        %swap3A_1838 = arith.index_cast %add3A_1837 : i32 to index
        %swap3A_1839 = arith.constant 16 : index
        %swap3A_1840 = tpu.vector_load %arg9[%swap3A_1838, %swap3A_1839] {strides = array<i32>} : memref<128x256xf32, #tpu.memory_space<vmem>>, vector<16xf32>,
        tpu.vector_store %arg9[%swap3A_1838, %swap3A_1839], %get3A_1788 {strides = array<i32>} : memref<128x256xf32, #tpu.memory_space<vmem>>, vector<16xf32>,
        %add3A_1841 = arith.constant 13 : i32
        %add3A_1842 = arith.addi %add3A_86, %add3A_1841 : i32
        %swap3A_1843 = arith.index_cast %add3A_1842 : i32 to index
        %swap3A_1844 = arith.constant 32 : index
        %swap3A_1845 = tpu.vector_load %arg9[%swap3A_1843, %swap3A_1844] {strides = array<i32>} : memref<128x256xf32, #tpu.memory_space<vmem>>, vector<16xf32>,
        tpu.vector_store %arg9[%swap3A_1843, %swap3A_1844], %get3A_1791 {strides = array<i32>} : memref<128x256xf32, #tpu.memory_space<vmem>>, vector<16xf32>,
        %add3A_1846 = arith.constant 13 : i32
        %add3A_1847 = arith.addi %add3A_86, %add3A_1846 : i32
        %swap3A_1848 = arith.index_cast %add3A_1847 : i32 to index
        %swap3A_1849 = arith.constant 48 : index
        %swap3A_1850 = tpu.vector_load %arg9[%swap3A_1848, %swap3A_1849] {strides = array<i32>} : memref<128x256xf32, #tpu.memory_space<vmem>>, vector<16xf32>,
        tpu.vector_store %arg9[%swap3A_1848, %swap3A_1849], %get3A_1794 {strides = array<i32>} : memref<128x256xf32, #tpu.memory_space<vmem>>, vector<16xf32>,
        %add3A_1851 = arith.constant 13 : i32
        %add3A_1852 = arith.addi %add3A_86, %add3A_1851 : i32
        %swap3A_1853 = arith.index_cast %add3A_1852 : i32 to index
        %swap3A_1854 = arith.constant 64 : index
        %swap3A_1855 = tpu.vector_load %arg9[%swap3A_1853, %swap3A_1854] {strides = array<i32>} : memref<128x256xf32, #tpu.memory_space<vmem>>, vector<16xf32>,
        tpu.vector_store %arg9[%swap3A_1853, %swap3A_1854], %get3A_1797 {strides = array<i32>} : memref<128x256xf32, #tpu.memory_space<vmem>>, vector<16xf32>,
        %add3A_1856 = arith.constant 13 : i32
        %add3A_1857 = arith.addi %add3A_86, %add3A_1856 : i32
        %swap3A_1858 = arith.index_cast %add3A_1857 : i32 to index
        %swap3A_1859 = arith.constant 80 : index
        %swap3A_1860 = tpu.vector_load %arg9[%swap3A_1858, %swap3A_1859] {strides = array<i32>} : memref<128x256xf32, #tpu.memory_space<vmem>>, vector<16xf32>,
        tpu.vector_store %arg9[%swap3A_1858, %swap3A_1859], %get3A_1800 {strides = array<i32>} : memref<128x256xf32, #tpu.memory_space<vmem>>, vector<16xf32>,
        %add3A_1861 = arith.constant 13 : i32
        %add3A_1862 = arith.addi %add3A_86, %add3A_1861 : i32
        %swap3A_1863 = arith.index_cast %add3A_1862 : i32 to index
        %swap3A_1864 = arith.constant 96 : index
        %swap3A_1865 = tpu.vector_load %arg9[%swap3A_1863, %swap3A_1864] {strides = array<i32>} : memref<128x256xf32, #tpu.memory_space<vmem>>, vector<16xf32>,
        tpu.vector_store %arg9[%swap3A_1863, %swap3A_1864], %get3A_1803 {strides = array<i32>} : memref<128x256xf32, #tpu.memory_space<vmem>>, vector<16xf32>,
        %add3A_1866 = arith.constant 13 : i32
        %add3A_1867 = arith.addi %add3A_86, %add3A_1866 : i32
        %swap3A_1868 = arith.index_cast %add3A_1867 : i32 to index
        %swap3A_1869 = arith.constant 112 : index
        %swap3A_1870 = tpu.vector_load %arg9[%swap3A_1868, %swap3A_1869] {strides = array<i32>} : memref<128x256xf32, #tpu.memory_space<vmem>>, vector<16xf32>,
        tpu.vector_store %arg9[%swap3A_1868, %swap3A_1869], %get3A_1806 {strides = array<i32>} : memref<128x256xf32, #tpu.memory_space<vmem>>, vector<16xf32>,
        %add3A_1871 = arith.constant 13 : i32
        %add3A_1872 = arith.addi %add3A_86, %add3A_1871 : i32
        %swap3A_1873 = arith.index_cast %add3A_1872 : i32 to index
        %swap3A_1874 = arith.constant 128 : index
        %swap3A_1875 = tpu.vector_load %arg9[%swap3A_1873, %swap3A_1874] {strides = array<i32>} : memref<128x256xf32, #tpu.memory_space<vmem>>, vector<16xf32>,
        tpu.vector_store %arg9[%swap3A_1873, %swap3A_1874], %get3A_1809 {strides = array<i32>} : memref<128x256xf32, #tpu.memory_space<vmem>>, vector<16xf32>,
        %add3A_1876 = arith.constant 13 : i32
        %add3A_1877 = arith.addi %add3A_86, %add3A_1876 : i32
        %swap3A_1878 = arith.index_cast %add3A_1877 : i32 to index
        %swap3A_1879 = arith.constant 144 : index
        %swap3A_1880 = tpu.vector_load %arg9[%swap3A_1878, %swap3A_1879] {strides = array<i32>} : memref<128x256xf32, #tpu.memory_space<vmem>>, vector<16xf32>,
        tpu.vector_store %arg9[%swap3A_1878, %swap3A_1879], %get3A_1812 {strides = array<i32>} : memref<128x256xf32, #tpu.memory_space<vmem>>, vector<16xf32>,
        %add3A_1881 = arith.constant 13 : i32
        %add3A_1882 = arith.addi %add3A_86, %add3A_1881 : i32
        %swap3A_1883 = arith.index_cast %add3A_1882 : i32 to index
        %swap3A_1884 = arith.constant 160 : index
        %swap3A_1885 = tpu.vector_load %arg9[%swap3A_1883, %swap3A_1884] {strides = array<i32>} : memref<128x256xf32, #tpu.memory_space<vmem>>, vector<16xf32>,
        tpu.vector_store %arg9[%swap3A_1883, %swap3A_1884], %get3A_1815 {strides = array<i32>} : memref<128x256xf32, #tpu.memory_space<vmem>>, vector<16xf32>,
        %add3A_1886 = arith.constant 13 : i32
        %add3A_1887 = arith.addi %add3A_86, %add3A_1886 : i32
        %swap3A_1888 = arith.index_cast %add3A_1887 : i32 to index
        %swap3A_1889 = arith.constant 176 : index
        %swap3A_1890 = tpu.vector_load %arg9[%swap3A_1888, %swap3A_1889] {strides = array<i32>} : memref<128x256xf32, #tpu.memory_space<vmem>>, vector<16xf32>,
        tpu.vector_store %arg9[%swap3A_1888, %swap3A_1889], %get3A_1818 {strides = array<i32>} : memref<128x256xf32, #tpu.memory_space<vmem>>, vector<16xf32>,
        %add3A_1891 = arith.constant 13 : i32
        %add3A_1892 = arith.addi %add3A_86, %add3A_1891 : i32
        %swap3A_1893 = arith.index_cast %add3A_1892 : i32 to index
        %swap3A_1894 = arith.constant 192 : index
        %swap3A_1895 = tpu.vector_load %arg9[%swap3A_1893, %swap3A_1894] {strides = array<i32>} : memref<128x256xf32, #tpu.memory_space<vmem>>, vector<16xf32>,
        tpu.vector_store %arg9[%swap3A_1893, %swap3A_1894], %get3A_1821 {strides = array<i32>} : memref<128x256xf32, #tpu.memory_space<vmem>>, vector<16xf32>,
        %add3A_1896 = arith.constant 13 : i32
        %add3A_1897 = arith.addi %add3A_86, %add3A_1896 : i32
        %swap3A_1898 = arith.index_cast %add3A_1897 : i32 to index
        %swap3A_1899 = arith.constant 208 : index
        %swap3A_1900 = tpu.vector_load %arg9[%swap3A_1898, %swap3A_1899] {strides = array<i32>} : memref<128x256xf32, #tpu.memory_space<vmem>>, vector<16xf32>,
        tpu.vector_store %arg9[%swap3A_1898, %swap3A_1899], %get3A_1824 {strides = array<i32>} : memref<128x256xf32, #tpu.memory_space<vmem>>, vector<16xf32>,
        %add3A_1901 = arith.constant 13 : i32
        %add3A_1902 = arith.addi %add3A_86, %add3A_1901 : i32
        %swap3A_1903 = arith.index_cast %add3A_1902 : i32 to index
        %swap3A_1904 = arith.constant 224 : index
        %swap3A_1905 = tpu.vector_load %arg9[%swap3A_1903, %swap3A_1904] {strides = array<i32>} : memref<128x256xf32, #tpu.memory_space<vmem>>, vector<16xf32>,
        tpu.vector_store %arg9[%swap3A_1903, %swap3A_1904], %get3A_1827 {strides = array<i32>} : memref<128x256xf32, #tpu.memory_space<vmem>>, vector<16xf32>,
        %add3A_1906 = arith.constant 13 : i32
        %add3A_1907 = arith.addi %add3A_86, %add3A_1906 : i32
        %swap3A_1908 = arith.index_cast %add3A_1907 : i32 to index
        %swap3A_1909 = arith.constant 240 : index
        %swap3A_1910 = tpu.vector_load %arg9[%swap3A_1908, %swap3A_1909] {strides = array<i32>} : memref<128x256xf32, #tpu.memory_space<vmem>>, vector<16xf32>,
        tpu.vector_store %arg9[%swap3A_1908, %swap3A_1909], %get3A_1830 {strides = array<i32>} : memref<128x256xf32, #tpu.memory_space<vmem>>, vector<16xf32>,
        %get3A_1911 = arith.index_cast %squeeze3A_116 : i32 to index
        %get3A_1912 = arith.constant 0 : index
        %get3A_1913 = tpu.vector_load %arg8[%get3A_1911, %get3A_1912] {strides = array<i32>} : memref<256x256xf32, #tpu.memory_space<vmem>>, vector<16xf32>,
        %get3A_1914 = arith.index_cast %squeeze3A_116 : i32 to index
        %get3A_1915 = arith.constant 16 : index
        %get3A_1916 = tpu.vector_load %arg8[%get3A_1914, %get3A_1915] {strides = array<i32>} : memref<256x256xf32, #tpu.memory_space<vmem>>, vector<16xf32>,
        %get3A_1917 = arith.index_cast %squeeze3A_116 : i32 to index
        %get3A_1918 = arith.constant 32 : index
        %get3A_1919 = tpu.vector_load %arg8[%get3A_1917, %get3A_1918] {strides = array<i32>} : memref<256x256xf32, #tpu.memory_space<vmem>>, vector<16xf32>,
        %get3A_1920 = arith.index_cast %squeeze3A_116 : i32 to index
        %get3A_1921 = arith.constant 48 : index
        %get3A_1922 = tpu.vector_load %arg8[%get3A_1920, %get3A_1921] {strides = array<i32>} : memref<256x256xf32, #tpu.memory_space<vmem>>, vector<16xf32>,
        %get3A_1923 = arith.index_cast %squeeze3A_116 : i32 to index
        %get3A_1924 = arith.constant 64 : index
        %get3A_1925 = tpu.vector_load %arg8[%get3A_1923, %get3A_1924] {strides = array<i32>} : memref<256x256xf32, #tpu.memory_space<vmem>>, vector<16xf32>,
        %get3A_1926 = arith.index_cast %squeeze3A_116 : i32 to index
        %get3A_1927 = arith.constant 80 : index
        %get3A_1928 = tpu.vector_load %arg8[%get3A_1926, %get3A_1927] {strides = array<i32>} : memref<256x256xf32, #tpu.memory_space<vmem>>, vector<16xf32>,
        %get3A_1929 = arith.index_cast %squeeze3A_116 : i32 to index
        %get3A_1930 = arith.constant 96 : index
        %get3A_1931 = tpu.vector_load %arg8[%get3A_1929, %get3A_1930] {strides = array<i32>} : memref<256x256xf32, #tpu.memory_space<vmem>>, vector<16xf32>,
        %get3A_1932 = arith.index_cast %squeeze3A_116 : i32 to index
        %get3A_1933 = arith.constant 112 : index
        %get3A_1934 = tpu.vector_load %arg8[%get3A_1932, %get3A_1933] {strides = array<i32>} : memref<256x256xf32, #tpu.memory_space<vmem>>, vector<16xf32>,
        %get3A_1935 = arith.index_cast %squeeze3A_116 : i32 to index
        %get3A_1936 = arith.constant 128 : index
        %get3A_1937 = tpu.vector_load %arg8[%get3A_1935, %get3A_1936] {strides = array<i32>} : memref<256x256xf32, #tpu.memory_space<vmem>>, vector<16xf32>,
        %get3A_1938 = arith.index_cast %squeeze3A_116 : i32 to index
        %get3A_1939 = arith.constant 144 : index
        %get3A_1940 = tpu.vector_load %arg8[%get3A_1938, %get3A_1939] {strides = array<i32>} : memref<256x256xf32, #tpu.memory_space<vmem>>, vector<16xf32>,
        %get3A_1941 = arith.index_cast %squeeze3A_116 : i32 to index
        %get3A_1942 = arith.constant 160 : index
        %get3A_1943 = tpu.vector_load %arg8[%get3A_1941, %get3A_1942] {strides = array<i32>} : memref<256x256xf32, #tpu.memory_space<vmem>>, vector<16xf32>,
        %get3A_1944 = arith.index_cast %squeeze3A_116 : i32 to index
        %get3A_1945 = arith.constant 176 : index
        %get3A_1946 = tpu.vector_load %arg8[%get3A_1944, %get3A_1945] {strides = array<i32>} : memref<256x256xf32, #tpu.memory_space<vmem>>, vector<16xf32>,
        %get3A_1947 = arith.index_cast %squeeze3A_116 : i32 to index
        %get3A_1948 = arith.constant 192 : index
        %get3A_1949 = tpu.vector_load %arg8[%get3A_1947, %get3A_1948] {strides = array<i32>} : memref<256x256xf32, #tpu.memory_space<vmem>>, vector<16xf32>,
        %get3A_1950 = arith.index_cast %squeeze3A_116 : i32 to index
        %get3A_1951 = arith.constant 208 : index
        %get3A_1952 = tpu.vector_load %arg8[%get3A_1950, %get3A_1951] {strides = array<i32>} : memref<256x256xf32, #tpu.memory_space<vmem>>, vector<16xf32>,
        %get3A_1953 = arith.index_cast %squeeze3A_116 : i32 to index
        %get3A_1954 = arith.constant 224 : index
        %get3A_1955 = tpu.vector_load %arg8[%get3A_1953, %get3A_1954] {strides = array<i32>} : memref<256x256xf32, #tpu.memory_space<vmem>>, vector<16xf32>,
        %get3A_1956 = arith.index_cast %squeeze3A_116 : i32 to index
        %get3A_1957 = arith.constant 240 : index
        %get3A_1958 = tpu.vector_load %arg8[%get3A_1956, %get3A_1957] {strides = array<i32>} : memref<256x256xf32, #tpu.memory_space<vmem>>, vector<16xf32>,
        %add3A_1959 = arith.constant 14 : i32
        %add3A_1960 = arith.addi %add3A_86, %add3A_1959 : i32
        %swap3A_1961 = arith.index_cast %add3A_1960 : i32 to index
        %swap3A_1962 = arith.constant 0 : index
        %swap3A_1963 = tpu.vector_load %arg9[%swap3A_1961, %swap3A_1962] {strides = array<i32>} : memref<128x256xf32, #tpu.memory_space<vmem>>, vector<16xf32>,
        tpu.vector_store %arg9[%swap3A_1961, %swap3A_1962], %get3A_1913 {strides = array<i32>} : memref<128x256xf32, #tpu.memory_space<vmem>>, vector<16xf32>,
        %add3A_1964 = arith.constant 14 : i32
        %add3A_1965 = arith.addi %add3A_86, %add3A_1964 : i32
        %swap3A_1966 = arith.index_cast %add3A_1965 : i32 to index
        %swap3A_1967 = arith.constant 16 : index
        %swap3A_1968 = tpu.vector_load %arg9[%swap3A_1966, %swap3A_1967] {strides = array<i32>} : memref<128x256xf32, #tpu.memory_space<vmem>>, vector<16xf32>,
        tpu.vector_store %arg9[%swap3A_1966, %swap3A_1967], %get3A_1916 {strides = array<i32>} : memref<128x256xf32, #tpu.memory_space<vmem>>, vector<16xf32>,
        %add3A_1969 = arith.constant 14 : i32
        %add3A_1970 = arith.addi %add3A_86, %add3A_1969 : i32
        %swap3A_1971 = arith.index_cast %add3A_1970 : i32 to index
        %swap3A_1972 = arith.constant 32 : index
        %swap3A_1973 = tpu.vector_load %arg9[%swap3A_1971, %swap3A_1972] {strides = array<i32>} : memref<128x256xf32, #tpu.memory_space<vmem>>, vector<16xf32>,
        tpu.vector_store %arg9[%swap3A_1971, %swap3A_1972], %get3A_1919 {strides = array<i32>} : memref<128x256xf32, #tpu.memory_space<vmem>>, vector<16xf32>,
        %add3A_1974 = arith.constant 14 : i32
        %add3A_1975 = arith.addi %add3A_86, %add3A_1974 : i32
        %swap3A_1976 = arith.index_cast %add3A_1975 : i32 to index
        %swap3A_1977 = arith.constant 48 : index
        %swap3A_1978 = tpu.vector_load %arg9[%swap3A_1976, %swap3A_1977] {strides = array<i32>} : memref<128x256xf32, #tpu.memory_space<vmem>>, vector<16xf32>,
        tpu.vector_store %arg9[%swap3A_1976, %swap3A_1977], %get3A_1922 {strides = array<i32>} : memref<128x256xf32, #tpu.memory_space<vmem>>, vector<16xf32>,
        %add3A_1979 = arith.constant 14 : i32
        %add3A_1980 = arith.addi %add3A_86, %add3A_1979 : i32
        %swap3A_1981 = arith.index_cast %add3A_1980 : i32 to index
        %swap3A_1982 = arith.constant 64 : index
        %swap3A_1983 = tpu.vector_load %arg9[%swap3A_1981, %swap3A_1982] {strides = array<i32>} : memref<128x256xf32, #tpu.memory_space<vmem>>, vector<16xf32>,
        tpu.vector_store %arg9[%swap3A_1981, %swap3A_1982], %get3A_1925 {strides = array<i32>} : memref<128x256xf32, #tpu.memory_space<vmem>>, vector<16xf32>,
        %add3A_1984 = arith.constant 14 : i32
        %add3A_1985 = arith.addi %add3A_86, %add3A_1984 : i32
        %swap3A_1986 = arith.index_cast %add3A_1985 : i32 to index
        %swap3A_1987 = arith.constant 80 : index
        %swap3A_1988 = tpu.vector_load %arg9[%swap3A_1986, %swap3A_1987] {strides = array<i32>} : memref<128x256xf32, #tpu.memory_space<vmem>>, vector<16xf32>,
        tpu.vector_store %arg9[%swap3A_1986, %swap3A_1987], %get3A_1928 {strides = array<i32>} : memref<128x256xf32, #tpu.memory_space<vmem>>, vector<16xf32>,
        %add3A_1989 = arith.constant 14 : i32
        %add3A_1990 = arith.addi %add3A_86, %add3A_1989 : i32
        %swap3A_1991 = arith.index_cast %add3A_1990 : i32 to index
        %swap3A_1992 = arith.constant 96 : index
        %swap3A_1993 = tpu.vector_load %arg9[%swap3A_1991, %swap3A_1992] {strides = array<i32>} : memref<128x256xf32, #tpu.memory_space<vmem>>, vector<16xf32>,
        tpu.vector_store %arg9[%swap3A_1991, %swap3A_1992], %get3A_1931 {strides = array<i32>} : memref<128x256xf32, #tpu.memory_space<vmem>>, vector<16xf32>,
        %add3A_1994 = arith.constant 14 : i32
        %add3A_1995 = arith.addi %add3A_86, %add3A_1994 : i32
        %swap3A_1996 = arith.index_cast %add3A_1995 : i32 to index
        %swap3A_1997 = arith.constant 112 : index
        %swap3A_1998 = tpu.vector_load %arg9[%swap3A_1996, %swap3A_1997] {strides = array<i32>} : memref<128x256xf32, #tpu.memory_space<vmem>>, vector<16xf32>,
        tpu.vector_store %arg9[%swap3A_1996, %swap3A_1997], %get3A_1934 {strides = array<i32>} : memref<128x256xf32, #tpu.memory_space<vmem>>, vector<16xf32>,
        %add3A_1999 = arith.constant 14 : i32
        %add3A_2000 = arith.addi %add3A_86, %add3A_1999 : i32
        %swap3A_2001 = arith.index_cast %add3A_2000 : i32 to index
        %swap3A_2002 = arith.constant 128 : index
        %swap3A_2003 = tpu.vector_load %arg9[%swap3A_2001, %swap3A_2002] {strides = array<i32>} : memref<128x256xf32, #tpu.memory_space<vmem>>, vector<16xf32>,
        tpu.vector_store %arg9[%swap3A_2001, %swap3A_2002], %get3A_1937 {strides = array<i32>} : memref<128x256xf32, #tpu.memory_space<vmem>>, vector<16xf32>,
        %add3A_2004 = arith.constant 14 : i32
        %add3A_2005 = arith.addi %add3A_86, %add3A_2004 : i32
        %swap3A_2006 = arith.index_cast %add3A_2005 : i32 to index
        %swap3A_2007 = arith.constant 144 : index
        %swap3A_2008 = tpu.vector_load %arg9[%swap3A_2006, %swap3A_2007] {strides = array<i32>} : memref<128x256xf32, #tpu.memory_space<vmem>>, vector<16xf32>,
        tpu.vector_store %arg9[%swap3A_2006, %swap3A_2007], %get3A_1940 {strides = array<i32>} : memref<128x256xf32, #tpu.memory_space<vmem>>, vector<16xf32>,
        %add3A_2009 = arith.constant 14 : i32
        %add3A_2010 = arith.addi %add3A_86, %add3A_2009 : i32
        %swap3A_2011 = arith.index_cast %add3A_2010 : i32 to index
        %swap3A_2012 = arith.constant 160 : index
        %swap3A_2013 = tpu.vector_load %arg9[%swap3A_2011, %swap3A_2012] {strides = array<i32>} : memref<128x256xf32, #tpu.memory_space<vmem>>, vector<16xf32>,
        tpu.vector_store %arg9[%swap3A_2011, %swap3A_2012], %get3A_1943 {strides = array<i32>} : memref<128x256xf32, #tpu.memory_space<vmem>>, vector<16xf32>,
        %add3A_2014 = arith.constant 14 : i32
        %add3A_2015 = arith.addi %add3A_86, %add3A_2014 : i32
        %swap3A_2016 = arith.index_cast %add3A_2015 : i32 to index
        %swap3A_2017 = arith.constant 176 : index
        %swap3A_2018 = tpu.vector_load %arg9[%swap3A_2016, %swap3A_2017] {strides = array<i32>} : memref<128x256xf32, #tpu.memory_space<vmem>>, vector<16xf32>,
        tpu.vector_store %arg9[%swap3A_2016, %swap3A_2017], %get3A_1946 {strides = array<i32>} : memref<128x256xf32, #tpu.memory_space<vmem>>, vector<16xf32>,
        %add3A_2019 = arith.constant 14 : i32
        %add3A_2020 = arith.addi %add3A_86, %add3A_2019 : i32
        %swap3A_2021 = arith.index_cast %add3A_2020 : i32 to index
        %swap3A_2022 = arith.constant 192 : index
        %swap3A_2023 = tpu.vector_load %arg9[%swap3A_2021, %swap3A_2022] {strides = array<i32>} : memref<128x256xf32, #tpu.memory_space<vmem>>, vector<16xf32>,
        tpu.vector_store %arg9[%swap3A_2021, %swap3A_2022], %get3A_1949 {strides = array<i32>} : memref<128x256xf32, #tpu.memory_space<vmem>>, vector<16xf32>,
        %add3A_2024 = arith.constant 14 : i32
        %add3A_2025 = arith.addi %add3A_86, %add3A_2024 : i32
        %swap3A_2026 = arith.index_cast %add3A_2025 : i32 to index
        %swap3A_2027 = arith.constant 208 : index
        %swap3A_2028 = tpu.vector_load %arg9[%swap3A_2026, %swap3A_2027] {strides = array<i32>} : memref<128x256xf32, #tpu.memory_space<vmem>>, vector<16xf32>,
        tpu.vector_store %arg9[%swap3A_2026, %swap3A_2027], %get3A_1952 {strides = array<i32>} : memref<128x256xf32, #tpu.memory_space<vmem>>, vector<16xf32>,
        %add3A_2029 = arith.constant 14 : i32
        %add3A_2030 = arith.addi %add3A_86, %add3A_2029 : i32
        %swap3A_2031 = arith.index_cast %add3A_2030 : i32 to index
        %swap3A_2032 = arith.constant 224 : index
        %swap3A_2033 = tpu.vector_load %arg9[%swap3A_2031, %swap3A_2032] {strides = array<i32>} : memref<128x256xf32, #tpu.memory_space<vmem>>, vector<16xf32>,
        tpu.vector_store %arg9[%swap3A_2031, %swap3A_2032], %get3A_1955 {strides = array<i32>} : memref<128x256xf32, #tpu.memory_space<vmem>>, vector<16xf32>,
        %add3A_2034 = arith.constant 14 : i32
        %add3A_2035 = arith.addi %add3A_86, %add3A_2034 : i32
        %swap3A_2036 = arith.index_cast %add3A_2035 : i32 to index
        %swap3A_2037 = arith.constant 240 : index
        %swap3A_2038 = tpu.vector_load %arg9[%swap3A_2036, %swap3A_2037] {strides = array<i32>} : memref<128x256xf32, #tpu.memory_space<vmem>>, vector<16xf32>,
        tpu.vector_store %arg9[%swap3A_2036, %swap3A_2037], %get3A_1958 {strides = array<i32>} : memref<128x256xf32, #tpu.memory_space<vmem>>, vector<16xf32>,
        %get3A_2039 = arith.index_cast %squeeze3A_118 : i32 to index
        %get3A_2040 = arith.constant 0 : index
        %get3A_2041 = tpu.vector_load %arg8[%get3A_2039, %get3A_2040] {strides = array<i32>} : memref<256x256xf32, #tpu.memory_space<vmem>>, vector<16xf32>,
        %get3A_2042 = arith.index_cast %squeeze3A_118 : i32 to index
        %get3A_2043 = arith.constant 16 : index
        %get3A_2044 = tpu.vector_load %arg8[%get3A_2042, %get3A_2043] {strides = array<i32>} : memref<256x256xf32, #tpu.memory_space<vmem>>, vector<16xf32>,
        %get3A_2045 = arith.index_cast %squeeze3A_118 : i32 to index
        %get3A_2046 = arith.constant 32 : index
        %get3A_2047 = tpu.vector_load %arg8[%get3A_2045, %get3A_2046] {strides = array<i32>} : memref<256x256xf32, #tpu.memory_space<vmem>>, vector<16xf32>,
        %get3A_2048 = arith.index_cast %squeeze3A_118 : i32 to index
        %get3A_2049 = arith.constant 48 : index
        %get3A_2050 = tpu.vector_load %arg8[%get3A_2048, %get3A_2049] {strides = array<i32>} : memref<256x256xf32, #tpu.memory_space<vmem>>, vector<16xf32>,
        %get3A_2051 = arith.index_cast %squeeze3A_118 : i32 to index
        %get3A_2052 = arith.constant 64 : index
        %get3A_2053 = tpu.vector_load %arg8[%get3A_2051, %get3A_2052] {strides = array<i32>} : memref<256x256xf32, #tpu.memory_space<vmem>>, vector<16xf32>,
        %get3A_2054 = arith.index_cast %squeeze3A_118 : i32 to index
        %get3A_2055 = arith.constant 80 : index
        %get3A_2056 = tpu.vector_load %arg8[%get3A_2054, %get3A_2055] {strides = array<i32>} : memref<256x256xf32, #tpu.memory_space<vmem>>, vector<16xf32>,
        %get3A_2057 = arith.index_cast %squeeze3A_118 : i32 to index
        %get3A_2058 = arith.constant 96 : index
        %get3A_2059 = tpu.vector_load %arg8[%get3A_2057, %get3A_2058] {strides = array<i32>} : memref<256x256xf32, #tpu.memory_space<vmem>>, vector<16xf32>,
        %get3A_2060 = arith.index_cast %squeeze3A_118 : i32 to index
        %get3A_2061 = arith.constant 112 : index
        %get3A_2062 = tpu.vector_load %arg8[%get3A_2060, %get3A_2061] {strides = array<i32>} : memref<256x256xf32, #tpu.memory_space<vmem>>, vector<16xf32>,
        %get3A_2063 = arith.index_cast %squeeze3A_118 : i32 to index
        %get3A_2064 = arith.constant 128 : index
        %get3A_2065 = tpu.vector_load %arg8[%get3A_2063, %get3A_2064] {strides = array<i32>} : memref<256x256xf32, #tpu.memory_space<vmem>>, vector<16xf32>,
        %get3A_2066 = arith.index_cast %squeeze3A_118 : i32 to index
        %get3A_2067 = arith.constant 144 : index
        %get3A_2068 = tpu.vector_load %arg8[%get3A_2066, %get3A_2067] {strides = array<i32>} : memref<256x256xf32, #tpu.memory_space<vmem>>, vector<16xf32>,
        %get3A_2069 = arith.index_cast %squeeze3A_118 : i32 to index
        %get3A_2070 = arith.constant 160 : index
        %get3A_2071 = tpu.vector_load %arg8[%get3A_2069, %get3A_2070] {strides = array<i32>} : memref<256x256xf32, #tpu.memory_space<vmem>>, vector<16xf32>,
        %get3A_2072 = arith.index_cast %squeeze3A_118 : i32 to index
        %get3A_2073 = arith.constant 176 : index
        %get3A_2074 = tpu.vector_load %arg8[%get3A_2072, %get3A_2073] {strides = array<i32>} : memref<256x256xf32, #tpu.memory_space<vmem>>, vector<16xf32>,
        %get3A_2075 = arith.index_cast %squeeze3A_118 : i32 to index
        %get3A_2076 = arith.constant 192 : index
        %get3A_2077 = tpu.vector_load %arg8[%get3A_2075, %get3A_2076] {strides = array<i32>} : memref<256x256xf32, #tpu.memory_space<vmem>>, vector<16xf32>,
        %get3A_2078 = arith.index_cast %squeeze3A_118 : i32 to index
        %get3A_2079 = arith.constant 208 : index
        %get3A_2080 = tpu.vector_load %arg8[%get3A_2078, %get3A_2079] {strides = array<i32>} : memref<256x256xf32, #tpu.memory_space<vmem>>, vector<16xf32>,
        %get3A_2081 = arith.index_cast %squeeze3A_118 : i32 to index
        %get3A_2082 = arith.constant 224 : index
        %get3A_2083 = tpu.vector_load %arg8[%get3A_2081, %get3A_2082] {strides = array<i32>} : memref<256x256xf32, #tpu.memory_space<vmem>>, vector<16xf32>,
        %get3A_2084 = arith.index_cast %squeeze3A_118 : i32 to index
        %get3A_2085 = arith.constant 240 : index
        %get3A_2086 = tpu.vector_load %arg8[%get3A_2084, %get3A_2085] {strides = array<i32>} : memref<256x256xf32, #tpu.memory_space<vmem>>, vector<16xf32>,
        %add3A_2087 = arith.constant 15 : i32
        %add3A_2088 = arith.addi %add3A_86, %add3A_2087 : i32
        %swap3A_2089 = arith.index_cast %add3A_2088 : i32 to index
        %swap3A_2090 = arith.constant 0 : index
        %swap3A_2091 = tpu.vector_load %arg9[%swap3A_2089, %swap3A_2090] {strides = array<i32>} : memref<128x256xf32, #tpu.memory_space<vmem>>, vector<16xf32>,
        tpu.vector_store %arg9[%swap3A_2089, %swap3A_2090], %get3A_2041 {strides = array<i32>} : memref<128x256xf32, #tpu.memory_space<vmem>>, vector<16xf32>,
        %add3A_2092 = arith.constant 15 : i32
        %add3A_2093 = arith.addi %add3A_86, %add3A_2092 : i32
        %swap3A_2094 = arith.index_cast %add3A_2093 : i32 to index
        %swap3A_2095 = arith.constant 16 : index
        %swap3A_2096 = tpu.vector_load %arg9[%swap3A_2094, %swap3A_2095] {strides = array<i32>} : memref<128x256xf32, #tpu.memory_space<vmem>>, vector<16xf32>,
        tpu.vector_store %arg9[%swap3A_2094, %swap3A_2095], %get3A_2044 {strides = array<i32>} : memref<128x256xf32, #tpu.memory_space<vmem>>, vector<16xf32>,
        %add3A_2097 = arith.constant 15 : i32
        %add3A_2098 = arith.addi %add3A_86, %add3A_2097 : i32
        %swap3A_2099 = arith.index_cast %add3A_2098 : i32 to index
        %swap3A_2100 = arith.constant 32 : index
        %swap3A_2101 = tpu.vector_load %arg9[%swap3A_2099, %swap3A_2100] {strides = array<i32>} : memref<128x256xf32, #tpu.memory_space<vmem>>, vector<16xf32>,
        tpu.vector_store %arg9[%swap3A_2099, %swap3A_2100], %get3A_2047 {strides = array<i32>} : memref<128x256xf32, #tpu.memory_space<vmem>>, vector<16xf32>,
        %add3A_2102 = arith.constant 15 : i32
        %add3A_2103 = arith.addi %add3A_86, %add3A_2102 : i32
        %swap3A_2104 = arith.index_cast %add3A_2103 : i32 to index
        %swap3A_2105 = arith.constant 48 : index
        %swap3A_2106 = tpu.vector_load %arg9[%swap3A_2104, %swap3A_2105] {strides = array<i32>} : memref<128x256xf32, #tpu.memory_space<vmem>>, vector<16xf32>,
        tpu.vector_store %arg9[%swap3A_2104, %swap3A_2105], %get3A_2050 {strides = array<i32>} : memref<128x256xf32, #tpu.memory_space<vmem>>, vector<16xf32>,
        %add3A_2107 = arith.constant 15 : i32
        %add3A_2108 = arith.addi %add3A_86, %add3A_2107 : i32
        %swap3A_2109 = arith.index_cast %add3A_2108 : i32 to index
        %swap3A_2110 = arith.constant 64 : index
        %swap3A_2111 = tpu.vector_load %arg9[%swap3A_2109, %swap3A_2110] {strides = array<i32>} : memref<128x256xf32, #tpu.memory_space<vmem>>, vector<16xf32>,
        tpu.vector_store %arg9[%swap3A_2109, %swap3A_2110], %get3A_2053 {strides = array<i32>} : memref<128x256xf32, #tpu.memory_space<vmem>>, vector<16xf32>,
        %add3A_2112 = arith.constant 15 : i32
        %add3A_2113 = arith.addi %add3A_86, %add3A_2112 : i32
        %swap3A_2114 = arith.index_cast %add3A_2113 : i32 to index
        %swap3A_2115 = arith.constant 80 : index
        %swap3A_2116 = tpu.vector_load %arg9[%swap3A_2114, %swap3A_2115] {strides = array<i32>} : memref<128x256xf32, #tpu.memory_space<vmem>>, vector<16xf32>,
        tpu.vector_store %arg9[%swap3A_2114, %swap3A_2115], %get3A_2056 {strides = array<i32>} : memref<128x256xf32, #tpu.memory_space<vmem>>, vector<16xf32>,
        %add3A_2117 = arith.constant 15 : i32
        %add3A_2118 = arith.addi %add3A_86, %add3A_2117 : i32
        %swap3A_2119 = arith.index_cast %add3A_2118 : i32 to index
        %swap3A_2120 = arith.constant 96 : index
        %swap3A_2121 = tpu.vector_load %arg9[%swap3A_2119, %swap3A_2120] {strides = array<i32>} : memref<128x256xf32, #tpu.memory_space<vmem>>, vector<16xf32>,
        tpu.vector_store %arg9[%swap3A_2119, %swap3A_2120], %get3A_2059 {strides = array<i32>} : memref<128x256xf32, #tpu.memory_space<vmem>>, vector<16xf32>,
        %add3A_2122 = arith.constant 15 : i32
        %add3A_2123 = arith.addi %add3A_86, %add3A_2122 : i32
        %swap3A_2124 = arith.index_cast %add3A_2123 : i32 to index
        %swap3A_2125 = arith.constant 112 : index
        %swap3A_2126 = tpu.vector_load %arg9[%swap3A_2124, %swap3A_2125] {strides = array<i32>} : memref<128x256xf32, #tpu.memory_space<vmem>>, vector<16xf32>,
        tpu.vector_store %arg9[%swap3A_2124, %swap3A_2125], %get3A_2062 {strides = array<i32>} : memref<128x256xf32, #tpu.memory_space<vmem>>, vector<16xf32>,
        %add3A_2127 = arith.constant 15 : i32
        %add3A_2128 = arith.addi %add3A_86, %add3A_2127 : i32
        %swap3A_2129 = arith.index_cast %add3A_2128 : i32 to index
        %swap3A_2130 = arith.constant 128 : index
        %swap3A_2131 = tpu.vector_load %arg9[%swap3A_2129, %swap3A_2130] {strides = array<i32>} : memref<128x256xf32, #tpu.memory_space<vmem>>, vector<16xf32>,
        tpu.vector_store %arg9[%swap3A_2129, %swap3A_2130], %get3A_2065 {strides = array<i32>} : memref<128x256xf32, #tpu.memory_space<vmem>>, vector<16xf32>,
        %add3A_2132 = arith.constant 15 : i32
        %add3A_2133 = arith.addi %add3A_86, %add3A_2132 : i32
        %swap3A_2134 = arith.index_cast %add3A_2133 : i32 to index
        %swap3A_2135 = arith.constant 144 : index
        %swap3A_2136 = tpu.vector_load %arg9[%swap3A_2134, %swap3A_2135] {strides = array<i32>} : memref<128x256xf32, #tpu.memory_space<vmem>>, vector<16xf32>,
        tpu.vector_store %arg9[%swap3A_2134, %swap3A_2135], %get3A_2068 {strides = array<i32>} : memref<128x256xf32, #tpu.memory_space<vmem>>, vector<16xf32>,
        %add3A_2137 = arith.constant 15 : i32
        %add3A_2138 = arith.addi %add3A_86, %add3A_2137 : i32
        %swap3A_2139 = arith.index_cast %add3A_2138 : i32 to index
        %swap3A_2140 = arith.constant 160 : index
        %swap3A_2141 = tpu.vector_load %arg9[%swap3A_2139, %swap3A_2140] {strides = array<i32>} : memref<128x256xf32, #tpu.memory_space<vmem>>, vector<16xf32>,
        tpu.vector_store %arg9[%swap3A_2139, %swap3A_2140], %get3A_2071 {strides = array<i32>} : memref<128x256xf32, #tpu.memory_space<vmem>>, vector<16xf32>,
        %add3A_2142 = arith.constant 15 : i32
        %add3A_2143 = arith.addi %add3A_86, %add3A_2142 : i32
        %swap3A_2144 = arith.index_cast %add3A_2143 : i32 to index
        %swap3A_2145 = arith.constant 176 : index
        %swap3A_2146 = tpu.vector_load %arg9[%swap3A_2144, %swap3A_2145] {strides = array<i32>} : memref<128x256xf32, #tpu.memory_space<vmem>>, vector<16xf32>,
        tpu.vector_store %arg9[%swap3A_2144, %swap3A_2145], %get3A_2074 {strides = array<i32>} : memref<128x256xf32, #tpu.memory_space<vmem>>, vector<16xf32>,
        %add3A_2147 = arith.constant 15 : i32
        %add3A_2148 = arith.addi %add3A_86, %add3A_2147 : i32
        %swap3A_2149 = arith.index_cast %add3A_2148 : i32 to index
        %swap3A_2150 = arith.constant 192 : index
        %swap3A_2151 = tpu.vector_load %arg9[%swap3A_2149, %swap3A_2150] {strides = array<i32>} : memref<128x256xf32, #tpu.memory_space<vmem>>, vector<16xf32>,
        tpu.vector_store %arg9[%swap3A_2149, %swap3A_2150], %get3A_2077 {strides = array<i32>} : memref<128x256xf32, #tpu.memory_space<vmem>>, vector<16xf32>,
        %add3A_2152 = arith.constant 15 : i32
        %add3A_2153 = arith.addi %add3A_86, %add3A_2152 : i32
        %swap3A_2154 = arith.index_cast %add3A_2153 : i32 to index
        %swap3A_2155 = arith.constant 208 : index
        %swap3A_2156 = tpu.vector_load %arg9[%swap3A_2154, %swap3A_2155] {strides = array<i32>} : memref<128x256xf32, #tpu.memory_space<vmem>>, vector<16xf32>,
        tpu.vector_store %arg9[%swap3A_2154, %swap3A_2155], %get3A_2080 {strides = array<i32>} : memref<128x256xf32, #tpu.memory_space<vmem>>, vector<16xf32>,
        %add3A_2157 = arith.constant 15 : i32
        %add3A_2158 = arith.addi %add3A_86, %add3A_2157 : i32
        %swap3A_2159 = arith.index_cast %add3A_2158 : i32 to index
        %swap3A_2160 = arith.constant 224 : index
        %swap3A_2161 = tpu.vector_load %arg9[%swap3A_2159, %swap3A_2160] {strides = array<i32>} : memref<128x256xf32, #tpu.memory_space<vmem>>, vector<16xf32>,
        tpu.vector_store %arg9[%swap3A_2159, %swap3A_2160], %get3A_2083 {strides = array<i32>} : memref<128x256xf32, #tpu.memory_space<vmem>>, vector<16xf32>,
        %add3A_2162 = arith.constant 15 : i32
        %add3A_2163 = arith.addi %add3A_86, %add3A_2162 : i32
        %swap3A_2164 = arith.index_cast %add3A_2163 : i32 to index
        %swap3A_2165 = arith.constant 240 : index
        %swap3A_2166 = tpu.vector_load %arg9[%swap3A_2164, %swap3A_2165] {strides = array<i32>} : memref<128x256xf32, #tpu.memory_space<vmem>>, vector<16xf32>,
        tpu.vector_store %arg9[%swap3A_2164, %swap3A_2165], %get3A_2086 {strides = array<i32>} : memref<128x256xf32, #tpu.memory_space<vmem>>, vector<16xf32>,
      }
      %scan3A_61 = arith.constant 4 : i32
      %mul3A_62 = arith.constant 64 : i32
      %mul3A_63 = arith.muli %rem3A_53, %mul3A_62 : i32
      %mul3A_64 = arith.constant 64 : i32
      %mul3A_65 = arith.muli %scan3A_52, %mul3A_64 : i32
      %add3A_66 = arith.addi %mul3A_2, %mul3A_65 : i32
      %dma_start3A = arith.constant 0 : i32
      %dma_start3A_67 = tpu.memref_slice %arg9[%mul3A_63, %dma_start3A] : memref<128x256xf32, #tpu.memory_space<vmem>> -> memref<64x256xf32, #tpu.memory_space<vmem>>
      %dma_start3A_68 = arith.constant 0 : i32
      %dma_start3A_69 = tpu.memref_slice %arg5[%add3A_66, %dma_start3A_68] : memref<65536x256xf32, #tpu.memory_space<hbm>> -> memref<64x256xf32, #tpu.memory_space<hbm>>
      %dma_start3A_70 = arith.constant 0 : i32
      %dma_start3A_71 = tpu.memref_slice %arg5[%add3A_66, %dma_start3A_70] : memref<65536x256xf32, #tpu.memory_space<hbm>> -> memref<64x256xf32, #tpu.memory_space<hbm>>
      %dma_start3A_72 = arith.constant 0 : i32
      %dma_start3A_73 = tpu.memref_slice %arg9[%mul3A_63, %dma_start3A_72] : memref<128x256xf32, #tpu.memory_space<vmem>> -> memref<64x256xf32, #tpu.memory_space<vmem>>
      tpu.enqueue_dma source(%dma_start3A_73 : memref<64x256xf32, #tpu.memory_space<vmem>>) target(%dma_start3A_71 : memref<64x256xf32, #tpu.memory_space<hbm>>) target_semaphore(%arg11 : memref<!tpu.dma_semaphore, #tpu.memory_space<semaphore_mem>>)
    }
    %scan3A_32 = arith.constant 32 : i32
    %dma_wait3A = arith.constant 0 : i32
    %dma_wait3A_33 = arith.constant 0 : i32
    %dma_wait3A_34 = tpu.memref_slice %arg9[%dma_wait3A, %dma_wait3A_33] : memref<128x256xf32, #tpu.memory_space<vmem>> -> memref<64x256xf32, #tpu.memory_space<vmem>>
    %dma_wait3A_35 = arith.constant 0 : i32
    %dma_wait3A_36 = tpu.memref_slice %arg5[%mul3A_2, %dma_wait3A_35] : memref<65536x256xf32, #tpu.memory_space<hbm>> -> memref<64x256xf32, #tpu.memory_space<hbm>>
    %dma_wait3A_37 = arith.constant 0 : i32
    %dma_wait3A_38 = tpu.memref_slice %arg5[%mul3A_2, %dma_wait3A_37] : memref<65536x256xf32, #tpu.memory_space<hbm>> -> memref<64x256xf32, #tpu.memory_space<hbm>>
    %dma_wait3A_39 = arith.constant 0 : i32
    %dma_wait3A_40 = arith.constant 0 : i32
    %dma_wait3A_41 = tpu.memref_slice %arg9[%dma_wait3A_39, %dma_wait3A_40] : memref<128x256xf32, #tpu.memory_space<vmem>> -> memref<64x256xf32, #tpu.memory_space<vmem>>
    tpu.wait_dma2 semaphore(%arg11 : memref<!tpu.dma_semaphore, #tpu.memory_space<semaphore_mem>>) src(%dma_wait3A_41 : memref<64x256xf32, #tpu.memory_space<vmem>>) dst(%dma_wait3A_38 : memref<64x256xf32, #tpu.memory_space<hbm>>)
    %dma_wait3A_42 = arith.constant 64 : i32
    %dma_wait3A_43 = arith.constant 0 : i32
    %dma_wait3A_44 = tpu.memref_slice %arg9[%dma_wait3A_42, %dma_wait3A_43] : memref<128x256xf32, #tpu.memory_space<vmem>> -> memref<64x256xf32, #tpu.memory_space<vmem>>
    %dma_wait3A_45 = arith.constant 0 : i32
    %dma_wait3A_46 = tpu.memref_slice %arg5[%mul3A_2, %dma_wait3A_45] : memref<65536x256xf32, #tpu.memory_space<hbm>> -> memref<64x256xf32, #tpu.memory_space<hbm>>
    %dma_wait3A_47 = arith.constant 0 : i32
    %dma_wait3A_48 = tpu.memref_slice %arg5[%mul3A_2, %dma_wait3A_47] : memref<65536x256xf32, #tpu.memory_space<hbm>> -> memref<64x256xf32, #tpu.memory_space<hbm>>
    %dma_wait3A_49 = arith.constant 64 : i32
    %dma_wait3A_50 = arith.constant 0 : i32
    %dma_wait3A_51 = tpu.memref_slice %arg9[%dma_wait3A_49, %dma_wait3A_50] : memref<128x256xf32, #tpu.memory_space<vmem>> -> memref<64x256xf32, #tpu.memory_space<vmem>>
    tpu.wait_dma2 semaphore(%arg11 : memref<!tpu.dma_semaphore, #tpu.memory_space<semaphore_mem>>) src(%dma_wait3A_51 : memref<64x256xf32, #tpu.memory_space<vmem>>) dst(%dma_wait3A_48 : memref<64x256xf32, #tpu.memory_space<hbm>>)
    return
  }
}

</mosaic_0001>

<sc_bundles>
// kernel: kernel.3.cloned.1.call-start
scs
__scs_entry_jumppad:
0x0: {  	(pc) =	sbr.rel $0x88, $3  }
0x1: {  	(tag) =	ssettag $0x0;
	lr =	simm.s32 $0x1  }
0x2: {  	[smem:$0x3F9E] =	sst lr;
	_ =	strace $0xD0000000  }
0x3: {  	_ = 	snop  }
0x4: {  	_ = 	snop  }
0x5: {  	_ = 	snop  }
0x6: {  	_ = 	snop  }
0x7: {  	_ = 	snop  }
__scs_overlays_trampoline_lowered:
0x8: {  	[smem:$0x3FAD] =	sst s0  }
0x9: {  	[smem:$0x3FAE] =	sst s1  }
0xa: {  	[smem:$0x3FAF] =	sst s2  }
0xb: {  	[smem:$0x3FB0] =	sst s3  }
0xc: {  	[smem:$0x3FB1] =	sst s4  }
0xd: {  	[smem:$0x3FB2] =	sst s5  }
0xe: {  	[smem:$0x3FB3] =	sst s6  }
0xf: {  	[smem:$0x3FB4] =	sst s7  }
0x10: {  	[smem:$0x3FB5] =	sst s8  }
0x11: {  	[smem:$0x3FB6] =	sst s9;
	s0 =	simm.s32 @!p0 $0x0  }
0x12: {  	s1 =	sld [smem:$0x3F9C];
	s0 =	simm.s32 @p0 $0x1  }
0x13: {  	[smem:$0x3FB7] =	sst s0;
	s0 =	simm.s32 @!p1 $0x0  }
0x14: {  	s2 =	sld [smem:$0x3F9B];
	s0 =	simm.s32 @p1 $0x1  }
0x15: {  	[smem:$0x3FB8] =	sst s0;
	s0 =	simm.s32 @!p2 $0x0  }
0x16: {  	s3 =	sld [smem:$0x3FDB];
	s0 =	simm.s32 @p2 $0x1  }
0x17: {  	s4 =	simm.s32 $0x1BF5;
	[smem:$0x3FBA] =	sst s0  }
0x18: {  	s0 =	sld [smem:$0x3F9D];
	_ =	swait.ge [sflag:s4], $0x0  }
0x19: {  	s7 =	sld [smem:$0x3F9E]  }
0x1a: {  	s8 =	sadd.s32 $0xFFFFE003, lr  }
0x1b: {  	s9 =	sadd.s32 $0xFFFFFEF7, lr;
	s5 =	simm.s32 $0xFFFFFFFF;
	p2 =	slt.u32 s8, $0xFFFFF086  }
0x1c: {  	p1 =	slt.u32 s9, $0xF7A;
	s5 =	simm.s32 @!p2 $0x0  }
0x1d: {  	s5 =	simm.s32 @p1 $0x1;
	p0 =	seq.s32 s7, s2  }
0x1e: {  	s7 =	smul.u32 @!p0 $0xF7A, s2;
	p2 =	seq.s32 @!p0 s5, $0x0  }
0x1f: {  	s9 =	smul.u32 $0xF7A, s1;
	s8 =	simm.s32 @!p0 $0x1BF5;
	p2 =	por !p2, p0  }
0x20: {  	[sflag:s8] =	ssyncset.s32 @!p0 $0xFFFFF086;
	s6 =	sadd.s32 @!p0 s3, s7;
	s7 =	simm.s32 @!p0 $0x108  }
0x21: {  	s3 =	sadd.s32 s3, s9;
	s6 =	sadd.s32 @!p0 $0x88, s6;
	s7 =	simm.s32 @p2 $0x1082  }
0x22: {  	[simem:s7], [sflag:s8] =	dma.local @!p0 [hbm:s6], $0xF7A  }
0x23: {  	s9 =	sor.u32 $0xD0000000, s2;
	s6 =	simm.s32 $0x108;
	_ =	swait.ge @!p0 [sflag:s8], $0x0  }
0x24: {  	s3 =	sadd.s32 $0x88, s3;
	s6 =	simm.s32 @!p1 $0x1082;
	[sflag:s4] =	ssyncset.s32 $0xFFFFF086  }
0x25: {  	[simem:s6], [sflag:s4] =	dma.local [hbm:s3], $0xF7A  }
0x26: {  	[smem:$0x3F9E] =	sst s1;
	(tag) =	ssettag s2;
	_ =	strace s9  }
0x27: {  	s1 =	sld [smem:$0x3FAE]  }
0x28: {  	s2 =	sld [smem:$0x3FAF]  }
0x29: {  	s4 =	sld [smem:$0x3FB1]  }
0x2a: {  	p0 =	seq.s32 s5, $0x0;
	s5 =	sld [smem:$0x3FB2]  }
0x2b: {  	s6 =	sld [smem:$0x3FB3]  }
0x2c: {  	s7 =	sld [smem:$0x3FB4]  }
0x2d: {  	s3 =	simm.s32 $0x108;
	s8 =	sld [smem:$0x3FB5]  }
0x2e: {  	s3 =	simm.s32 @!p0 $0x1082;
	s9 =	sld [smem:$0x3FB6]  }
0x2f: {  	lr =	sadd.s32 s0, s3;
	s0 =	sld [smem:$0x3FAD]  }
0x30: {  	s3 =	sld [smem:$0x3FB0]  }
0x31: {  	[smem:$0x3FB9] =	sst s10  }
0x32: {  	s10 =	sld [smem:$0x3FB7];
	_ =	sdelay $0x3  }
0x33: {  	p0 =	seq.s32 s10, $0x1;
	s10 =	sld [smem:$0x3FB9];
	_ =	sdelay $0x3  }
0x34: {  	[smem:$0x3FB9] =	sst s10  }
0x35: {  	s10 =	sld [smem:$0x3FB8];
	_ =	sdelay $0x3  }
0x36: {  	p1 =	seq.s32 s10, $0x1;
	s10 =	sld [smem:$0x3FB9];
	_ =	sdelay $0x3  }
0x37: {  	[smem:$0x3FB9] =	sst s10  }
0x38: {  	s10 =	sld [smem:$0x3FBA]  }
0x39: {  	_ = 	snop;
	(pc) =	sbr.ind lr, $3  }
0x3a: {  	_ = 	snop  }
0x3b: {  	_ = 	snop  }
0x3c: {  	p2 =	seq.s32 s10, $0x1;
	s10 =	sld [smem:$0x3FB9]  }
0x3d: {  	_ =	shalt  }
0x3e: {  	_ =	shalt  }
0x3f: {  	_ =	shalt  }
0x40: {  	_ =	shalt  }
0x41: {  	_ =	shalt  }
0x42: {  	_ =	shalt  }
0x43: {  	_ =	shalt  }
0x44: {  	_ =	shalt  }
0x45: {  	_ =	shalt  }
0x46: {  	_ =	shalt  }
0x47: {  	_ =	shalt  }
0x48: {  	_ =	shalt  }
0x49: {  	_ =	shalt  }
0x4a: {  	_ =	shalt  }
0x4b: {  	_ =	shalt  }
0x4c: {  	_ =	shalt  }
0x4d: {  	_ =	shalt  }
0x4e: {  	_ =	shalt  }
0x4f: {  	_ =	shalt  }
0x50: {  	_ =	shalt  }
0x51: {  	_ =	shalt  }
0x52: {  	_ =	shalt  }
0x53: {  	_ =	shalt  }
0x54: {  	_ =	shalt  }
0x55: {  	_ =	shalt  }
0x56: {  	_ =	shalt  }
0x57: {  	_ =	shalt  }
0x58: {  	_ =	shalt  }
0x59: {  	_ =	shalt  }
0x5a: {  	_ =	shalt  }
0x5b: {  	_ =	shalt  }
0x5c: {  	_ =	shalt  }
0x5d: {  	_ =	shalt  }
0x5e: {  	_ =	shalt  }
0x5f: {  	_ =	shalt  }
0x60: {  	_ =	shalt  }
0x61: {  	_ =	shalt  }
0x62: {  	_ =	shalt  }
0x63: {  	_ =	shalt  }
0x64: {  	_ =	shalt  }
0x65: {  	_ =	shalt  }
0x66: {  	_ =	shalt  }
0x67: {  	_ =	shalt  }
0x68: {  	_ =	shalt  }
0x69: {  	_ =	shalt  }
0x6a: {  	_ =	shalt  }
0x6b: {  	_ =	shalt  }
0x6c: {  	_ =	shalt  }
0x6d: {  	_ =	shalt  }
0x6e: {  	_ =	shalt  }
0x6f: {  	_ =	shalt  }
0x70: {  	_ =	shalt  }
0x71: {  	_ =	shalt  }
0x72: {  	_ =	shalt  }
0x73: {  	_ =	shalt  }
0x74: {  	_ =	shalt  }
0x75: {  	_ =	shalt  }
0x76: {  	_ =	shalt  }
0x77: {  	_ =	shalt  }
0x78: {  	_ =	shalt  }
0x79: {  	_ =	shalt  }
0x7a: {  	_ =	shalt  }
0x7b: {  	_ =	shalt  }
0x7c: {  	_ =	shalt  }
0x7d: {  	_ =	shalt  }
0x7e: {  	_ =	shalt  }
0x7f: {  	_ =	shalt  }
0x80: {  	_ =	shalt  }
0x81: {  	_ =	shalt  }
0x82: {  	_ =	shalt  }
0x83: {  	_ =	shalt  }
0x84: {  	_ =	shalt  }
0x85: {  	_ =	shalt  }
0x86: {  	_ =	shalt  }
0x87: {  	_ =	shalt  }
.Lfunc_end0:
.L_simem_size_0:
called_computation_lowered:
.L_overlay_start_0:
0x88: {  	s2 =	sld [smem:$0x3FD9]  }
0x89: {  	s3 =	sld [smem:$0x3FFE];
	_ =	sdelay $0x1  }
0x8a: {  	s1 =	srdreg.scid  }
0x8b: {  	s0 =	sand.u32 $0x1, s1  }
0x8c: {  	s17 =	sshll.u32 s0, $0xA;
	s2 =	sadd.s32 s3, s2  }
0x8d: {  	s2 =	sadd.s32 s2, s17  }
0x8e: {  	[smem:$0x3FC5] =	sst s2  }
0x8f: {  	_ = 	snop  }
0x90: {  	s2 =	sld [smem:$0x3FC8]  }
0x91: {  	s18 =	sld [smem:$0x3FC7]  }
0x92: {  	s4 =	sld [smem:$0x3FD0];
	(tm) =	ssettm $0x1  }
0x93: {  	s5 =	sld [smem:$0x3FFB];
	_ =	sdelay $0x3  }
0x94: {  	_ =	strace s5  }
0x95: {  	s5 =	sld [smem:$0x3FFC];
	_ =	sdelay $0x3  }
0x96: {  	_ =	strace s5  }
0x97: {  	s5 =	sld [smem:$0x3FFD];
	_ =	sdelay $0x3  }
0x98: {  	_ =	strace s5  }
0x99: {  	_ =	strace $0x8FFFFFFF  }
0x9a: {  	s19 =	sld [smem:$0x3FDB];
	_ =	sdelay $0x1  }
0x9b: {  	s6 =	simm.s32 $_scs_section_size  }
0x9c: {  	s7 =	simm.s32 $_size__tile_overlayer_lowered;
	s8 =	simm.s32 $_tile_overlayer_lowered  }
0x9d: {  	s22 =	simm.s32 $0x1BFF;
	s21 =	sshll.u32 s8, $0x1;
	s5 =	sadd.s32 s6, s19  }
0x9e: {  	s9 =	simm.s32 $0x0;
	s20 =	sshll.u32 s7, $0x1;
	s7 =	sadd.s32 s21, s5  }
0x9f: {  	[timem:s9], [sflag:s22] =	dma.local [hbm:s7], s20  }
0xa0: {  	_ =	swait.ge [sflag:s22], s20  }
0xa1: {  	s6 =	ssub.s32 $0x0, s20;
	[sflag:s22] =	ssyncset.done $0x0  }
0xa2: {  	[sflag:s22] =	ssyncadd.s32 s6;
	_ =	sdelay $0x1  }
0xa3: {  	s23 =	simm.s32 $0x1B8B  }
0xa4: {  	_ =	swait.ge [sflag:s23], $0x1  }
0xa5: {  	[sflag:s23] =	ssyncset.done $0x0  }
0xa6: {  	s25 =	simm.s32 $0x1B8E;
	s24 =	sld [smem:$0x3FFE];
	[sflag:s23] =	ssyncadd.s32 $0xFFFFFFFF  }
0xa7: {  	s26 =	simm.s32 $execute0_lowered;
	[smem:$0x3FD2] =	sst s25  }
0xa8: {  	s7 =	sshll.u32 s26, $0x1;
	_ =	strace $0x80000046;
	[dreg:$0x1] =	wrdreg $0xFFFFFFFF  }
0xa9: {  	s28 =	simm.s32 $_size_execute0_lowered;
	s5 =	sadd.s32 s5, s7;
	[dreg:$0x0] =	wrdreg $0x0  }
0xaa: {  	s7 =	sshll.u32 s28, $0x1;
	[dreg:$0x2] =	wrdreg s5  }
0xab: {  	[dreg:$0x3] =	wrdreg s7  }
0xac: {  	[dreg:$0x4] =	wrdreg $0xC0  }
0xad: {  	_ =	task [dreg:s9], $0x5FFFF  }
0xae: {  	[dreg:$0x1] =	wrdreg $0xFFFFFFFF  }
0xaf: {  	[dreg:$0x0] =	wrdreg $0x60  }
0xb0: {  	[dreg:$0x2] =	wrdreg s24  }
0xb1: {  	[dreg:$0x3] =	wrdreg s2  }
0xb2: {  	[dreg:$0x4] =	wrdreg s18  }
0xb3: {  	[dreg:$0x5] =	wrdreg s4  }
0xb4: {  	[dreg:$0x6] =	wrdreg $0x9  }
0xb5: {  	_ =	task.clear_ibuf [dreg:s9], $0x7FFFF;
	_ =	strace $0x90000046  }
0xb6: {  	s29 =	simm.s32 $0x9;
	_ =	strace $0x80000048  }
0xb7: {  	_ =	swait.ge [sflag:s29], $0x1  }
0xb8: {  	[sflag:s29] =	ssyncadd.s32 $0xFFFFFFFF  }
0xb9: {  	_ =	strace $0x90000048  }
0xba: {  	_ =	sfence  }
0xbb: {  	s30 =	sld [smem:$0x0];
	_ =	sdelay $0x2  }
0xbc: {  	s31 =	sshll.u32 s1, $0xD;
	s1 =	sshrl.u32 s1, $0x2  }
0xbd: {  	s3 =	sand.u32 $0x4000, s31;
	s1 =	sadd.s32 s1, s30  }
0xbe: {  	s0 =	sor.u32 s3, s0;
	s1 =	sshll.u32 s1, $0x11  }
0xbf: {  	s0 =	sor.u32 s1, s0  }
0xc0: {  	s0 =	sadd.s32 $0x8F2B, s0  }
0xc1: {  	[sflag:s0] =	ssyncadd.remote.s32 $0x1  }
0xc2: {  	_ =	sfence.sel $0xFFFF  }
0xc3: {  	[dreg:$0x0] =	wrdreg $0xFFFFFFFF;
	(pc) =	sbr.abs _section_cstart, $3  }
0xc4: {  	[dreg:$0x1] =	wrdreg $0xFFFFFFFF  }
0xc5: {  	_ =	task.clear_ibuf [dreg:s9], $0x2FFFF;
	_ =	strace $0x9FFFFFFF  }
0xc6: {  	(tm) =	ssettm $0x7FFFFFFF  }
0xc7: {  	_ =	shalt  }
tec
execute0_lowered:
.L_overlay_start_1:
0x0: {  	(tag) =	ssettag $0x1  }
0x1: {  	s0 =	rddreg [dreg:$0x0];
	s1 =	srdreg.scid  }
0x2: {  	s3 =	stileid.u32;
	s2 =	rddreg [dreg:$0x3]  }
0x3: {  	s4 =	simm.s32 $0x0;
	s9 =	simm.s32 $0x3;
	s10 =	simm.s32 $0x4008  }
0x4: {  	s11 =	simm.s32 $0x4000;
	s12 =	simm.s32 $0x1;
	s13 =	simm.s32 $0x2  }
0x5: {  	s14 =	simm.s32 $0x0;
	s1 =	sand.u32 $0x1, s1;
	s5 =	sshll.u32 s3, $0x1  }
0x6: {  	[smem:$0x7FF] =	sst s4;
	s5 =	sor.u32 s1, s5;
	s1 =	ssub.s32 $0x2, s1  }
0x7: {  	_ =	strace $0x80000047;
	s6 =	sshll.u32 s5, $0xB;
	s30 =	sshrl.u32 s1, $0x1  }
0x8: {  	v0 =	vimm.f32 $-9.999999680e+37;
	s31 =	sshll.u32 s5, $0x10;
	s0 =	sadd.s32 s6, s0;
	s1 =	ssub.s32 s1, s30  }
0x9: {  	v1 =	vimm.f32 $9.999999680e+37;
	v2 =	vimm.s32 $0x0;
	v3 =	vimm.s32 $0xFFFFFFFD;
	s6 =	sadd.s32 s2, s31;
	s5 =	sadd.s32 $0x400, s0;
	s7 =	smax.u32 s1, $0x1  }
.LBB2_1:
0xa: {  	s0 =	rddreg [dreg:$0x2];
	s1 =	simm.s32 $0x4180  }
0xb: {  	[tilespmem:s1], [sflag:$0x1] =	stream.linear.gather [hbm4b:s0+s4], $0x10000, $0x38;
	[tilespmem:$0x1C180] =	vst v63  }
0xc: {  	_ = 	snop  }
0xd: {  	[tilespmem:s4], [sflag:$0x3] =	stream.linear.gather [hbm4b:s5+s4], $0x4000, $0x38;
	[tilespmem:$0x1C180] =	vst v63  }
0xe: {  	_ =	swait.ge [sflag:s9], $0x4000  }
0xf: {  	[sflag:s9] =	ssyncset.done $0x0  }
0x10: {  	[sflag:s9] =	ssyncadd.s32 $0xFFFFC000  }
0x11: {  	[tilespmem:$0x4000] =	vst v0  }
0x12: {  	[tilespmem:$0x4100] =	vst v1  }
0x13: {  	[tilespmem:$0x4110] =	vst v1;
	s29 =	rddreg [dreg:$0x1]  }
0x14: {  	[tilespmem:s10], [sflag:$0x3] =	stream.linear.gather [hbm4b:s29+s4], $0xFF, $0x38;
	[tilespmem:$0x1C180] =	vst v63  }
0x15: {  	_ =	swait.ge [sflag:s9], $0xFF  }
0x16: {  	[sflag:s9] =	ssyncset.done $0x0  }
0x17: {  	[sflag:s9] =	ssyncadd.s32 $0xFFFFFF01  }
0x18: {  	v4 =	vld [tilespmem:$0x4008]  }
0x19: {  	v5 =	vld [tilespmem:$0x40F8];
	_ =	sdelay $0x3  }
0x1a: {  	(v2sf) =	vpush v4, $0x0  }
0x1b: {  	(v2sf) =	vpush v5, $0xE;
	_ =	sdelay $0xd  }
0x1c: {  	s30 =	spop (v2sf)  }
0x1d: {  	s31 =	spop (v2sf)  }
0x1e: {  	s0 =	scvt.s32.f32 s30;
	s1 =	scvt.s32.f32 s31  }
0x1f: {  	_ = 	snop  }
0x20: {  	s1 =	ssub.f32 s1, s0;
	_ =	sdelay $0x1  }
0x21: {  	v4 =	vmov s1  }
0x22: {  	(erf) = vrcp.f32 v4;
	_ =	sdelay $0x8  }
0x23: {  	s2 =	simm.s32 $0x0;
	v4 =	vpop (erf)  }
0x24: {  	v5 =	vmov s0;
	s0 =	simm.s32 $0x200;
	v6 =	vmul.f32 $2.540000000e+02, v4;
	v4 =	vld [tilespmem:s2+$0x0]  }
.LBB2_2:
0x25: {  	p0 =	sne.s32 s0, $0xFE00;
	_ =	sdelay $0x3  }
0x26: {  	v7 =	vcvt.s32.f32 v4;
	_ =	sdelay $0x1  }
0x27: {  	v7 =	vsub.f32 v7, v5;
	_ =	sdelay $0x1  }
0x28: {  	v7 =	vmul.f32 v7, v6;
	_ =	sdelay $0x1  }
0x29: {  	v7 =	vadd.f32 $5.000000000e-01, v7;
	_ =	sdelay $0x1  }
0x2a: {  	v7 =	vtrunc.f32 v7  }
0x2b: {  	v7 =	vcvt.f32.s32 v7;
	_ =	sdelay $0x1  }
0x2c: {  	vm0 =	vgt.s32 v7, $0x0  }
0x2d: {  	v7 =	vnsel vm0, $0x0, v7  }
0x2e: {  	v7 =	vmin.u32 v7, $0xFF  }
0x2f: {  	v8 =	vadd.s32 $0x5, v7  }
0x30: {  	v9 =	vadd.s32 $0x6, v7  }
0x31: {  	v10 =	vadd.s32 $0x7, v7  }
0x32: {  	v11 =	vadd.s32 $0x8, v7  }
0x33: {  	v12 =	vadd.s32 $0x9, v7  }
0x34: {  	v8 =	vld.idx.msk [tilespmem:v8+s11+$0x0], $0xffff  }
0x35: {  	v13 =	vadd.s32 $0xA, v7;
	v9 =	vld.idx.msk [tilespmem:v9+s11+$0x0], $0xffff  }
0x36: {  	v10 =	vld.idx.msk [tilespmem:v10+s11+$0x0], $0xffff  }
0x37: {  	v11 =	vld.idx.msk [tilespmem:v11+s11+$0x0], $0xffff  }
0x38: {  	v12 =	vld.idx.msk [tilespmem:v12+s11+$0x0], $0xffff;
	_ =	sdelay $0x1  }
0x39: {  	v13 =	vld.idx.msk [tilespmem:v13+s11+$0x0], $0xffff  }
0x3a: {  	vm0 =	vlt.f32 v8, v4;
	vm1 =	vlt.f32 v9, v4  }
0x3b: {  	v9 =	vsel vm0, $0xFFFFFFFE, v3;
	v8 =	vsel vm1, $0x1, v2;
	vm1 =	vlt.f32 v10, v4  }
0x3c: {  	v10 =	vsel vm1, $0x1, v2;
	vm0 =	vlt.f32 v11, v4;
	v8 =	vadd.s32 v8, v9  }
0x3d: {  	v9 =	vsel vm0, $0x1, v2;
	vm0 =	vlt.f32 v12, v4;
	v8 =	vadd.s32 v10, v8  }
0x3e: {  	v10 =	vsel vm0, $0x1, v2;
	v8 =	vadd.s32 v9, v8  }
.Ltmp0:
0x3f: {  	vm0 =	vlt.f32 v13, v4;
	v4 =	vadd.s32 v10, v8;
	(pc) =	sbr.rel @p0 .LBB2_2-.Ltmp0, $4  }
0x40: {  	v8 =	vsel vm0, $0x1, v2;
	v4 =	vadd.s32 v7, v4  }
0x41: {  	v4 =	vadd.s32 v8, v4  }
0x42: {  	[tilespmem:s2+$0x0] =	vst v4;
	s2 =	sshra.s32 s0, $0x2  }
0x43: {  	s0 =	sadd.s32 $0x200, s0;
	v4 =	vld [tilespmem:s2+$0x0]  }
0x44: {  	_ =	sdelay $0x3  }
0x45: {  	v7 =	vcvt.s32.f32 v4;
	_ =	sdelay $0x1  }
0x46: {  	v5 =	vsub.f32 v7, v5;
	_ =	sdelay $0x1  }
0x47: {  	v5 =	vmul.f32 v5, v6;
	_ =	sdelay $0x1  }
0x48: {  	v5 =	vadd.f32 $5.000000000e-01, v5;
	_ =	sdelay $0x1  }
0x49: {  	v5 =	vtrunc.f32 v5  }
0x4a: {  	v5 =	vcvt.f32.s32 v5;
	_ =	sdelay $0x1  }
0x4b: {  	vm0 =	vgt.s32 v5, $0x0  }
0x4c: {  	v5 =	vnsel vm0, $0x0, v5  }
0x4d: {  	v5 =	vmin.u32 v5, $0xFF  }
0x4e: {  	v57 =	vadd.s32 $0x5, v5  }
0x4f: {  	v58 =	vadd.s32 $0x6, v5  }
0x50: {  	v8 =	vadd.s32 $0x7, v5  }
0x51: {  	v9 =	vadd.s32 $0x8, v5  }
0x52: {  	v10 =	vadd.s32 $0x9, v5  }
0x53: {  	v6 =	vld.idx.msk [tilespmem:v57+s11+$0x0], $0xffff  }
0x54: {  	v11 =	vadd.s32 $0xA, v5;
	v7 =	vld.idx.msk [tilespmem:v58+s11+$0x0], $0xffff  }
0x55: {  	v8 =	vld.idx.msk [tilespmem:v8+s11+$0x0], $0xffff  }
0x56: {  	v9 =	vld.idx.msk [tilespmem:v9+s11+$0x0], $0xffff  }
0x57: {  	v10 =	vld.idx.msk [tilespmem:v10+s11+$0x0], $0xffff;
	_ =	sdelay $0x1  }
0x58: {  	v11 =	vld.idx.msk [tilespmem:v11+s11+$0x0], $0xffff;
	vm11 =	vlt.f32 v6, v4;
	vm1 =	vlt.f32 v7, v4  }
0x59: {  	vm12 =	vlt.f32 v8, v4;
	v59 =	vsel vm1, $0x1, v2;
	v60 =	vsel vm11, $0xFFFFFFFE, v3  }
0x5a: {  	vm13 =	vlt.f32 v9, v4;
	v8 =	vsel vm12, $0x1, v2;
	v6 =	vadd.s32 v59, v60  }
0x5b: {  	vm14 =	vlt.f32 v10, v4;
	v61 =	vsel vm13, $0x1, v2;
	v6 =	vadd.s32 v8, v6  }
0x5c: {  	v62 =	vsel vm14, $0x1, v2;
	v6 =	vadd.s32 v61, v6  }
0x5d: {  	vm15 =	vlt.f32 v11, v4;
	v4 =	vadd.s32 v62, v6  }
0x5e: {  	v63 =	vsel vm15, $0x1, v2;
	v4 =	vadd.s32 v5, v4  }
0x5f: {  	v4 =	vadd.s32 v63, v4  }
0x60: {  	[tilespmem:s2+$0x0] =	vst v4  }
0x61: {  	_ =	swait.ge [sflag:s12], $0x10000  }
0x62: {  	[sflag:s12] =	ssyncset.done $0x0  }
0x63: {  	s15 =	simm.s32 $0x0;
	[sflag:s12] =	ssyncadd.s32 $0xFFFF0000  }
.LBB2_4:
0x64: {  	p0 =	slt.u32 s15, $0x2;
	s16 =	sshll.u32 s15, $0xB  }
0x65: {  	s1 =	sshll.u32 s15, $0xE;
	s0 =	simm.s32 @!p0 $0x2;
	s2 =	sshrl.u32 s16, $0x2  }
0x66: {  	s1 =	sand.u32 $0x4000, s1;
	_ =	swait.ge @!p0 [sflag:s0], $0x4000;
	v4 =	vmov s2  }
0x67: {  	s17 =	sadd.s32 $0x14180, s1;
	[sflag:s0] =	ssyncset.done @!p0 $0x0  }
0x68: {  	s18 =	simm.s32 $0x0;
	v5 =	vmov s17;
	[sflag:s0] =	ssyncadd.s32 @!p0 $0xFFFFC000  }
.LBB2_5:
0x69: {  	s0 =	sshll.u32 s18, $0x7  }
0x6a: {  	s0 =	sand.u32 $0x3FFFFF80, s0  }
0x6b: {  	v6 =	vld.idx.msk [tilespmem:v4+s0+$0x0 ss:$0x1], $0xffff;
	_ =	sdelay $0x4  }
0x6c: {  	(v2sf) =	vpush v6, $0x0  }
0x6d: {  	(v2sf) =	vpush v6, $0x1  }
0x6e: {  	(v2sf) =	vpush v6, $0x2  }
0x6f: {  	(v2sf) =	vpush v6, $0x3  }
0x70: {  	(v2sf) =	vpush v6, $0x4  }
0x71: {  	(v2sf) =	vpush v6, $0x5  }
0x72: {  	(v2sf) =	vpush v6, $0x6  }
0x73: {  	(v2sf) =	vpush v6, $0x7  }
0x74: {  	(v2sf) =	vpush v6, $0x8  }
0x75: {  	(v2sf) =	vpush v6, $0x9  }
0x76: {  	(v2sf) =	vpush v6, $0xA  }
0x77: {  	(v2sf) =	vpush v6, $0xB  }
0x78: {  	(v2sf) =	vpush v6, $0xC  }
0x79: {  	(v2sf) =	vpush v6, $0xD  }
0x7a: {  	(v2sf) =	vpush v6, $0xE  }
0x7b: {  	s1 =	spop (v2sf);
	(v2sf) =	vpush v6, $0xF  }
0x7c: {  	s3 =	spop (v2sf);
	s2 =	sshll.u32 s1, $0x8;
	s0 =	sshll.u32 s1, $0x7  }
0x7d: {  	s1 =	spop (v2sf);
	s2 =	sand.u32 $0xFFFFF800, s2;
	s19 =	sand.u32 $0x380, s0  }
0x7e: {  	s0 =	spop (v2sf);
	s19 =	sor.u32 s19, s2  }
0x7f: {  	s2 =	spop (v2sf);
	v6 =	vld [tilespmem:s19+$0x4180]  }
0x80: {  	v7 =	vld [tilespmem:s19+$0x4190];
	s31 =	spop (v2sf)  }
0x81: {  	v8 =	vld [tilespmem:s19+$0x41A0];
	s30 =	spop (v2sf)  }
0x82: {  	v9 =	vld [tilespmem:s19+$0x41B0];
	s29 =	spop (v2sf)  }
0x83: {  	v10 =	vld [tilespmem:s19+$0x41C0];
	s28 =	spop (v2sf)  }
0x84: {  	v11 =	vld [tilespmem:s19+$0x41D0];
	s26 =	spop (v2sf)  }
0x85: {  	v12 =	vld [tilespmem:s19+$0x41E0];
	s25 =	spop (v2sf)  }
0x86: {  	v13 =	vld [tilespmem:s19+$0x41F0];
	s24 =	spop (v2sf)  }
0x87: {  	v14 =	vld [tilespmem:s19+$0x4580];
	s23 =	spop (v2sf)  }
0x88: {  	v15 =	vld [tilespmem:s19+$0x4590];
	s22 =	spop (v2sf)  }
0x89: {  	v16 =	vld [tilespmem:s19+$0x45A0];
	s21 =	spop (v2sf)  }
0x8a: {  	v17 =	vld [tilespmem:s19+$0x45B0];
	s20 =	spop (v2sf)  }
0x8b: {  	v18 =	vld [tilespmem:s19+$0x45C0]  }
0x8c: {  	v19 =	vld [tilespmem:s19+$0x45D0]  }
0x8d: {  	s8 =	sshll.u32 s18, $0xC;
	v20 =	vld [tilespmem:s19+$0x45E0]  }
0x8e: {  	v21 =	vld [tilespmem:s19+$0x45F0];
	s19 =	sand.u32 $0x3FFFF000, s8  }
0x8f: {  	[tilespmem:v5+s19+$0x0 ss:$0x1] =	vst.idx.msk $0xffff, v6  }
0x90: {  	[tilespmem:v5+s19+$0x400 ss:$0x1] =	vst.idx.msk $0xffff, v14  }
0x91: {  	[tilespmem:v5+s19+$0x10 ss:$0x1] =	vst.idx.msk $0xffff, v7  }
0x92: {  	[tilespmem:v5+s19+$0x410 ss:$0x1] =	vst.idx.msk $0xffff, v15  }
0x93: {  	[tilespmem:v5+s19+$0x20 ss:$0x1] =	vst.idx.msk $0xffff, v8  }
0x94: {  	[tilespmem:v5+s19+$0x420 ss:$0x1] =	vst.idx.msk $0xffff, v16  }
0x95: {  	[tilespmem:v5+s19+$0x30 ss:$0x1] =	vst.idx.msk $0xffff, v9  }
0x96: {  	[tilespmem:v5+s19+$0x430 ss:$0x1] =	vst.idx.msk $0xffff, v17  }
0x97: {  	[tilespmem:v5+s19+$0x40 ss:$0x1] =	vst.idx.msk $0xffff, v10  }
0x98: {  	[tilespmem:v5+s19+$0x440 ss:$0x1] =	vst.idx.msk $0xffff, v18  }
0x99: {  	[tilespmem:v5+s19+$0x50 ss:$0x1] =	vst.idx.msk $0xffff, v11  }
0x9a: {  	[tilespmem:v5+s19+$0x450 ss:$0x1] =	vst.idx.msk $0xffff, v19  }
0x9b: {  	[tilespmem:v5+s19+$0x60 ss:$0x1] =	vst.idx.msk $0xffff, v12  }
0x9c: {  	s8 =	sshll.u32 s3, $0x8;
	s3 =	sshll.u32 s3, $0x7;
	[tilespmem:v5+s19+$0x460 ss:$0x1] =	vst.idx.msk $0xffff, v20  }
0x9d: {  	s8 =	sand.u32 $0xFFFFF800, s8;
	s3 =	sand.u32 $0x380, s3;
	[tilespmem:v5+s19+$0x70 ss:$0x1] =	vst.idx.msk $0xffff, v13  }
0x9e: {  	s3 =	sor.u32 s3, s8;
	[tilespmem:v5+s19+$0x470 ss:$0x1] =	vst.idx.msk $0xffff, v21  }
0x9f: {  	v6 =	vld [tilespmem:s3+$0x4180]  }
0xa0: {  	v7 =	vld [tilespmem:s3+$0x4190]  }
0xa1: {  	v8 =	vld [tilespmem:s3+$0x41A0]  }
0xa2: {  	v9 =	vld [tilespmem:s3+$0x41B0]  }
0xa3: {  	v10 =	vld [tilespmem:s3+$0x41C0]  }
0xa4: {  	v11 =	vld [tilespmem:s3+$0x41D0]  }
0xa5: {  	v12 =	vld [tilespmem:s3+$0x41E0]  }
0xa6: {  	v13 =	vld [tilespmem:s3+$0x41F0]  }
0xa7: {  	v14 =	vld [tilespmem:s3+$0x4580]  }
0xa8: {  	v15 =	vld [tilespmem:s3+$0x4590]  }
0xa9: {  	v16 =	vld [tilespmem:s3+$0x45A0]  }
0xaa: {  	v17 =	vld [tilespmem:s3+$0x45B0]  }
0xab: {  	v18 =	vld [tilespmem:s3+$0x45C0]  }
0xac: {  	v19 =	vld [tilespmem:s3+$0x45D0]  }
0xad: {  	v20 =	vld [tilespmem:s3+$0x45E0]  }
0xae: {  	v21 =	vld [tilespmem:s3+$0x45F0];
	[tilespmem:v5+s19+$0x80 ss:$0x1] =	vst.idx.msk $0xffff, v6  }
0xaf: {  	[tilespmem:v5+s19+$0x480 ss:$0x1] =	vst.idx.msk $0xffff, v14  }
0xb0: {  	[tilespmem:v5+s19+$0x90 ss:$0x1] =	vst.idx.msk $0xffff, v7  }
0xb1: {  	[tilespmem:v5+s19+$0x490 ss:$0x1] =	vst.idx.msk $0xffff, v15  }
0xb2: {  	[tilespmem:v5+s19+$0xA0 ss:$0x1] =	vst.idx.msk $0xffff, v8  }
0xb3: {  	[tilespmem:v5+s19+$0x4A0 ss:$0x1] =	vst.idx.msk $0xffff, v16  }
0xb4: {  	[tilespmem:v5+s19+$0xB0 ss:$0x1] =	vst.idx.msk $0xffff, v9  }
0xb5: {  	[tilespmem:v5+s19+$0x4B0 ss:$0x1] =	vst.idx.msk $0xffff, v17  }
0xb6: {  	[tilespmem:v5+s19+$0xC0 ss:$0x1] =	vst.idx.msk $0xffff, v10  }
0xb7: {  	[tilespmem:v5+s19+$0x4C0 ss:$0x1] =	vst.idx.msk $0xffff, v18  }
0xb8: {  	[tilespmem:v5+s19+$0xD0 ss:$0x1] =	vst.idx.msk $0xffff, v11  }
0xb9: {  	[tilespmem:v5+s19+$0x4D0 ss:$0x1] =	vst.idx.msk $0xffff, v19  }
0xba: {  	[tilespmem:v5+s19+$0xE0 ss:$0x1] =	vst.idx.msk $0xffff, v12  }
0xbb: {  	s8 =	sshll.u32 s1, $0x8;
	s1 =	sshll.u32 s1, $0x7;
	[tilespmem:v5+s19+$0x4E0 ss:$0x1] =	vst.idx.msk $0xffff, v20  }
0xbc: {  	s1 =	sand.u32 $0x380, s1;
	s3 =	sand.u32 $0xFFFFF800, s8;
	[tilespmem:v5+s19+$0xF0 ss:$0x1] =	vst.idx.msk $0xffff, v13  }
0xbd: {  	s1 =	sor.u32 s1, s3;
	[tilespmem:v5+s19+$0x4F0 ss:$0x1] =	vst.idx.msk $0xffff, v21  }
0xbe: {  	v6 =	vld [tilespmem:s1+$0x4180]  }
0xbf: {  	v7 =	vld [tilespmem:s1+$0x4190]  }
0xc0: {  	v8 =	vld [tilespmem:s1+$0x41A0]  }
0xc1: {  	v9 =	vld [tilespmem:s1+$0x41B0]  }
0xc2: {  	v10 =	vld [tilespmem:s1+$0x41C0]  }
0xc3: {  	v11 =	vld [tilespmem:s1+$0x41D0]  }
0xc4: {  	v12 =	vld [tilespmem:s1+$0x41E0]  }
0xc5: {  	v13 =	vld [tilespmem:s1+$0x41F0]  }
0xc6: {  	v14 =	vld [tilespmem:s1+$0x4580]  }
0xc7: {  	v15 =	vld [tilespmem:s1+$0x4590]  }
0xc8: {  	v16 =	vld [tilespmem:s1+$0x45A0]  }
0xc9: {  	v17 =	vld [tilespmem:s1+$0x45B0]  }
0xca: {  	v18 =	vld [tilespmem:s1+$0x45C0]  }
0xcb: {  	v19 =	vld [tilespmem:s1+$0x45D0]  }
0xcc: {  	v20 =	vld [tilespmem:s1+$0x45E0]  }
0xcd: {  	v21 =	vld [tilespmem:s1+$0x45F0];
	[tilespmem:v5+s19+$0x100 ss:$0x1] =	vst.idx.msk $0xffff, v6  }
0xce: {  	[tilespmem:v5+s19+$0x500 ss:$0x1] =	vst.idx.msk $0xffff, v14  }
0xcf: {  	[tilespmem:v5+s19+$0x110 ss:$0x1] =	vst.idx.msk $0xffff, v7  }
0xd0: {  	[tilespmem:v5+s19+$0x510 ss:$0x1] =	vst.idx.msk $0xffff, v15  }
0xd1: {  	[tilespmem:v5+s19+$0x120 ss:$0x1] =	vst.idx.msk $0xffff, v8  }
0xd2: {  	[tilespmem:v5+s19+$0x520 ss:$0x1] =	vst.idx.msk $0xffff, v16  }
0xd3: {  	[tilespmem:v5+s19+$0x130 ss:$0x1] =	vst.idx.msk $0xffff, v9  }
0xd4: {  	[tilespmem:v5+s19+$0x530 ss:$0x1] =	vst.idx.msk $0xffff, v17  }
0xd5: {  	[tilespmem:v5+s19+$0x140 ss:$0x1] =	vst.idx.msk $0xffff, v10  }
0xd6: {  	[tilespmem:v5+s19+$0x540 ss:$0x1] =	vst.idx.msk $0xffff, v18  }
0xd7: {  	[tilespmem:v5+s19+$0x150 ss:$0x1] =	vst.idx.msk $0xffff, v11  }
0xd8: {  	[tilespmem:v5+s19+$0x550 ss:$0x1] =	vst.idx.msk $0xffff, v19  }
0xd9: {  	[tilespmem:v5+s19+$0x160 ss:$0x1] =	vst.idx.msk $0xffff, v12  }
0xda: {  	s8 =	sshll.u32 s0, $0x8;
	s0 =	sshll.u32 s0, $0x7;
	[tilespmem:v5+s19+$0x560 ss:$0x1] =	vst.idx.msk $0xffff, v20  }
0xdb: {  	s0 =	sand.u32 $0x380, s0;
	s1 =	sand.u32 $0xFFFFF800, s8;
	[tilespmem:v5+s19+$0x170 ss:$0x1] =	vst.idx.msk $0xffff, v13  }
0xdc: {  	s0 =	sor.u32 s0, s1;
	[tilespmem:v5+s19+$0x570 ss:$0x1] =	vst.idx.msk $0xffff, v21  }
0xdd: {  	v6 =	vld [tilespmem:s0+$0x4180]  }
0xde: {  	v7 =	vld [tilespmem:s0+$0x4190]  }
0xdf: {  	v8 =	vld [tilespmem:s0+$0x41A0]  }
0xe0: {  	v9 =	vld [tilespmem:s0+$0x41B0]  }
0xe1: {  	v10 =	vld [tilespmem:s0+$0x41C0]  }
0xe2: {  	v11 =	vld [tilespmem:s0+$0x41D0]  }
0xe3: {  	v12 =	vld [tilespmem:s0+$0x41E0]  }
0xe4: {  	v13 =	vld [tilespmem:s0+$0x41F0]  }
0xe5: {  	v14 =	vld [tilespmem:s0+$0x4580]  }
0xe6: {  	v15 =	vld [tilespmem:s0+$0x4590]  }
0xe7: {  	v16 =	vld [tilespmem:s0+$0x45A0]  }
0xe8: {  	v17 =	vld [tilespmem:s0+$0x45B0]  }
0xe9: {  	v18 =	vld [tilespmem:s0+$0x45C0]  }
0xea: {  	v19 =	vld [tilespmem:s0+$0x45D0]  }
0xeb: {  	v20 =	vld [tilespmem:s0+$0x45E0]  }
0xec: {  	v21 =	vld [tilespmem:s0+$0x45F0];
	[tilespmem:v5+s19+$0x180 ss:$0x1] =	vst.idx.msk $0xffff, v6  }
0xed: {  	[tilespmem:v5+s19+$0x580 ss:$0x1] =	vst.idx.msk $0xffff, v14  }
0xee: {  	[tilespmem:v5+s19+$0x190 ss:$0x1] =	vst.idx.msk $0xffff, v7  }
0xef: {  	[tilespmem:v5+s19+$0x590 ss:$0x1] =	vst.idx.msk $0xffff, v15  }
0xf0: {  	[tilespmem:v5+s19+$0x1A0 ss:$0x1] =	vst.idx.msk $0xffff, v8  }
0xf1: {  	[tilespmem:v5+s19+$0x5A0 ss:$0x1] =	vst.idx.msk $0xffff, v16  }
0xf2: {  	[tilespmem:v5+s19+$0x1B0 ss:$0x1] =	vst.idx.msk $0xffff, v9  }
0xf3: {  	[tilespmem:v5+s19+$0x5B0 ss:$0x1] =	vst.idx.msk $0xffff, v17  }
0xf4: {  	[tilespmem:v5+s19+$0x1C0 ss:$0x1] =	vst.idx.msk $0xffff, v10  }
0xf5: {  	[tilespmem:v5+s19+$0x5C0 ss:$0x1] =	vst.idx.msk $0xffff, v18  }
0xf6: {  	[tilespmem:v5+s19+$0x1D0 ss:$0x1] =	vst.idx.msk $0xffff, v11  }
0xf7: {  	[tilespmem:v5+s19+$0x5D0 ss:$0x1] =	vst.idx.msk $0xffff, v19  }
0xf8: {  	[tilespmem:v5+s19+$0x1E0 ss:$0x1] =	vst.idx.msk $0xffff, v12  }
0xf9: {  	s3 =	sshll.u32 s2, $0x8;
	s8 =	sshll.u32 s2, $0x7;
	[tilespmem:v5+s19+$0x5E0 ss:$0x1] =	vst.idx.msk $0xffff, v20  }
0xfa: {  	s1 =	sand.u32 $0x380, s8;
	s0 =	sand.u32 $0xFFFFF800, s3;
	[tilespmem:v5+s19+$0x1F0 ss:$0x1] =	vst.idx.msk $0xffff, v13  }
0xfb: {  	s0 =	sor.u32 s1, s0;
	[tilespmem:v5+s19+$0x5F0 ss:$0x1] =	vst.idx.msk $0xffff, v21  }
0xfc: {  	v6 =	vld [tilespmem:s0+$0x4180]  }
0xfd: {  	v7 =	vld [tilespmem:s0+$0x4190]  }
0xfe: {  	v8 =	vld [tilespmem:s0+$0x41A0]  }
0xff: {  	v9 =	vld [tilespmem:s0+$0x41B0]  }
0x100: {  	v10 =	vld [tilespmem:s0+$0x41C0]  }
0x101: {  	v11 =	vld [tilespmem:s0+$0x41D0]  }
0x102: {  	v12 =	vld [tilespmem:s0+$0x41E0]  }
0x103: {  	v13 =	vld [tilespmem:s0+$0x41F0]  }
0x104: {  	v14 =	vld [tilespmem:s0+$0x4580]  }
0x105: {  	v15 =	vld [tilespmem:s0+$0x4590]  }
0x106: {  	v16 =	vld [tilespmem:s0+$0x45A0]  }
0x107: {  	v17 =	vld [tilespmem:s0+$0x45B0]  }
0x108: {  	v18 =	vld [tilespmem:s0+$0x45C0]  }
0x109: {  	v19 =	vld [tilespmem:s0+$0x45D0]  }
0x10a: {  	v20 =	vld [tilespmem:s0+$0x45E0]  }
0x10b: {  	v21 =	vld [tilespmem:s0+$0x45F0];
	[tilespmem:v5+s19+$0x200 ss:$0x1] =	vst.idx.msk $0xffff, v6  }
0x10c: {  	[tilespmem:v5+s19+$0x600 ss:$0x1] =	vst.idx.msk $0xffff, v14  }
0x10d: {  	[tilespmem:v5+s19+$0x210 ss:$0x1] =	vst.idx.msk $0xffff, v7  }
0x10e: {  	[tilespmem:v5+s19+$0x610 ss:$0x1] =	vst.idx.msk $0xffff, v15  }
0x10f: {  	[tilespmem:v5+s19+$0x220 ss:$0x1] =	vst.idx.msk $0xffff, v8  }
0x110: {  	[tilespmem:v5+s19+$0x620 ss:$0x1] =	vst.idx.msk $0xffff, v16  }
0x111: {  	[tilespmem:v5+s19+$0x230 ss:$0x1] =	vst.idx.msk $0xffff, v9  }
0x112: {  	[tilespmem:v5+s19+$0x630 ss:$0x1] =	vst.idx.msk $0xffff, v17  }
0x113: {  	[tilespmem:v5+s19+$0x240 ss:$0x1] =	vst.idx.msk $0xffff, v10  }
0x114: {  	[tilespmem:v5+s19+$0x640 ss:$0x1] =	vst.idx.msk $0xffff, v18  }
0x115: {  	[tilespmem:v5+s19+$0x250 ss:$0x1] =	vst.idx.msk $0xffff, v11  }
0x116: {  	[tilespmem:v5+s19+$0x650 ss:$0x1] =	vst.idx.msk $0xffff, v19  }
0x117: {  	[tilespmem:v5+s19+$0x260 ss:$0x1] =	vst.idx.msk $0xffff, v12  }
0x118: {  	s2 =	sshll.u32 s31, $0x8;
	s3 =	sshll.u32 s31, $0x7;
	[tilespmem:v5+s19+$0x660 ss:$0x1] =	vst.idx.msk $0xffff, v20  }
0x119: {  	s1 =	sand.u32 $0x380, s3;
	s0 =	sand.u32 $0xFFFFF800, s2;
	[tilespmem:v5+s19+$0x270 ss:$0x1] =	vst.idx.msk $0xffff, v13  }
0x11a: {  	s0 =	sor.u32 s1, s0;
	[tilespmem:v5+s19+$0x670 ss:$0x1] =	vst.idx.msk $0xffff, v21  }
0x11b: {  	v6 =	vld [tilespmem:s0+$0x4180]  }
0x11c: {  	v7 =	vld [tilespmem:s0+$0x4190]  }
0x11d: {  	v8 =	vld [tilespmem:s0+$0x41A0]  }
0x11e: {  	v9 =	vld [tilespmem:s0+$0x41B0]  }
0x11f: {  	v10 =	vld [tilespmem:s0+$0x41C0]  }
0x120: {  	v11 =	vld [tilespmem:s0+$0x41D0]  }
0x121: {  	v12 =	vld [tilespmem:s0+$0x41E0]  }
0x122: {  	v13 =	vld [tilespmem:s0+$0x41F0]  }
0x123: {  	v14 =	vld [tilespmem:s0+$0x4580]  }
0x124: {  	v15 =	vld [tilespmem:s0+$0x4590]  }
0x125: {  	v16 =	vld [tilespmem:s0+$0x45A0]  }
0x126: {  	v17 =	vld [tilespmem:s0+$0x45B0]  }
0x127: {  	v18 =	vld [tilespmem:s0+$0x45C0]  }
0x128: {  	v19 =	vld [tilespmem:s0+$0x45D0]  }
0x129: {  	v20 =	vld [tilespmem:s0+$0x45E0]  }
0x12a: {  	v21 =	vld [tilespmem:s0+$0x45F0];
	[tilespmem:v5+s19+$0x280 ss:$0x1] =	vst.idx.msk $0xffff, v6  }
0x12b: {  	[tilespmem:v5+s19+$0x680 ss:$0x1] =	vst.idx.msk $0xffff, v14  }
0x12c: {  	[tilespmem:v5+s19+$0x290 ss:$0x1] =	vst.idx.msk $0xffff, v7  }
0x12d: {  	[tilespmem:v5+s19+$0x690 ss:$0x1] =	vst.idx.msk $0xffff, v15  }
0x12e: {  	[tilespmem:v5+s19+$0x2A0 ss:$0x1] =	vst.idx.msk $0xffff, v8  }
0x12f: {  	[tilespmem:v5+s19+$0x6A0 ss:$0x1] =	vst.idx.msk $0xffff, v16  }
0x130: {  	[tilespmem:v5+s19+$0x2B0 ss:$0x1] =	vst.idx.msk $0xffff, v9  }
0x131: {  	[tilespmem:v5+s19+$0x6B0 ss:$0x1] =	vst.idx.msk $0xffff, v17  }
0x132: {  	[tilespmem:v5+s19+$0x2C0 ss:$0x1] =	vst.idx.msk $0xffff, v10  }
0x133: {  	[tilespmem:v5+s19+$0x6C0 ss:$0x1] =	vst.idx.msk $0xffff, v18  }
0x134: {  	[tilespmem:v5+s19+$0x2D0 ss:$0x1] =	vst.idx.msk $0xffff, v11  }
0x135: {  	[tilespmem:v5+s19+$0x6D0 ss:$0x1] =	vst.idx.msk $0xffff, v19  }
0x136: {  	[tilespmem:v5+s19+$0x2E0 ss:$0x1] =	vst.idx.msk $0xffff, v12  }
0x137: {  	s8 =	sshll.u32 s30, $0x8;
	s31 =	sshll.u32 s30, $0x7;
	[tilespmem:v5+s19+$0x6E0 ss:$0x1] =	vst.idx.msk $0xffff, v20  }
0x138: {  	s1 =	sand.u32 $0x380, s31;
	s0 =	sand.u32 $0xFFFFF800, s8;
	[tilespmem:v5+s19+$0x2F0 ss:$0x1] =	vst.idx.msk $0xffff, v13  }
0x139: {  	s0 =	sor.u32 s1, s0;
	[tilespmem:v5+s19+$0x6F0 ss:$0x1] =	vst.idx.msk $0xffff, v21  }
0x13a: {  	v6 =	vld [tilespmem:s0+$0x4180]  }
0x13b: {  	v7 =	vld [tilespmem:s0+$0x4190]  }
0x13c: {  	v8 =	vld [tilespmem:s0+$0x41A0]  }
0x13d: {  	v9 =	vld [tilespmem:s0+$0x41B0]  }
0x13e: {  	v10 =	vld [tilespmem:s0+$0x41C0]  }
0x13f: {  	v11 =	vld [tilespmem:s0+$0x41D0]  }
0x140: {  	v12 =	vld [tilespmem:s0+$0x41E0]  }
0x141: {  	v13 =	vld [tilespmem:s0+$0x41F0]  }
0x142: {  	v14 =	vld [tilespmem:s0+$0x4580]  }
0x143: {  	v15 =	vld [tilespmem:s0+$0x4590]  }
0x144: {  	v16 =	vld [tilespmem:s0+$0x45A0]  }
0x145: {  	v17 =	vld [tilespmem:s0+$0x45B0]  }
0x146: {  	v18 =	vld [tilespmem:s0+$0x45C0]  }
0x147: {  	v19 =	vld [tilespmem:s0+$0x45D0]  }
0x148: {  	v20 =	vld [tilespmem:s0+$0x45E0]  }
0x149: {  	v21 =	vld [tilespmem:s0+$0x45F0];
	[tilespmem:v5+s19+$0x300 ss:$0x1] =	vst.idx.msk $0xffff, v6  }
0x14a: {  	[tilespmem:v5+s19+$0x700 ss:$0x1] =	vst.idx.msk $0xffff, v14  }
0x14b: {  	[tilespmem:v5+s19+$0x310 ss:$0x1] =	vst.idx.msk $0xffff, v7  }
0x14c: {  	[tilespmem:v5+s19+$0x710 ss:$0x1] =	vst.idx.msk $0xffff, v15  }
0x14d: {  	[tilespmem:v5+s19+$0x320 ss:$0x1] =	vst.idx.msk $0xffff, v8  }
0x14e: {  	[tilespmem:v5+s19+$0x720 ss:$0x1] =	vst.idx.msk $0xffff, v16  }
0x14f: {  	[tilespmem:v5+s19+$0x330 ss:$0x1] =	vst.idx.msk $0xffff, v9  }
0x150: {  	[tilespmem:v5+s19+$0x730 ss:$0x1] =	vst.idx.msk $0xffff, v17  }
0x151: {  	[tilespmem:v5+s19+$0x340 ss:$0x1] =	vst.idx.msk $0xffff, v10  }
0x152: {  	[tilespmem:v5+s19+$0x740 ss:$0x1] =	vst.idx.msk $0xffff, v18  }
0x153: {  	[tilespmem:v5+s19+$0x350 ss:$0x1] =	vst.idx.msk $0xffff, v11  }
0x154: {  	[tilespmem:v5+s19+$0x750 ss:$0x1] =	vst.idx.msk $0xffff, v19  }
0x155: {  	[tilespmem:v5+s19+$0x360 ss:$0x1] =	vst.idx.msk $0xffff, v12  }
0x156: {  	s2 =	sshll.u32 s29, $0x7;
	s1 =	sshll.u32 s29, $0x8;
	[tilespmem:v5+s19+$0x760 ss:$0x1] =	vst.idx.msk $0xffff, v20  }
0x157: {  	s0 =	sand.u32 $0xFFFFF800, s1;
	s1 =	sand.u32 $0x380, s2;
	[tilespmem:v5+s19+$0x370 ss:$0x1] =	vst.idx.msk $0xffff, v13  }
0x158: {  	s0 =	sor.u32 s1, s0;
	[tilespmem:v5+s19+$0x770 ss:$0x1] =	vst.idx.msk $0xffff, v21  }
0x159: {  	v6 =	vld [tilespmem:s0+$0x4180]  }
0x15a: {  	v7 =	vld [tilespmem:s0+$0x4190]  }
0x15b: {  	v8 =	vld [tilespmem:s0+$0x41A0]  }
0x15c: {  	v9 =	vld [tilespmem:s0+$0x41B0]  }
0x15d: {  	v10 =	vld [tilespmem:s0+$0x41C0]  }
0x15e: {  	v11 =	vld [tilespmem:s0+$0x41D0]  }
0x15f: {  	v12 =	vld [tilespmem:s0+$0x41E0]  }
0x160: {  	v13 =	vld [tilespmem:s0+$0x41F0]  }
0x161: {  	v14 =	vld [tilespmem:s0+$0x4580]  }
0x162: {  	v15 =	vld [tilespmem:s0+$0x4590]  }
0x163: {  	v16 =	vld [tilespmem:s0+$0x45A0]  }
0x164: {  	v17 =	vld [tilespmem:s0+$0x45B0]  }
0x165: {  	v18 =	vld [tilespmem:s0+$0x45C0]  }
0x166: {  	v19 =	vld [tilespmem:s0+$0x45D0]  }
0x167: {  	v20 =	vld [tilespmem:s0+$0x45E0]  }
0x168: {  	v21 =	vld [tilespmem:s0+$0x45F0];
	[tilespmem:v5+s19+$0x380 ss:$0x1] =	vst.idx.msk $0xffff, v6  }
0x169: {  	[tilespmem:v5+s19+$0x780 ss:$0x1] =	vst.idx.msk $0xffff, v14  }
0x16a: {  	[tilespmem:v5+s19+$0x390 ss:$0x1] =	vst.idx.msk $0xffff, v7  }
0x16b: {  	[tilespmem:v5+s19+$0x790 ss:$0x1] =	vst.idx.msk $0xffff, v15  }
0x16c: {  	[tilespmem:v5+s19+$0x3A0 ss:$0x1] =	vst.idx.msk $0xffff, v8  }
0x16d: {  	[tilespmem:v5+s19+$0x7A0 ss:$0x1] =	vst.idx.msk $0xffff, v16  }
0x16e: {  	[tilespmem:v5+s19+$0x3B0 ss:$0x1] =	vst.idx.msk $0xffff, v9  }
0x16f: {  	[tilespmem:v5+s19+$0x7B0 ss:$0x1] =	vst.idx.msk $0xffff, v17  }
0x170: {  	[tilespmem:v5+s19+$0x3C0 ss:$0x1] =	vst.idx.msk $0xffff, v10  }
0x171: {  	[tilespmem:v5+s19+$0x7C0 ss:$0x1] =	vst.idx.msk $0xffff, v18  }
0x172: {  	[tilespmem:v5+s19+$0x3D0 ss:$0x1] =	vst.idx.msk $0xffff, v11  }
0x173: {  	[tilespmem:v5+s19+$0x7D0 ss:$0x1] =	vst.idx.msk $0xffff, v19  }
0x174: {  	[tilespmem:v5+s19+$0x3E0 ss:$0x1] =	vst.idx.msk $0xffff, v12  }
0x175: {  	s3 =	sshll.u32 s28, $0x8;
	s8 =	sshll.u32 s28, $0x7;
	[tilespmem:v5+s19+$0x7E0 ss:$0x1] =	vst.idx.msk $0xffff, v20  }
0x176: {  	s1 =	sand.u32 $0x380, s8;
	s0 =	sand.u32 $0xFFFFF800, s3;
	[tilespmem:v5+s19+$0x3F0 ss:$0x1] =	vst.idx.msk $0xffff, v13  }
0x177: {  	s0 =	sor.u32 s1, s0;
	[tilespmem:v5+s19+$0x7F0 ss:$0x1] =	vst.idx.msk $0xffff, v21  }
0x178: {  	v6 =	vld [tilespmem:s0+$0x4180]  }
0x179: {  	v7 =	vld [tilespmem:s0+$0x4190]  }
0x17a: {  	v8 =	vld [tilespmem:s0+$0x41A0]  }
0x17b: {  	v9 =	vld [tilespmem:s0+$0x41B0]  }
0x17c: {  	v10 =	vld [tilespmem:s0+$0x41C0]  }
0x17d: {  	v11 =	vld [tilespmem:s0+$0x41D0]  }
0x17e: {  	v12 =	vld [tilespmem:s0+$0x41E0]  }
0x17f: {  	v13 =	vld [tilespmem:s0+$0x41F0]  }
0x180: {  	v14 =	vld [tilespmem:s0+$0x4580]  }
0x181: {  	v15 =	vld [tilespmem:s0+$0x4590]  }
0x182: {  	v16 =	vld [tilespmem:s0+$0x45A0]  }
0x183: {  	v17 =	vld [tilespmem:s0+$0x45B0]  }
0x184: {  	v18 =	vld [tilespmem:s0+$0x45C0]  }
0x185: {  	v19 =	vld [tilespmem:s0+$0x45D0]  }
0x186: {  	v20 =	vld [tilespmem:s0+$0x45E0]  }
0x187: {  	v21 =	vld [tilespmem:s0+$0x45F0];
	[tilespmem:v5+s19+$0x800 ss:$0x1] =	vst.idx.msk $0xffff, v6  }
0x188: {  	[tilespmem:v5+s19+$0xC00 ss:$0x1] =	vst.idx.msk $0xffff, v14  }
0x189: {  	[tilespmem:v5+s19+$0x810 ss:$0x1] =	vst.idx.msk $0xffff, v7  }
0x18a: {  	[tilespmem:v5+s19+$0xC10 ss:$0x1] =	vst.idx.msk $0xffff, v15  }
0x18b: {  	[tilespmem:v5+s19+$0x820 ss:$0x1] =	vst.idx.msk $0xffff, v8  }
0x18c: {  	[tilespmem:v5+s19+$0xC20 ss:$0x1] =	vst.idx.msk $0xffff, v16  }
0x18d: {  	[tilespmem:v5+s19+$0x830 ss:$0x1] =	vst.idx.msk $0xffff, v9  }
0x18e: {  	[tilespmem:v5+s19+$0xC30 ss:$0x1] =	vst.idx.msk $0xffff, v17  }
0x18f: {  	[tilespmem:v5+s19+$0x840 ss:$0x1] =	vst.idx.msk $0xffff, v10  }
0x190: {  	[tilespmem:v5+s19+$0xC40 ss:$0x1] =	vst.idx.msk $0xffff, v18  }
0x191: {  	[tilespmem:v5+s19+$0x850 ss:$0x1] =	vst.idx.msk $0xffff, v11  }
0x192: {  	[tilespmem:v5+s19+$0xC50 ss:$0x1] =	vst.idx.msk $0xffff, v19  }
0x193: {  	[tilespmem:v5+s19+$0x860 ss:$0x1] =	vst.idx.msk $0xffff, v12  }
0x194: {  	s28 =	sshll.u32 s26, $0x8;
	s29 =	sshll.u32 s26, $0x7;
	[tilespmem:v5+s19+$0xC60 ss:$0x1] =	vst.idx.msk $0xffff, v20  }
0x195: {  	s1 =	sand.u32 $0x380, s29;
	s0 =	sand.u32 $0xFFFFF800, s28;
	[tilespmem:v5+s19+$0x870 ss:$0x1] =	vst.idx.msk $0xffff, v13  }
0x196: {  	s0 =	sor.u32 s1, s0;
	[tilespmem:v5+s19+$0xC70 ss:$0x1] =	vst.idx.msk $0xffff, v21  }
0x197: {  	v6 =	vld [tilespmem:s0+$0x4180]  }
0x198: {  	v7 =	vld [tilespmem:s0+$0x4190]  }
0x199: {  	v8 =	vld [tilespmem:s0+$0x41A0]  }
0x19a: {  	v9 =	vld [tilespmem:s0+$0x41B0]  }
0x19b: {  	v10 =	vld [tilespmem:s0+$0x41C0]  }
0x19c: {  	v11 =	vld [tilespmem:s0+$0x41D0]  }
0x19d: {  	v12 =	vld [tilespmem:s0+$0x41E0]  }
0x19e: {  	v13 =	vld [tilespmem:s0+$0x41F0]  }
0x19f: {  	v14 =	vld [tilespmem:s0+$0x4580]  }
0x1a0: {  	v15 =	vld [tilespmem:s0+$0x4590]  }
0x1a1: {  	v16 =	vld [tilespmem:s0+$0x45A0]  }
0x1a2: {  	v17 =	vld [tilespmem:s0+$0x45B0]  }
0x1a3: {  	v18 =	vld [tilespmem:s0+$0x45C0]  }
0x1a4: {  	v19 =	vld [tilespmem:s0+$0x45D0]  }
0x1a5: {  	v20 =	vld [tilespmem:s0+$0x45E0]  }
0x1a6: {  	v21 =	vld [tilespmem:s0+$0x45F0];
	[tilespmem:v5+s19+$0x880 ss:$0x1] =	vst.idx.msk $0xffff, v6  }
0x1a7: {  	[tilespmem:v5+s19+$0xC80 ss:$0x1] =	vst.idx.msk $0xffff, v14  }
0x1a8: {  	[tilespmem:v5+s19+$0x890 ss:$0x1] =	vst.idx.msk $0xffff, v7  }
0x1a9: {  	[tilespmem:v5+s19+$0xC90 ss:$0x1] =	vst.idx.msk $0xffff, v15  }
0x1aa: {  	[tilespmem:v5+s19+$0x8A0 ss:$0x1] =	vst.idx.msk $0xffff, v8  }
0x1ab: {  	[tilespmem:v5+s19+$0xCA0 ss:$0x1] =	vst.idx.msk $0xffff, v16  }
0x1ac: {  	[tilespmem:v5+s19+$0x8B0 ss:$0x1] =	vst.idx.msk $0xffff, v9  }
0x1ad: {  	[tilespmem:v5+s19+$0xCB0 ss:$0x1] =	vst.idx.msk $0xffff, v17  }
0x1ae: {  	[tilespmem:v5+s19+$0x8C0 ss:$0x1] =	vst.idx.msk $0xffff, v10  }
0x1af: {  	[tilespmem:v5+s19+$0xCC0 ss:$0x1] =	vst.idx.msk $0xffff, v18  }
0x1b0: {  	[tilespmem:v5+s19+$0x8D0 ss:$0x1] =	vst.idx.msk $0xffff, v11  }
0x1b1: {  	[tilespmem:v5+s19+$0xCD0 ss:$0x1] =	vst.idx.msk $0xffff, v19  }
0x1b2: {  	[tilespmem:v5+s19+$0x8E0 ss:$0x1] =	vst.idx.msk $0xffff, v12  }
0x1b3: {  	s30 =	sshll.u32 s25, $0x8;
	s31 =	sshll.u32 s25, $0x7;
	[tilespmem:v5+s19+$0xCE0 ss:$0x1] =	vst.idx.msk $0xffff, v20  }
0x1b4: {  	s1 =	sand.u32 $0x380, s31;
	s0 =	sand.u32 $0xFFFFF800, s30;
	[tilespmem:v5+s19+$0x8F0 ss:$0x1] =	vst.idx.msk $0xffff, v13  }
0x1b5: {  	s0 =	sor.u32 s1, s0;
	[tilespmem:v5+s19+$0xCF0 ss:$0x1] =	vst.idx.msk $0xffff, v21  }
0x1b6: {  	v6 =	vld [tilespmem:s0+$0x4180]  }
0x1b7: {  	v7 =	vld [tilespmem:s0+$0x4190]  }
0x1b8: {  	v8 =	vld [tilespmem:s0+$0x41A0]  }
0x1b9: {  	v9 =	vld [tilespmem:s0+$0x41B0]  }
0x1ba: {  	v10 =	vld [tilespmem:s0+$0x41C0]  }
0x1bb: {  	v11 =	vld [tilespmem:s0+$0x41D0]  }
0x1bc: {  	v12 =	vld [tilespmem:s0+$0x41E0]  }
0x1bd: {  	v13 =	vld [tilespmem:s0+$0x41F0]  }
0x1be: {  	v14 =	vld [tilespmem:s0+$0x4580]  }
0x1bf: {  	v15 =	vld [tilespmem:s0+$0x4590]  }
0x1c0: {  	v16 =	vld [tilespmem:s0+$0x45A0]  }
0x1c1: {  	v17 =	vld [tilespmem:s0+$0x45B0]  }
0x1c2: {  	v18 =	vld [tilespmem:s0+$0x45C0]  }
0x1c3: {  	v19 =	vld [tilespmem:s0+$0x45D0]  }
0x1c4: {  	v20 =	vld [tilespmem:s0+$0x45E0]  }
0x1c5: {  	v21 =	vld [tilespmem:s0+$0x45F0];
	[tilespmem:v5+s19+$0x900 ss:$0x1] =	vst.idx.msk $0xffff, v6  }
0x1c6: {  	[tilespmem:v5+s19+$0xD00 ss:$0x1] =	vst.idx.msk $0xffff, v14  }
0x1c7: {  	[tilespmem:v5+s19+$0x910 ss:$0x1] =	vst.idx.msk $0xffff, v7  }
0x1c8: {  	[tilespmem:v5+s19+$0xD10 ss:$0x1] =	vst.idx.msk $0xffff, v15  }
0x1c9: {  	[tilespmem:v5+s19+$0x920 ss:$0x1] =	vst.idx.msk $0xffff, v8  }
0x1ca: {  	[tilespmem:v5+s19+$0xD20 ss:$0x1] =	vst.idx.msk $0xffff, v16  }
0x1cb: {  	[tilespmem:v5+s19+$0x930 ss:$0x1] =	vst.idx.msk $0xffff, v9  }
0x1cc: {  	[tilespmem:v5+s19+$0xD30 ss:$0x1] =	vst.idx.msk $0xffff, v17  }
0x1cd: {  	[tilespmem:v5+s19+$0x940 ss:$0x1] =	vst.idx.msk $0xffff, v10  }
0x1ce: {  	[tilespmem:v5+s19+$0xD40 ss:$0x1] =	vst.idx.msk $0xffff, v18  }
0x1cf: {  	[tilespmem:v5+s19+$0x950 ss:$0x1] =	vst.idx.msk $0xffff, v11  }
0x1d0: {  	[tilespmem:v5+s19+$0xD50 ss:$0x1] =	vst.idx.msk $0xffff, v19  }
0x1d1: {  	[tilespmem:v5+s19+$0x960 ss:$0x1] =	vst.idx.msk $0xffff, v12  }
0x1d2: {  	s2 =	sshll.u32 s24, $0x8;
	s3 =	sshll.u32 s24, $0x7;
	[tilespmem:v5+s19+$0xD60 ss:$0x1] =	vst.idx.msk $0xffff, v20  }
0x1d3: {  	s1 =	sand.u32 $0x380, s3;
	s0 =	sand.u32 $0xFFFFF800, s2;
	[tilespmem:v5+s19+$0x970 ss:$0x1] =	vst.idx.msk $0xffff, v13  }
0x1d4: {  	s0 =	sor.u32 s1, s0;
	[tilespmem:v5+s19+$0xD70 ss:$0x1] =	vst.idx.msk $0xffff, v21  }
0x1d5: {  	v6 =	vld [tilespmem:s0+$0x4180]  }
0x1d6: {  	v7 =	vld [tilespmem:s0+$0x4190]  }
0x1d7: {  	v8 =	vld [tilespmem:s0+$0x41A0]  }
0x1d8: {  	v9 =	vld [tilespmem:s0+$0x41B0]  }
0x1d9: {  	v10 =	vld [tilespmem:s0+$0x41C0]  }
0x1da: {  	v11 =	vld [tilespmem:s0+$0x41D0]  }
0x1db: {  	v12 =	vld [tilespmem:s0+$0x41E0]  }
0x1dc: {  	v13 =	vld [tilespmem:s0+$0x41F0]  }
0x1dd: {  	v14 =	vld [tilespmem:s0+$0x4580]  }
0x1de: {  	v15 =	vld [tilespmem:s0+$0x4590]  }
0x1df: {  	v16 =	vld [tilespmem:s0+$0x45A0]  }
0x1e0: {  	v17 =	vld [tilespmem:s0+$0x45B0]  }
0x1e1: {  	v18 =	vld [tilespmem:s0+$0x45C0]  }
0x1e2: {  	v19 =	vld [tilespmem:s0+$0x45D0]  }
0x1e3: {  	v20 =	vld [tilespmem:s0+$0x45E0]  }
0x1e4: {  	v21 =	vld [tilespmem:s0+$0x45F0];
	[tilespmem:v5+s19+$0x980 ss:$0x1] =	vst.idx.msk $0xffff, v6  }
0x1e5: {  	[tilespmem:v5+s19+$0xD80 ss:$0x1] =	vst.idx.msk $0xffff, v14  }
0x1e6: {  	[tilespmem:v5+s19+$0x990 ss:$0x1] =	vst.idx.msk $0xffff, v7  }
0x1e7: {  	[tilespmem:v5+s19+$0xD90 ss:$0x1] =	vst.idx.msk $0xffff, v15  }
0x1e8: {  	[tilespmem:v5+s19+$0x9A0 ss:$0x1] =	vst.idx.msk $0xffff, v8  }
0x1e9: {  	[tilespmem:v5+s19+$0xDA0 ss:$0x1] =	vst.idx.msk $0xffff, v16  }
0x1ea: {  	[tilespmem:v5+s19+$0x9B0 ss:$0x1] =	vst.idx.msk $0xffff, v9  }
0x1eb: {  	[tilespmem:v5+s19+$0xDB0 ss:$0x1] =	vst.idx.msk $0xffff, v17  }
0x1ec: {  	[tilespmem:v5+s19+$0x9C0 ss:$0x1] =	vst.idx.msk $0xffff, v10  }
0x1ed: {  	[tilespmem:v5+s19+$0xDC0 ss:$0x1] =	vst.idx.msk $0xffff, v18  }
0x1ee: {  	[tilespmem:v5+s19+$0x9D0 ss:$0x1] =	vst.idx.msk $0xffff, v11  }
0x1ef: {  	[tilespmem:v5+s19+$0xDD0 ss:$0x1] =	vst.idx.msk $0xffff, v19  }
0x1f0: {  	[tilespmem:v5+s19+$0x9E0 ss:$0x1] =	vst.idx.msk $0xffff, v12  }
0x1f1: {  	s8 =	sshll.u32 s23, $0x8;
	s24 =	sshll.u32 s23, $0x7;
	[tilespmem:v5+s19+$0xDE0 ss:$0x1] =	vst.idx.msk $0xffff, v20  }
0x1f2: {  	s1 =	sand.u32 $0x380, s24;
	s0 =	sand.u32 $0xFFFFF800, s8;
	[tilespmem:v5+s19+$0x9F0 ss:$0x1] =	vst.idx.msk $0xffff, v13  }
0x1f3: {  	s0 =	sor.u32 s1, s0;
	[tilespmem:v5+s19+$0xDF0 ss:$0x1] =	vst.idx.msk $0xffff, v21  }
0x1f4: {  	v6 =	vld [tilespmem:s0+$0x4180]  }
0x1f5: {  	v7 =	vld [tilespmem:s0+$0x4190]  }
0x1f6: {  	v8 =	vld [tilespmem:s0+$0x41A0]  }
0x1f7: {  	v9 =	vld [tilespmem:s0+$0x41B0]  }
0x1f8: {  	v10 =	vld [tilespmem:s0+$0x41C0]  }
0x1f9: {  	v11 =	vld [tilespmem:s0+$0x41D0]  }
0x1fa: {  	v12 =	vld [tilespmem:s0+$0x41E0]  }
0x1fb: {  	v13 =	vld [tilespmem:s0+$0x41F0]  }
0x1fc: {  	v14 =	vld [tilespmem:s0+$0x4580]  }
0x1fd: {  	v15 =	vld [tilespmem:s0+$0x4590]  }
0x1fe: {  	v16 =	vld [tilespmem:s0+$0x45A0]  }
0x1ff: {  	v17 =	vld [tilespmem:s0+$0x45B0]  }
0x200: {  	v18 =	vld [tilespmem:s0+$0x45C0]  }
0x201: {  	v19 =	vld [tilespmem:s0+$0x45D0]  }
0x202: {  	v20 =	vld [tilespmem:s0+$0x45E0]  }
0x203: {  	v21 =	vld [tilespmem:s0+$0x45F0];
	[tilespmem:v5+s19+$0xA00 ss:$0x1] =	vst.idx.msk $0xffff, v6  }
0x204: {  	[tilespmem:v5+s19+$0xE00 ss:$0x1] =	vst.idx.msk $0xffff, v14  }
0x205: {  	[tilespmem:v5+s19+$0xA10 ss:$0x1] =	vst.idx.msk $0xffff, v7  }
0x206: {  	[tilespmem:v5+s19+$0xE10 ss:$0x1] =	vst.idx.msk $0xffff, v15  }
0x207: {  	[tilespmem:v5+s19+$0xA20 ss:$0x1] =	vst.idx.msk $0xffff, v8  }
0x208: {  	[tilespmem:v5+s19+$0xE20 ss:$0x1] =	vst.idx.msk $0xffff, v16  }
0x209: {  	[tilespmem:v5+s19+$0xA30 ss:$0x1] =	vst.idx.msk $0xffff, v9  }
0x20a: {  	[tilespmem:v5+s19+$0xE30 ss:$0x1] =	vst.idx.msk $0xffff, v17  }
0x20b: {  	[tilespmem:v5+s19+$0xA40 ss:$0x1] =	vst.idx.msk $0xffff, v10  }
0x20c: {  	[tilespmem:v5+s19+$0xE40 ss:$0x1] =	vst.idx.msk $0xffff, v18  }
0x20d: {  	[tilespmem:v5+s19+$0xA50 ss:$0x1] =	vst.idx.msk $0xffff, v11  }
0x20e: {  	[tilespmem:v5+s19+$0xE50 ss:$0x1] =	vst.idx.msk $0xffff, v19  }
0x20f: {  	[tilespmem:v5+s19+$0xA60 ss:$0x1] =	vst.idx.msk $0xffff, v12  }
0x210: {  	s25 =	sshll.u32 s22, $0x8;
	s26 =	sshll.u32 s22, $0x7;
	[tilespmem:v5+s19+$0xE60 ss:$0x1] =	vst.idx.msk $0xffff, v20  }
0x211: {  	s1 =	sand.u32 $0x380, s26;
	s0 =	sand.u32 $0xFFFFF800, s25;
	[tilespmem:v5+s19+$0xA70 ss:$0x1] =	vst.idx.msk $0xffff, v13  }
0x212: {  	s0 =	sor.u32 s1, s0;
	[tilespmem:v5+s19+$0xE70 ss:$0x1] =	vst.idx.msk $0xffff, v21  }
0x213: {  	v6 =	vld [tilespmem:s0+$0x4180]  }
0x214: {  	v7 =	vld [tilespmem:s0+$0x4190]  }
0x215: {  	v8 =	vld [tilespmem:s0+$0x41A0]  }
0x216: {  	v9 =	vld [tilespmem:s0+$0x41B0]  }
0x217: {  	v10 =	vld [tilespmem:s0+$0x41C0]  }
0x218: {  	v11 =	vld [tilespmem:s0+$0x41D0]  }
0x219: {  	v12 =	vld [tilespmem:s0+$0x41E0]  }
0x21a: {  	v13 =	vld [tilespmem:s0+$0x41F0]  }
0x21b: {  	v14 =	vld [tilespmem:s0+$0x4580]  }
0x21c: {  	v15 =	vld [tilespmem:s0+$0x4590]  }
0x21d: {  	v16 =	vld [tilespmem:s0+$0x45A0]  }
0x21e: {  	v17 =	vld [tilespmem:s0+$0x45B0]  }
0x21f: {  	v18 =	vld [tilespmem:s0+$0x45C0]  }
0x220: {  	v19 =	vld [tilespmem:s0+$0x45D0]  }
0x221: {  	v20 =	vld [tilespmem:s0+$0x45E0]  }
0x222: {  	v21 =	vld [tilespmem:s0+$0x45F0];
	[tilespmem:v5+s19+$0xA80 ss:$0x1] =	vst.idx.msk $0xffff, v6  }
0x223: {  	[tilespmem:v5+s19+$0xE80 ss:$0x1] =	vst.idx.msk $0xffff, v14  }
0x224: {  	[tilespmem:v5+s19+$0xA90 ss:$0x1] =	vst.idx.msk $0xffff, v7  }
0x225: {  	[tilespmem:v5+s19+$0xE90 ss:$0x1] =	vst.idx.msk $0xffff, v15  }
0x226: {  	[tilespmem:v5+s19+$0xAA0 ss:$0x1] =	vst.idx.msk $0xffff, v8  }
0x227: {  	[tilespmem:v5+s19+$0xEA0 ss:$0x1] =	vst.idx.msk $0xffff, v16  }
0x228: {  	[tilespmem:v5+s19+$0xAB0 ss:$0x1] =	vst.idx.msk $0xffff, v9  }
0x229: {  	[tilespmem:v5+s19+$0xEB0 ss:$0x1] =	vst.idx.msk $0xffff, v17  }
0x22a: {  	[tilespmem:v5+s19+$0xAC0 ss:$0x1] =	vst.idx.msk $0xffff, v10  }
0x22b: {  	[tilespmem:v5+s19+$0xEC0 ss:$0x1] =	vst.idx.msk $0xffff, v18  }
0x22c: {  	[tilespmem:v5+s19+$0xAD0 ss:$0x1] =	vst.idx.msk $0xffff, v11  }
0x22d: {  	[tilespmem:v5+s19+$0xED0 ss:$0x1] =	vst.idx.msk $0xffff, v19  }
0x22e: {  	[tilespmem:v5+s19+$0xAE0 ss:$0x1] =	vst.idx.msk $0xffff, v12  }
0x22f: {  	s29 =	sshll.u32 s21, $0x7;
	s28 =	sshll.u32 s21, $0x8;
	[tilespmem:v5+s19+$0xEE0 ss:$0x1] =	vst.idx.msk $0xffff, v20  }
0x230: {  	s1 =	sand.u32 $0x380, s29;
	s0 =	sand.u32 $0xFFFFF800, s28;
	[tilespmem:v5+s19+$0xAF0 ss:$0x1] =	vst.idx.msk $0xffff, v13  }
0x231: {  	s0 =	sor.u32 s1, s0;
	[tilespmem:v5+s19+$0xEF0 ss:$0x1] =	vst.idx.msk $0xffff, v21  }
0x232: {  	v6 =	vld [tilespmem:s0+$0x4180]  }
0x233: {  	v7 =	vld [tilespmem:s0+$0x4190]  }
0x234: {  	v8 =	vld [tilespmem:s0+$0x41A0]  }
0x235: {  	v9 =	vld [tilespmem:s0+$0x41B0]  }
0x236: {  	v10 =	vld [tilespmem:s0+$0x41C0]  }
0x237: {  	v11 =	vld [tilespmem:s0+$0x41D0]  }
0x238: {  	v12 =	vld [tilespmem:s0+$0x41E0]  }
0x239: {  	v13 =	vld [tilespmem:s0+$0x41F0]  }
0x23a: {  	v14 =	vld [tilespmem:s0+$0x4580]  }
0x23b: {  	v15 =	vld [tilespmem:s0+$0x4590]  }
0x23c: {  	v16 =	vld [tilespmem:s0+$0x45A0]  }
0x23d: {  	v17 =	vld [tilespmem:s0+$0x45B0]  }
0x23e: {  	v18 =	vld [tilespmem:s0+$0x45C0]  }
0x23f: {  	v19 =	vld [tilespmem:s0+$0x45D0]  }
0x240: {  	v20 =	vld [tilespmem:s0+$0x45E0]  }
0x241: {  	v21 =	vld [tilespmem:s0+$0x45F0];
	[tilespmem:v5+s19+$0xB00 ss:$0x1] =	vst.idx.msk $0xffff, v6  }
0x242: {  	[tilespmem:v5+s19+$0xF00 ss:$0x1] =	vst.idx.msk $0xffff, v14  }
0x243: {  	[tilespmem:v5+s19+$0xB10 ss:$0x1] =	vst.idx.msk $0xffff, v7  }
0x244: {  	[tilespmem:v5+s19+$0xF10 ss:$0x1] =	vst.idx.msk $0xffff, v15  }
0x245: {  	[tilespmem:v5+s19+$0xB20 ss:$0x1] =	vst.idx.msk $0xffff, v8  }
0x246: {  	[tilespmem:v5+s19+$0xF20 ss:$0x1] =	vst.idx.msk $0xffff, v16  }
0x247: {  	[tilespmem:v5+s19+$0xB30 ss:$0x1] =	vst.idx.msk $0xffff, v9  }
0x248: {  	[tilespmem:v5+s19+$0xF30 ss:$0x1] =	vst.idx.msk $0xffff, v17  }
0x249: {  	[tilespmem:v5+s19+$0xB40 ss:$0x1] =	vst.idx.msk $0xffff, v10  }
0x24a: {  	[tilespmem:v5+s19+$0xF40 ss:$0x1] =	vst.idx.msk $0xffff, v18  }
0x24b: {  	[tilespmem:v5+s19+$0xB50 ss:$0x1] =	vst.idx.msk $0xffff, v11  }
0x24c: {  	[tilespmem:v5+s19+$0xF50 ss:$0x1] =	vst.idx.msk $0xffff, v19  }
0x24d: {  	[tilespmem:v5+s19+$0xB60 ss:$0x1] =	vst.idx.msk $0xffff, v12  }
0x24e: {  	s31 =	sshll.u32 s20, $0x7;
	s30 =	sshll.u32 s20, $0x8;
	[tilespmem:v5+s19+$0xF60 ss:$0x1] =	vst.idx.msk $0xffff, v20  }
0x24f: {  	s1 =	sand.u32 $0x380, s31;
	s0 =	sand.u32 $0xFFFFF800, s30;
	[tilespmem:v5+s19+$0xB70 ss:$0x1] =	vst.idx.msk $0xffff, v13  }
0x250: {  	s0 =	sor.u32 s1, s0;
	[tilespmem:v5+s19+$0xF70 ss:$0x1] =	vst.idx.msk $0xffff, v21  }
0x251: {  	v6 =	vld [tilespmem:s0+$0x4180]  }
0x252: {  	v7 =	vld [tilespmem:s0+$0x4190]  }
0x253: {  	v8 =	vld [tilespmem:s0+$0x41A0]  }
0x254: {  	v9 =	vld [tilespmem:s0+$0x41B0]  }
0x255: {  	v10 =	vld [tilespmem:s0+$0x41C0]  }
0x256: {  	v11 =	vld [tilespmem:s0+$0x41D0]  }
0x257: {  	v12 =	vld [tilespmem:s0+$0x41E0]  }
0x258: {  	v13 =	vld [tilespmem:s0+$0x41F0]  }
0x259: {  	v14 =	vld [tilespmem:s0+$0x4580]  }
0x25a: {  	v15 =	vld [tilespmem:s0+$0x4590]  }
0x25b: {  	v16 =	vld [tilespmem:s0+$0x45A0]  }
0x25c: {  	v17 =	vld [tilespmem:s0+$0x45B0]  }
0x25d: {  	v18 =	vld [tilespmem:s0+$0x45C0]  }
0x25e: {  	v19 =	vld [tilespmem:s0+$0x45D0]  }
0x25f: {  	v20 =	vld [tilespmem:s0+$0x45E0]  }
0x260: {  	v21 =	vld [tilespmem:s0+$0x45F0];
	[tilespmem:v5+s19+$0xB80 ss:$0x1] =	vst.idx.msk $0xffff, v6  }
0x261: {  	[tilespmem:v5+s19+$0xF80 ss:$0x1] =	vst.idx.msk $0xffff, v14  }
0x262: {  	[tilespmem:v5+s19+$0xB90 ss:$0x1] =	vst.idx.msk $0xffff, v7  }
0x263: {  	[tilespmem:v5+s19+$0xF90 ss:$0x1] =	vst.idx.msk $0xffff, v15  }
0x264: {  	[tilespmem:v5+s19+$0xBA0 ss:$0x1] =	vst.idx.msk $0xffff, v8  }
0x265: {  	[tilespmem:v5+s19+$0xFA0 ss:$0x1] =	vst.idx.msk $0xffff, v16  }
0x266: {  	[tilespmem:v5+s19+$0xBB0 ss:$0x1] =	vst.idx.msk $0xffff, v9  }
0x267: {  	[tilespmem:v5+s19+$0xFB0 ss:$0x1] =	vst.idx.msk $0xffff, v17  }
0x268: {  	[tilespmem:v5+s19+$0xBC0 ss:$0x1] =	vst.idx.msk $0xffff, v10  }
0x269: {  	[tilespmem:v5+s19+$0xFC0 ss:$0x1] =	vst.idx.msk $0xffff, v18  }
0x26a: {  	p0 =	sne.s32 s18, $0x3;
	[tilespmem:v5+s19+$0xBD0 ss:$0x1] =	vst.idx.msk $0xffff, v11  }
.Ltmp1:
0x26b: {  	[tilespmem:v5+s19+$0xFD0 ss:$0x1] =	vst.idx.msk $0xffff, v19;
	(pc) =	sbr.rel @p0 .LBB2_5-.Ltmp1, $4  }
0x26c: {  	[tilespmem:v5+s19+$0xBE0 ss:$0x1] =	vst.idx.msk $0xffff, v12  }
0x26d: {  	[tilespmem:v5+s19+$0xFE0 ss:$0x1] =	vst.idx.msk $0xffff, v20  }
0x26e: {  	[tilespmem:v5+s19+$0xBF0 ss:$0x1] =	vst.idx.msk $0xffff, v13  }
0x26f: {  	s18 =	sadd.s32 $0x1, s18;
	[tilespmem:v5+s19+$0xFF0 ss:$0x1] =	vst.idx.msk $0xffff, v21  }
0x270: {  	s15 =	sadd.s32 $0x1, s15  }
0x271: {  	p0 =	sne.s32 s15, $0x20  }
.Ltmp2:
0x272: {  	_ = 	snop;
	(pc) =	sbr.rel @p0 .LBB2_4-.Ltmp2, $3  }
0x273: {  	_ =	sdelay $0x1  }
0x274: {  	s0 =	sadd.s32 s16, s6  }
0x275: {  	[hbm4b:s0+s4] =	stream.linear.scatter [tilespmem:s17], [sflag:$0x2], $0x4000, $0x38;
	[tilespmem:$0x1C180] =	vst v63  }
0x276: {  	s14 =	sadd.s32 $0x1, s14  }
0x277: {  	_ =	swait.ge [sflag:s13], $0x4000;
	p0 =	sne.s32 s14, s7  }
.Ltmp3:
0x278: {  	[sflag:s13] =	ssyncset.done $0x0;
	(pc) =	sbr.rel @p0 .LBB2_1-.Ltmp3, $4  }
0x279: {  	[sflag:s13] =	ssyncadd.s32 $0xFFFFC000  }
0x27a: {  	_ =	swait.ge [sflag:s13], $0x4000  }
0x27b: {  	[sflag:s13] =	ssyncset.done $0x0  }
0x27c: {  	[sflag:s13] =	ssyncadd.s32 $0xFFFFC000  }
0x27d: {  	_ =	sfence.sel $0x180000  }
0x27e: {  	[bflag:$0x0] =	sbarrier.arrive $0xFFFF  }
0x27f: {  	_ =	strace $0x90000047  }
0x280: {  	s0 =	stileid.u32;
	[bflag:$0x2] =	sbarrier.arrive $0xFFFF  }
0x281: {  	p0 =	sne.s32 s0, $0x0;
	s0 =	rddreg [dreg:$0x4]  }
0x282: {  	s0 =	sadd.s32 @!p0 $0x100000, s0  }
0x283: {  	[sflag:s0] =	ssyncadd.tile.s32 @!p0 $0x1;
	_ =	shalt  }
.Lfunc_end2:
_tile_overlayer_lowered:
.L_overlay_start_2:
0x284: {  	(tag) =	ssettag $0x2  }
0x285: {  	s0 =	rddreg [dreg:$0x0];
	s2 =	stileid.u32  }
0x286: {  	s1 =	rddreg [dreg:$0x1];
	p0 =	sne.s32 s2, $0x0  }
0x287: {  	s3 =	rddreg [dreg:$0x2];
	[bflag:$0x3] =	sbarrier.arrive $0xFFFF;
	s2 =	simm.s32 @!p0 $0x1C03  }
0x288: {  	[timem:s3], [sflag:s2] =	dma.local @!p0 [hbm:s0], s1  }
0x289: {  	s0 =	simm.s32 @!p0 $0x3  }
0x28a: {  	_ =	swait.ge @!p0 [sflag:s0], s1  }
0x28b: {  	s1 =	ssub.s32 @!p0 $0x0, s1;
	[sflag:s0] =	ssyncset.done @!p0 $0x0  }
0x28c: {  	[sflag:s0] =	ssyncadd.s32 @!p0 s1  }
0x28d: {  	[bflag:$0x3] =	sbarrier.arrive $0xFFFF  }
0x28e: {  	_ =	shalt  }

</sc_bundles>
